<compile_context>
chip_gen: v7x
topology: tpu7x:2x2x1
jax: 0.10.2.dev20260603
libtpu: 0.0.44.dev20260713+nightly
codegen_flags: <defaults>
</compile_context>

<pallas_src>
import jax
import jax.numpy as jnp
from jax import lax
from jax.experimental import pallas as pl
from jax.experimental.pallas import tpu as pltpu
from jax.experimental.pallas import tpu_sc as plsc

N = 10000
D = 128
HD = D // 2
E = 320000
NC, NS = 2, 16
CHUNK = 128
CPW = 160
NP = 3
NB = 6
EPW = CPW * CHUNK
ACC_ROWS = 10112
RPT = ACC_ROWS // NS


def _sc_agg_body(feat_h, src_h, dst_h, zeros_h, out_h,
                 acc, src_v, dst_v, rows_all,
                 sem0, sem1, sem2, sem3, sem4, sem5):
    rows = tuple(rows_all.at[pl.ds(k * CHUNK, CHUNK)] for k in range(NB))
    sems = (sem0, sem1, sem2, sem3, sem4, sem5)
    c = lax.axis_index("c")
    s = lax.axis_index("s")
    pltpu.sync_copy(zeros_h, rows[0])
    for q in range(RPT // CHUNK):
        pltpu.sync_copy(rows[0], acc.at[pl.ds(s * RPT + q * CHUNK, CHUNK)])
    rem = RPT % CHUNK
    if rem:
        pltpu.sync_copy(rows[0].at[pl.ds(0, rem)],
                        acc.at[pl.ds(s * RPT + RPT - rem, rem)])
    pltpu.sync_copy(src_h.at[c, s], src_v)
    pltpu.sync_copy(dst_h.at[s], dst_v)
    plsc.subcore_barrier()

    def visit(j, p, k, reissue):
        b = 2 * p + k
        pltpu.make_async_copy(feat_h.at[src_v.at[j]], rows[b], sems[b]).wait()
        pltpu.sync_copy(rows[b], acc.at[dst_v.at[j]], add=True)
        if reissue:
            q = (p + 2) % NP
            pltpu.async_copy(feat_h.at[src_v.at[j + 4]],
                             rows[2 * q + k], sems[2 * q + k])

    for g in range(2):
        for k in range(2):
            b = 2 * g + k
            pltpu.async_copy(feat_h.at[src_v.at[2 * g + k]], rows[b], sems[b])

    def iteration(i, carry):
        for gg in range(NP):
            for k in range(2):
                visit(2 * (NP * i + gg) + k, gg, k, True)
        return carry

    n_groups = CPW // 2
    lax.fori_loop(0, (n_groups - 2) // NP, iteration, 0)
    for g in range(n_groups - 2, n_groups):
        for k in range(2):
            visit(2 * g + k, g % NP, k, False)

    plsc.subcore_barrier()
    for off, sz in ([(0, NB * CHUNK), (NB * CHUNK, RPT - NB * CHUNK)]
                    if RPT > NB * CHUNK else [(0, RPT)]):
        pltpu.sync_copy(acc.at[pl.ds(s * RPT + off, sz)],
                        rows_all.at[pl.ds(0, sz)])
        pltpu.sync_copy(rows_all.at[pl.ds(0, sz)],
                        out_h.at[c, pl.ds(s * RPT + off, sz)])


def _sc_agg(feat2, src4, dst3, zeros):
    mesh = plsc.VectorSubcoreMesh(
        core_axis_name="c", subcore_axis_name="s")
    fn = pl.kernel(
        _sc_agg_body,
        out_type=jax.ShapeDtypeStruct((NC, ACC_ROWS, HD), jnp.float32),
        mesh=mesh,
        scratch_types=[
            pltpu.VMEM_SHARED((ACC_ROWS, HD), jnp.float32),
            pltpu.VMEM((CPW, CHUNK), jnp.int32),
            pltpu.VMEM((CPW, CHUNK), jnp.int32),
            pltpu.VMEM((NB * CHUNK, HD), jnp.float32),
        ] + [pltpu.SemaphoreType.DMA] * NB,
        compiler_params=pltpu.CompilerParams(use_tc_tiling_on_sc=False),
    )
    return fn(feat2, src4, dst3, zeros)


def _tc_layer_body(split_in, split_out):
    def body(eps_r, x_r, agg_r, w1_r, b1_r, w2_r, b2_r, g_r, b_r, o_r):
        scale = 1.0 + eps_r[0, 0]
        if split_in:
            xv = jnp.concatenate([x_r[0], x_r[1]], axis=1)
        else:
            xv = x_r[...]
        agg = jnp.concatenate([agg_r[0, :N, :], agg_r[1, :N, :]], axis=1)
        h = scale * xv + agg
        h = jnp.dot(h, w1_r[...], preferred_element_type=jnp.float32,
                    precision=lax.Precision.DEFAULT) + b1_r[...]
        h = jnp.maximum(h, 0.0)
        h = jnp.dot(h, w2_r[...], preferred_element_type=jnp.float32,
                    precision=lax.Precision.DEFAULT) + b2_r[...]
        mu = jnp.mean(h, axis=0, keepdims=True)
        var = jnp.mean((h - mu) ** 2, axis=0, keepdims=True)
        o = (h - mu) * lax.rsqrt(var + 1e-5) * g_r[...] + b_r[...]
        o = jnp.maximum(o, 0.0)
        if split_out:
            o_r[0] = o[:, :HD]
            o_r[1] = o[:, HD:]
        else:
            o_r[...] = o
    return body


def _tc_layer(xin, agg, eps, w1, b1, w2, b2, g, b, split_in, split_out):
    vmem = pl.BlockSpec(memory_space=pltpu.VMEM)
    out_shape = (jax.ShapeDtypeStruct((NC, N, HD), jnp.float32) if split_out
                 else jax.ShapeDtypeStruct((N, D), jnp.float32))
    return pl.pallas_call(
        _tc_layer_body(split_in, split_out),
        out_shape=out_shape,
        in_specs=[pl.BlockSpec(memory_space=pltpu.SMEM)] + [vmem] * 8,
        out_specs=vmem,
    )(eps.reshape(1, 1), xin, agg, w1, b1.reshape(1, D), w2,
      b2.reshape(1, D), g.reshape(1, D), b.reshape(1, D))


def kernel(x, edge_index, eps1, W11, b11, W12, b12,
           eps2, W21, b21, W22, b22, bn1_g, bn1_b, bn2_g, bn2_b):
    src = edge_index[0].astype(jnp.int32)
    dst = edge_index[1].astype(jnp.int32)
    pad = EPW - E // NS
    src3 = jnp.pad(src.reshape(NS, E // NS), ((0, 0), (0, pad)))
    dst3 = jnp.pad(dst.reshape(NS, E // NS), ((0, 0), (0, pad)),
                   constant_values=N)
    src4 = jnp.stack([src3, src3 + N]).reshape(NC, NS, CPW, CHUNK)
    dst3 = dst3.reshape(NS, CPW, CHUNK)
    zeros = jnp.zeros((CHUNK, HD), jnp.float32)

    x2 = x.reshape(N, NC, HD).transpose(1, 0, 2).reshape(NC * N, HD)

    agg1 = _sc_agg(x2, src4, dst3, zeros)
    h1 = _tc_layer(x, agg1, eps1, W11, b11, W12, b12, bn1_g, bn1_b,
                   split_in=False, split_out=True)
    agg2 = _sc_agg(h1.reshape(NC * N, HD), src4, dst3, zeros)
    return _tc_layer(h1, agg2, eps2, W21, b21, W22, b22, bn2_g, bn2_b,
                     split_in=True, split_out=False)

# --- scband reference (transcript-rebuilt; emitter-appended) ---
"""Pipeline reference for scband-tiny-gin-18537078849981 (READ-ONLY COPY).

The authoritative reference and input builder live on the scoring server;
editing this copy changes nothing except your own understanding.
"""

import jax, jax.numpy as jnp
import numpy as np

N_NODES = 10000
N_EDGES = 320000
IN_DIM = 128
HIDDEN = 128


def setup_inputs(seed: int = 0) -> dict:
    key = jax.random.key(seed)
    ks = jax.random.split(key, 16)
    x = jax.random.normal(ks[0], (N_NODES, IN_DIM), dtype=jnp.float32)
    edge_index = jax.random.randint(ks[1], (2, N_EDGES), 0, N_NODES, dtype=jnp.int64)
    # conv1 MLP params (Linear: in_dim->hidden, hidden->hidden)
    W11 = jax.random.normal(ks[2], (IN_DIM, HIDDEN), dtype=jnp.float32) * (1.0 / np.sqrt(IN_DIM))
    b11 = jnp.zeros((HIDDEN,), dtype=jnp.float32)
    W12 = jax.random.normal(ks[3], (HIDDEN, HIDDEN), dtype=jnp.float32) * (1.0 / np.sqrt(HIDDEN))
    b12 = jnp.zeros((HIDDEN,), dtype=jnp.float32)
    eps1 = jnp.zeros((), dtype=jnp.float32)  # train_eps=True, init 0
    # conv2 MLP params
    W21 = jax.random.normal(ks[4], (HIDDEN, HIDDEN), dtype=jnp.float32) * (1.0 / np.sqrt(HIDDEN))
    b21 = jnp.zeros((HIDDEN,), dtype=jnp.float32)
    W22 = jax.random.normal(ks[5], (HIDDEN, HIDDEN), dtype=jnp.float32) * (1.0 / np.sqrt(HIDDEN))
    b22 = jnp.zeros((HIDDEN,), dtype=jnp.float32)
    eps2 = jnp.zeros((), dtype=jnp.float32)
    # batch norm affine params
    bn1_g = jnp.ones((HIDDEN,), dtype=jnp.float32)
    bn1_b = jnp.zeros((HIDDEN,), dtype=jnp.float32)
    bn2_g = jnp.ones((HIDDEN,), dtype=jnp.float32)
    bn2_b = jnp.zeros((HIDDEN,), dtype=jnp.float32)
    return {
        "x": x, "edge_index": edge_index,
        "eps1": eps1, "W11": W11, "b11": b11, "W12": W12, "b12": b12,
        "eps2": eps2, "W21": W21, "b21": b21, "W22": W22, "b22": b22,
        "bn1_g": bn1_g, "bn1_b": bn1_b, "bn2_g": bn2_g, "bn2_b": bn2_b,
    }


def _gin_conv(x, edge_index, eps, W1, b1, W2, b2):
    src = edge_index[0]
    dst = edge_index[1]
    # sum-aggregate neighbor features at destination nodes (SparseCore gather + scatter-add)
    msgs = jnp.take(x, src, axis=0)
    agg = jax.ops.segment_sum(msgs, dst, num_segments=x.shape[0])
    h = (1.0 + eps) * x + agg
    h = jnp.maximum(h @ W1 + b1, 0.0)
    h = h @ W2 + b2
    return h


def _batch_norm(x, gamma, beta, eps=1e-5):
    # training-mode BatchNorm1d: biased batch statistics
    mean = jnp.mean(x, axis=0)
    var = jnp.mean((x - mean) ** 2, axis=0)
    return (x - mean) / jnp.sqrt(var + eps) * gamma + beta


def reference(x, edge_index, eps1, W11, b11, W12, b12, eps2, W21, b21, W22, b22, bn1_g, bn1_b, bn2_g, bn2_b):
    h = _gin_conv(x, edge_index, eps1, W11, b11, W12, b12)
    h = _batch_norm(h, bn1_g, bn1_b)
    h = jnp.maximum(h, 0.0)
    h = _gin_conv(h, edge_index, eps2, W21, b21, W22, b22)
    h = _batch_norm(h, bn2_g, bn2_b)
    h = jnp.maximum(h, 0.0)
    return h

if __name__ == "__main__":
    import jax
    _d = setup_inputs()
    print(jax.jit(kernel)(*tuple(_d.values())))

</pallas_src>

<mosaic_0001>
#map = affine_map<(d0, d1) -> (0, 0)>
#map1 = affine_map<(d0, d1) -> (0, 0, 0, 0)>
#map2 = affine_map<(d0, d1) -> (0, 0, 0)>
module attributes {stable_mosaic.version = 14 : i64} {
  func.func @_sc_agg_body(%arg0: i32, %arg1: i32, %arg2: memref<20000x64xf32, #tpu.memory_space<hbm>>, %arg3: memref<2x16x160x128xi32, #tpu.memory_space<hbm>>, %arg4: memref<16x160x128xi32, #tpu.memory_space<hbm>>, %arg5: memref<128x64xf32, #tpu.memory_space<hbm>>, %arg6: memref<2x10112x64xf32, #tpu.memory_space<hbm>>, %arg7: memref<10112x64xf32, #tpu.memory_space<vmem_shared>>, %arg8: memref<160x128xi32, #tpu.memory_space<vmem>>, %arg9: memref<160x128xi32, #tpu.memory_space<vmem>>, %arg10: memref<768x64xf32, #tpu.memory_space<vmem>>, %arg11: memref<!tpu.dma_semaphore, #tpu.memory_space<semaphore_mem>>, %arg12: memref<!tpu.dma_semaphore, #tpu.memory_space<semaphore_mem>>, %arg13: memref<!tpu.dma_semaphore, #tpu.memory_space<semaphore_mem>>, %arg14: memref<!tpu.dma_semaphore, #tpu.memory_space<semaphore_mem>>, %arg15: memref<!tpu.dma_semaphore, #tpu.memory_space<semaphore_mem>>, %arg16: memref<!tpu.dma_semaphore, #tpu.memory_space<semaphore_mem>>) attributes {dimension_semantics = [#tpu.dimension_semantics<core_parallel>, #tpu.dimension_semantics<subcore_parallel>], iteration_bounds = array<i64: 2, 16>, scalar_prefetch = 0 : i64, scratch_operands = 10 : i64, tpu.core_type = #tpu.core_type<sc_vector_subcore>, window_params = [{transform_indices = #map}, {transform_indices = #map1}, {transform_indices = #map2}, {transform_indices = #map}, {transform_indices = #map2}]} {
    "tpu.region"() ({
      %run_scoped3A_114 = tpu.sem_alloc : memref<!tpu.dma_semaphore, #tpu.memory_space<semaphore_mem>>
      %dma_start3A_115 = arith.constant 0 : i32
      %dma_start3A_116 = arith.constant 0 : i32
      %dma_start3A_117 = tpu.memref_slice %arg10[%dma_start3A_115, %dma_start3A_116] : memref<768x64xf32, #tpu.memory_space<vmem>> -> memref<128x64xf32, #tpu.memory_space<vmem>>
      %dma_start3A_118 = arith.constant 0 : i32
      %dma_start3A_119 = arith.constant 0 : i32
      %dma_start3A_120 = tpu.memref_slice %arg10[%dma_start3A_118, %dma_start3A_119] : memref<768x64xf32, #tpu.memory_space<vmem>> -> memref<128x64xf32, #tpu.memory_space<vmem>>
      tpu.enqueue_dma source(%arg5 : memref<128x64xf32, #tpu.memory_space<hbm>>) target(%dma_start3A_120 : memref<128x64xf32, #tpu.memory_space<vmem>>) target_semaphore(%run_scoped3A_114 : memref<!tpu.dma_semaphore, #tpu.memory_space<semaphore_mem>>)
      %dma_wait3A_121 = arith.constant 0 : i32
      %dma_wait3A_122 = arith.constant 0 : i32
      %dma_wait3A_123 = tpu.memref_slice %arg10[%dma_wait3A_121, %dma_wait3A_122] : memref<768x64xf32, #tpu.memory_space<vmem>> -> memref<128x64xf32, #tpu.memory_space<vmem>>
      %dma_wait3A_124 = arith.constant 0 : i32
      %dma_wait3A_125 = arith.constant 0 : i32
      %dma_wait3A_126 = tpu.memref_slice %arg10[%dma_wait3A_124, %dma_wait3A_125] : memref<768x64xf32, #tpu.memory_space<vmem>> -> memref<128x64xf32, #tpu.memory_space<vmem>>
      tpu.wait_dma2 semaphore(%run_scoped3A_114 : memref<!tpu.dma_semaphore, #tpu.memory_space<semaphore_mem>>) src(%arg5 : memref<128x64xf32, #tpu.memory_space<hbm>>) dst(%dma_wait3A_126 : memref<128x64xf32, #tpu.memory_space<vmem>>)
      tpu.yield
    }) : () -> ()
    %mul3A = arith.constant 632 : i32
    %mul3A_0 = arith.muli %arg1, %mul3A : i32
    %add3A = arith.constant 0 : i32
    %add3A_1 = arith.addi %mul3A_0, %add3A : i32
    "tpu.region"() ({
      %run_scoped3A_114 = tpu.sem_alloc : memref<!tpu.dma_semaphore, #tpu.memory_space<semaphore_mem>>
      %dma_start3A_115 = arith.constant 0 : i32
      %dma_start3A_116 = arith.constant 0 : i32
      %dma_start3A_117 = tpu.memref_slice %arg10[%dma_start3A_115, %dma_start3A_116] : memref<768x64xf32, #tpu.memory_space<vmem>> -> memref<128x64xf32, #tpu.memory_space<vmem>>
      %dma_start3A_118 = arith.constant 0 : i32
      %dma_start3A_119 = tpu.memref_slice %arg7[%add3A_1, %dma_start3A_118] : memref<10112x64xf32, #tpu.memory_space<vmem_shared>> -> memref<128x64xf32, #tpu.memory_space<vmem_shared>>
      %dma_start3A_120 = arith.constant 0 : i32
      %dma_start3A_121 = tpu.memref_slice %arg7[%add3A_1, %dma_start3A_120] : memref<10112x64xf32, #tpu.memory_space<vmem_shared>> -> memref<128x64xf32, #tpu.memory_space<vmem_shared>>
      %dma_start3A_122 = arith.constant 0 : i32
      %dma_start3A_123 = arith.constant 0 : i32
      %dma_start3A_124 = tpu.memref_slice %arg10[%dma_start3A_122, %dma_start3A_123] : memref<768x64xf32, #tpu.memory_space<vmem>> -> memref<128x64xf32, #tpu.memory_space<vmem>>
      tpu.enqueue_dma source(%dma_start3A_124 : memref<128x64xf32, #tpu.memory_space<vmem>>) target(%dma_start3A_121 : memref<128x64xf32, #tpu.memory_space<vmem_shared>>) target_semaphore(%run_scoped3A_114 : memref<!tpu.dma_semaphore, #tpu.memory_space<semaphore_mem>>)
      %dma_wait3A_125 = arith.constant 0 : i32
      %dma_wait3A_126 = arith.constant 0 : i32
      %dma_wait3A_127 = tpu.memref_slice %arg10[%dma_wait3A_125, %dma_wait3A_126] : memref<768x64xf32, #tpu.memory_space<vmem>> -> memref<128x64xf32, #tpu.memory_space<vmem>>
      %dma_wait3A_128 = arith.constant 0 : i32
      %dma_wait3A_129 = tpu.memref_slice %arg7[%add3A_1, %dma_wait3A_128] : memref<10112x64xf32, #tpu.memory_space<vmem_shared>> -> memref<128x64xf32, #tpu.memory_space<vmem_shared>>
      %dma_wait3A_130 = arith.constant 0 : i32
      %dma_wait3A_131 = tpu.memref_slice %arg7[%add3A_1, %dma_wait3A_130] : memref<10112x64xf32, #tpu.memory_space<vmem_shared>> -> memref<128x64xf32, #tpu.memory_space<vmem_shared>>
      %dma_wait3A_132 = arith.constant 0 : i32
      %dma_wait3A_133 = arith.constant 0 : i32
      %dma_wait3A_134 = tpu.memref_slice %arg10[%dma_wait3A_132, %dma_wait3A_133] : memref<768x64xf32, #tpu.memory_space<vmem>> -> memref<128x64xf32, #tpu.memory_space<vmem>>
      tpu.wait_dma2 semaphore(%run_scoped3A_114 : memref<!tpu.dma_semaphore, #tpu.memory_space<semaphore_mem>>) src(%dma_wait3A_134 : memref<128x64xf32, #tpu.memory_space<vmem>>) dst(%dma_wait3A_131 : memref<128x64xf32, #tpu.memory_space<vmem_shared>>)
      tpu.yield
    }) : () -> ()
    %mul3A_2 = arith.constant 632 : i32
    %mul3A_3 = arith.muli %arg1, %mul3A_2 : i32
    %add3A_4 = arith.constant 128 : i32
    %add3A_5 = arith.addi %mul3A_3, %add3A_4 : i32
    "tpu.region"() ({
      %run_scoped3A_114 = tpu.sem_alloc : memref<!tpu.dma_semaphore, #tpu.memory_space<semaphore_mem>>
      %dma_start3A_115 = arith.constant 0 : i32
      %dma_start3A_116 = arith.constant 0 : i32
      %dma_start3A_117 = tpu.memref_slice %arg10[%dma_start3A_115, %dma_start3A_116] : memref<768x64xf32, #tpu.memory_space<vmem>> -> memref<128x64xf32, #tpu.memory_space<vmem>>
      %dma_start3A_118 = arith.constant 0 : i32
      %dma_start3A_119 = tpu.memref_slice %arg7[%add3A_5, %dma_start3A_118] : memref<10112x64xf32, #tpu.memory_space<vmem_shared>> -> memref<128x64xf32, #tpu.memory_space<vmem_shared>>
      %dma_start3A_120 = arith.constant 0 : i32
      %dma_start3A_121 = tpu.memref_slice %arg7[%add3A_5, %dma_start3A_120] : memref<10112x64xf32, #tpu.memory_space<vmem_shared>> -> memref<128x64xf32, #tpu.memory_space<vmem_shared>>
      %dma_start3A_122 = arith.constant 0 : i32
      %dma_start3A_123 = arith.constant 0 : i32
      %dma_start3A_124 = tpu.memref_slice %arg10[%dma_start3A_122, %dma_start3A_123] : memref<768x64xf32, #tpu.memory_space<vmem>> -> memref<128x64xf32, #tpu.memory_space<vmem>>
      tpu.enqueue_dma source(%dma_start3A_124 : memref<128x64xf32, #tpu.memory_space<vmem>>) target(%dma_start3A_121 : memref<128x64xf32, #tpu.memory_space<vmem_shared>>) target_semaphore(%run_scoped3A_114 : memref<!tpu.dma_semaphore, #tpu.memory_space<semaphore_mem>>)
      %dma_wait3A_125 = arith.constant 0 : i32
      %dma_wait3A_126 = arith.constant 0 : i32
      %dma_wait3A_127 = tpu.memref_slice %arg10[%dma_wait3A_125, %dma_wait3A_126] : memref<768x64xf32, #tpu.memory_space<vmem>> -> memref<128x64xf32, #tpu.memory_space<vmem>>
      %dma_wait3A_128 = arith.constant 0 : i32
      %dma_wait3A_129 = tpu.memref_slice %arg7[%add3A_5, %dma_wait3A_128] : memref<10112x64xf32, #tpu.memory_space<vmem_shared>> -> memref<128x64xf32, #tpu.memory_space<vmem_shared>>
      %dma_wait3A_130 = arith.constant 0 : i32
      %dma_wait3A_131 = tpu.memref_slice %arg7[%add3A_5, %dma_wait3A_130] : memref<10112x64xf32, #tpu.memory_space<vmem_shared>> -> memref<128x64xf32, #tpu.memory_space<vmem_shared>>
      %dma_wait3A_132 = arith.constant 0 : i32
      %dma_wait3A_133 = arith.constant 0 : i32
      %dma_wait3A_134 = tpu.memref_slice %arg10[%dma_wait3A_132, %dma_wait3A_133] : memref<768x64xf32, #tpu.memory_space<vmem>> -> memref<128x64xf32, #tpu.memory_space<vmem>>
      tpu.wait_dma2 semaphore(%run_scoped3A_114 : memref<!tpu.dma_semaphore, #tpu.memory_space<semaphore_mem>>) src(%dma_wait3A_134 : memref<128x64xf32, #tpu.memory_space<vmem>>) dst(%dma_wait3A_131 : memref<128x64xf32, #tpu.memory_space<vmem_shared>>)
      tpu.yield
    }) : () -> ()
    %mul3A_6 = arith.constant 632 : i32
    %mul3A_7 = arith.muli %arg1, %mul3A_6 : i32
    %add3A_8 = arith.constant 256 : i32
    %add3A_9 = arith.addi %mul3A_7, %add3A_8 : i32
    "tpu.region"() ({
      %run_scoped3A_114 = tpu.sem_alloc : memref<!tpu.dma_semaphore, #tpu.memory_space<semaphore_mem>>
      %dma_start3A_115 = arith.constant 0 : i32
      %dma_start3A_116 = arith.constant 0 : i32
      %dma_start3A_117 = tpu.memref_slice %arg10[%dma_start3A_115, %dma_start3A_116] : memref<768x64xf32, #tpu.memory_space<vmem>> -> memref<128x64xf32, #tpu.memory_space<vmem>>
      %dma_start3A_118 = arith.constant 0 : i32
      %dma_start3A_119 = tpu.memref_slice %arg7[%add3A_9, %dma_start3A_118] : memref<10112x64xf32, #tpu.memory_space<vmem_shared>> -> memref<128x64xf32, #tpu.memory_space<vmem_shared>>
      %dma_start3A_120 = arith.constant 0 : i32
      %dma_start3A_121 = tpu.memref_slice %arg7[%add3A_9, %dma_start3A_120] : memref<10112x64xf32, #tpu.memory_space<vmem_shared>> -> memref<128x64xf32, #tpu.memory_space<vmem_shared>>
      %dma_start3A_122 = arith.constant 0 : i32
      %dma_start3A_123 = arith.constant 0 : i32
      %dma_start3A_124 = tpu.memref_slice %arg10[%dma_start3A_122, %dma_start3A_123] : memref<768x64xf32, #tpu.memory_space<vmem>> -> memref<128x64xf32, #tpu.memory_space<vmem>>
      tpu.enqueue_dma source(%dma_start3A_124 : memref<128x64xf32, #tpu.memory_space<vmem>>) target(%dma_start3A_121 : memref<128x64xf32, #tpu.memory_space<vmem_shared>>) target_semaphore(%run_scoped3A_114 : memref<!tpu.dma_semaphore, #tpu.memory_space<semaphore_mem>>)
      %dma_wait3A_125 = arith.constant 0 : i32
      %dma_wait3A_126 = arith.constant 0 : i32
      %dma_wait3A_127 = tpu.memref_slice %arg10[%dma_wait3A_125, %dma_wait3A_126] : memref<768x64xf32, #tpu.memory_space<vmem>> -> memref<128x64xf32, #tpu.memory_space<vmem>>
      %dma_wait3A_128 = arith.constant 0 : i32
      %dma_wait3A_129 = tpu.memref_slice %arg7[%add3A_9, %dma_wait3A_128] : memref<10112x64xf32, #tpu.memory_space<vmem_shared>> -> memref<128x64xf32, #tpu.memory_space<vmem_shared>>
      %dma_wait3A_130 = arith.constant 0 : i32
      %dma_wait3A_131 = tpu.memref_slice %arg7[%add3A_9, %dma_wait3A_130] : memref<10112x64xf32, #tpu.memory_space<vmem_shared>> -> memref<128x64xf32, #tpu.memory_space<vmem_shared>>
      %dma_wait3A_132 = arith.constant 0 : i32
      %dma_wait3A_133 = arith.constant 0 : i32
      %dma_wait3A_134 = tpu.memref_slice %arg10[%dma_wait3A_132, %dma_wait3A_133] : memref<768x64xf32, #tpu.memory_space<vmem>> -> memref<128x64xf32, #tpu.memory_space<vmem>>
      tpu.wait_dma2 semaphore(%run_scoped3A_114 : memref<!tpu.dma_semaphore, #tpu.memory_space<semaphore_mem>>) src(%dma_wait3A_134 : memref<128x64xf32, #tpu.memory_space<vmem>>) dst(%dma_wait3A_131 : memref<128x64xf32, #tpu.memory_space<vmem_shared>>)
      tpu.yield
    }) : () -> ()
    %mul3A_10 = arith.constant 632 : i32
    %mul3A_11 = arith.muli %arg1, %mul3A_10 : i32
    %add3A_12 = arith.constant 384 : i32
    %add3A_13 = arith.addi %mul3A_11, %add3A_12 : i32
    "tpu.region"() ({
      %run_scoped3A_114 = tpu.sem_alloc : memref<!tpu.dma_semaphore, #tpu.memory_space<semaphore_mem>>
      %dma_start3A_115 = arith.constant 0 : i32
      %dma_start3A_116 = arith.constant 0 : i32
      %dma_start3A_117 = tpu.memref_slice %arg10[%dma_start3A_115, %dma_start3A_116] : memref<768x64xf32, #tpu.memory_space<vmem>> -> memref<128x64xf32, #tpu.memory_space<vmem>>
      %dma_start3A_118 = arith.constant 0 : i32
      %dma_start3A_119 = tpu.memref_slice %arg7[%add3A_13, %dma_start3A_118] : memref<10112x64xf32, #tpu.memory_space<vmem_shared>> -> memref<128x64xf32, #tpu.memory_space<vmem_shared>>
      %dma_start3A_120 = arith.constant 0 : i32
      %dma_start3A_121 = tpu.memref_slice %arg7[%add3A_13, %dma_start3A_120] : memref<10112x64xf32, #tpu.memory_space<vmem_shared>> -> memref<128x64xf32, #tpu.memory_space<vmem_shared>>
      %dma_start3A_122 = arith.constant 0 : i32
      %dma_start3A_123 = arith.constant 0 : i32
      %dma_start3A_124 = tpu.memref_slice %arg10[%dma_start3A_122, %dma_start3A_123] : memref<768x64xf32, #tpu.memory_space<vmem>> -> memref<128x64xf32, #tpu.memory_space<vmem>>
      tpu.enqueue_dma source(%dma_start3A_124 : memref<128x64xf32, #tpu.memory_space<vmem>>) target(%dma_start3A_121 : memref<128x64xf32, #tpu.memory_space<vmem_shared>>) target_semaphore(%run_scoped3A_114 : memref<!tpu.dma_semaphore, #tpu.memory_space<semaphore_mem>>)
      %dma_wait3A_125 = arith.constant 0 : i32
      %dma_wait3A_126 = arith.constant 0 : i32
      %dma_wait3A_127 = tpu.memref_slice %arg10[%dma_wait3A_125, %dma_wait3A_126] : memref<768x64xf32, #tpu.memory_space<vmem>> -> memref<128x64xf32, #tpu.memory_space<vmem>>
      %dma_wait3A_128 = arith.constant 0 : i32
      %dma_wait3A_129 = tpu.memref_slice %arg7[%add3A_13, %dma_wait3A_128] : memref<10112x64xf32, #tpu.memory_space<vmem_shared>> -> memref<128x64xf32, #tpu.memory_space<vmem_shared>>
      %dma_wait3A_130 = arith.constant 0 : i32
      %dma_wait3A_131 = tpu.memref_slice %arg7[%add3A_13, %dma_wait3A_130] : memref<10112x64xf32, #tpu.memory_space<vmem_shared>> -> memref<128x64xf32, #tpu.memory_space<vmem_shared>>
      %dma_wait3A_132 = arith.constant 0 : i32
      %dma_wait3A_133 = arith.constant 0 : i32
      %dma_wait3A_134 = tpu.memref_slice %arg10[%dma_wait3A_132, %dma_wait3A_133] : memref<768x64xf32, #tpu.memory_space<vmem>> -> memref<128x64xf32, #tpu.memory_space<vmem>>
      tpu.wait_dma2 semaphore(%run_scoped3A_114 : memref<!tpu.dma_semaphore, #tpu.memory_space<semaphore_mem>>) src(%dma_wait3A_134 : memref<128x64xf32, #tpu.memory_space<vmem>>) dst(%dma_wait3A_131 : memref<128x64xf32, #tpu.memory_space<vmem_shared>>)
      tpu.yield
    }) : () -> ()
    %mul3A_14 = arith.constant 632 : i32
    %mul3A_15 = arith.muli %arg1, %mul3A_14 : i32
    %add3A_16 = arith.constant 632 : i32
    %add3A_17 = arith.addi %mul3A_15, %add3A_16 : i32
    %sub3A = arith.constant 120 : i32
    %sub3A_18 = arith.subi %add3A_17, %sub3A : i32
    "tpu.region"() ({
      %run_scoped3A_114 = tpu.sem_alloc : memref<!tpu.dma_semaphore, #tpu.memory_space<semaphore_mem>>
      %dma_start3A_115 = arith.constant 0 : i32
      %dma_start3A_116 = arith.constant 0 : i32
      %dma_start3A_117 = tpu.memref_slice %arg10[%dma_start3A_115, %dma_start3A_116] : memref<768x64xf32, #tpu.memory_space<vmem>> -> memref<128x64xf32, #tpu.memory_space<vmem>>
      %dma_start3A_118 = arith.constant 0 : i32
      %dma_start3A_119 = arith.constant 0 : i32
      %dma_start3A_120 = tpu.memref_slice %dma_start3A_117[%dma_start3A_118, %dma_start3A_119] : memref<128x64xf32, #tpu.memory_space<vmem>> -> memref<120x64xf32, #tpu.memory_space<vmem>>
      %dma_start3A_121 = arith.constant 0 : i32
      %dma_start3A_122 = tpu.memref_slice %arg7[%sub3A_18, %dma_start3A_121] : memref<10112x64xf32, #tpu.memory_space<vmem_shared>> -> memref<120x64xf32, #tpu.memory_space<vmem_shared>>
      %dma_start3A_123 = arith.constant 0 : i32
      %dma_start3A_124 = tpu.memref_slice %arg7[%sub3A_18, %dma_start3A_123] : memref<10112x64xf32, #tpu.memory_space<vmem_shared>> -> memref<120x64xf32, #tpu.memory_space<vmem_shared>>
      %dma_start3A_125 = arith.constant 0 : i32
      %dma_start3A_126 = arith.constant 0 : i32
      %dma_start3A_127 = tpu.memref_slice %arg10[%dma_start3A_125, %dma_start3A_126] : memref<768x64xf32, #tpu.memory_space<vmem>> -> memref<128x64xf32, #tpu.memory_space<vmem>>
      %dma_start3A_128 = arith.constant 0 : i32
      %dma_start3A_129 = arith.constant 0 : i32
      %dma_start3A_130 = tpu.memref_slice %dma_start3A_127[%dma_start3A_128, %dma_start3A_129] : memref<128x64xf32, #tpu.memory_space<vmem>> -> memref<120x64xf32, #tpu.memory_space<vmem>>
      tpu.enqueue_dma source(%dma_start3A_130 : memref<120x64xf32, #tpu.memory_space<vmem>>) target(%dma_start3A_124 : memref<120x64xf32, #tpu.memory_space<vmem_shared>>) target_semaphore(%run_scoped3A_114 : memref<!tpu.dma_semaphore, #tpu.memory_space<semaphore_mem>>)
      %dma_wait3A_131 = arith.constant 0 : i32
      %dma_wait3A_132 = arith.constant 0 : i32
      %dma_wait3A_133 = tpu.memref_slice %arg10[%dma_wait3A_131, %dma_wait3A_132] : memref<768x64xf32, #tpu.memory_space<vmem>> -> memref<128x64xf32, #tpu.memory_space<vmem>>
      %dma_wait3A_134 = arith.constant 0 : i32
      %dma_wait3A_135 = arith.constant 0 : i32
      %dma_wait3A_136 = tpu.memref_slice %dma_wait3A_133[%dma_wait3A_134, %dma_wait3A_135] : memref<128x64xf32, #tpu.memory_space<vmem>> -> memref<120x64xf32, #tpu.memory_space<vmem>>
      %dma_wait3A_137 = arith.constant 0 : i32
      %dma_wait3A_138 = tpu.memref_slice %arg7[%sub3A_18, %dma_wait3A_137] : memref<10112x64xf32, #tpu.memory_space<vmem_shared>> -> memref<120x64xf32, #tpu.memory_space<vmem_shared>>
      %dma_wait3A_139 = arith.constant 0 : i32
      %dma_wait3A_140 = tpu.memref_slice %arg7[%sub3A_18, %dma_wait3A_139] : memref<10112x64xf32, #tpu.memory_space<vmem_shared>> -> memref<120x64xf32, #tpu.memory_space<vmem_shared>>
      %dma_wait3A_141 = arith.constant 0 : i32
      %dma_wait3A_142 = arith.constant 0 : i32
      %dma_wait3A_143 = tpu.memref_slice %arg10[%dma_wait3A_141, %dma_wait3A_142] : memref<768x64xf32, #tpu.memory_space<vmem>> -> memref<128x64xf32, #tpu.memory_space<vmem>>
      %dma_wait3A_144 = arith.constant 0 : i32
      %dma_wait3A_145 = arith.constant 0 : i32
      %dma_wait3A_146 = tpu.memref_slice %dma_wait3A_143[%dma_wait3A_144, %dma_wait3A_145] : memref<128x64xf32, #tpu.memory_space<vmem>> -> memref<120x64xf32, #tpu.memory_space<vmem>>
      tpu.wait_dma2 semaphore(%run_scoped3A_114 : memref<!tpu.dma_semaphore, #tpu.memory_space<semaphore_mem>>) src(%dma_wait3A_146 : memref<120x64xf32, #tpu.memory_space<vmem>>) dst(%dma_wait3A_140 : memref<120x64xf32, #tpu.memory_space<vmem_shared>>)
      tpu.yield
    }) : () -> ()
    "tpu.region"() ({
      %run_scoped3A_114 = tpu.sem_alloc : memref<!tpu.dma_semaphore, #tpu.memory_space<semaphore_mem>>
      %dma_start3A_115 = arith.constant 0 : i32
      %dma_start3A_116 = arith.constant 0 : i32
      %dma_start3A_117 = tpu.memref_slice %arg3[%arg0, %arg1, %dma_start3A_115, %dma_start3A_116] : memref<2x16x160x128xi32, #tpu.memory_space<hbm>> -> memref<1x1x160x128xi32, #tpu.memory_space<hbm>>
      %dma_start3A_118 = tpu.memref_squeeze %dma_start3A_117 : memref<1x1x160x128xi32, #tpu.memory_space<hbm>> -> memref<160x128xi32, #tpu.memory_space<hbm>>
      %dma_start3A_119 = arith.constant 0 : i32
      %dma_start3A_120 = arith.constant 0 : i32
      %dma_start3A_121 = tpu.memref_slice %arg3[%arg0, %arg1, %dma_start3A_119, %dma_start3A_120] : memref<2x16x160x128xi32, #tpu.memory_space<hbm>> -> memref<1x1x160x128xi32, #tpu.memory_space<hbm>>
      %dma_start3A_122 = tpu.memref_squeeze %dma_start3A_121 : memref<1x1x160x128xi32, #tpu.memory_space<hbm>> -> memref<160x128xi32, #tpu.memory_space<hbm>>
      tpu.enqueue_dma source(%dma_start3A_122 : memref<160x128xi32, #tpu.memory_space<hbm>>) target(%arg8 : memref<160x128xi32, #tpu.memory_space<vmem>>) target_semaphore(%run_scoped3A_114 : memref<!tpu.dma_semaphore, #tpu.memory_space<semaphore_mem>>)
      %dma_wait3A_123 = arith.constant 0 : i32
      %dma_wait3A_124 = arith.constant 0 : i32
      %dma_wait3A_125 = tpu.memref_slice %arg3[%arg0, %arg1, %dma_wait3A_123, %dma_wait3A_124] : memref<2x16x160x128xi32, #tpu.memory_space<hbm>> -> memref<1x1x160x128xi32, #tpu.memory_space<hbm>>
      %dma_wait3A_126 = tpu.memref_squeeze %dma_wait3A_125 : memref<1x1x160x128xi32, #tpu.memory_space<hbm>> -> memref<160x128xi32, #tpu.memory_space<hbm>>
      %dma_wait3A_127 = arith.constant 0 : i32
      %dma_wait3A_128 = arith.constant 0 : i32
      %dma_wait3A_129 = tpu.memref_slice %arg3[%arg0, %arg1, %dma_wait3A_127, %dma_wait3A_128] : memref<2x16x160x128xi32, #tpu.memory_space<hbm>> -> memref<1x1x160x128xi32, #tpu.memory_space<hbm>>
      %dma_wait3A_130 = tpu.memref_squeeze %dma_wait3A_129 : memref<1x1x160x128xi32, #tpu.memory_space<hbm>> -> memref<160x128xi32, #tpu.memory_space<hbm>>
      tpu.wait_dma2 semaphore(%run_scoped3A_114 : memref<!tpu.dma_semaphore, #tpu.memory_space<semaphore_mem>>) src(%dma_wait3A_130 : memref<160x128xi32, #tpu.memory_space<hbm>>) dst(%arg8 : memref<160x128xi32, #tpu.memory_space<vmem>>)
      tpu.yield
    }) : () -> ()
    "tpu.region"() ({
      %run_scoped3A_114 = tpu.sem_alloc : memref<!tpu.dma_semaphore, #tpu.memory_space<semaphore_mem>>
      %dma_start3A_115 = arith.constant 0 : i32
      %dma_start3A_116 = arith.constant 0 : i32
      %dma_start3A_117 = tpu.memref_slice %arg4[%arg1, %dma_start3A_115, %dma_start3A_116] : memref<16x160x128xi32, #tpu.memory_space<hbm>> -> memref<1x160x128xi32, #tpu.memory_space<hbm>>
      %dma_start3A_118 = tpu.memref_squeeze %dma_start3A_117 : memref<1x160x128xi32, #tpu.memory_space<hbm>> -> memref<160x128xi32, #tpu.memory_space<hbm>>
      %dma_start3A_119 = arith.constant 0 : i32
      %dma_start3A_120 = arith.constant 0 : i32
      %dma_start3A_121 = tpu.memref_slice %arg4[%arg1, %dma_start3A_119, %dma_start3A_120] : memref<16x160x128xi32, #tpu.memory_space<hbm>> -> memref<1x160x128xi32, #tpu.memory_space<hbm>>
      %dma_start3A_122 = tpu.memref_squeeze %dma_start3A_121 : memref<1x160x128xi32, #tpu.memory_space<hbm>> -> memref<160x128xi32, #tpu.memory_space<hbm>>
      tpu.enqueue_dma source(%dma_start3A_122 : memref<160x128xi32, #tpu.memory_space<hbm>>) target(%arg9 : memref<160x128xi32, #tpu.memory_space<vmem>>) target_semaphore(%run_scoped3A_114 : memref<!tpu.dma_semaphore, #tpu.memory_space<semaphore_mem>>)
      %dma_wait3A_123 = arith.constant 0 : i32
      %dma_wait3A_124 = arith.constant 0 : i32
      %dma_wait3A_125 = tpu.memref_slice %arg4[%arg1, %dma_wait3A_123, %dma_wait3A_124] : memref<16x160x128xi32, #tpu.memory_space<hbm>> -> memref<1x160x128xi32, #tpu.memory_space<hbm>>
      %dma_wait3A_126 = tpu.memref_squeeze %dma_wait3A_125 : memref<1x160x128xi32, #tpu.memory_space<hbm>> -> memref<160x128xi32, #tpu.memory_space<hbm>>
      %dma_wait3A_127 = arith.constant 0 : i32
      %dma_wait3A_128 = arith.constant 0 : i32
      %dma_wait3A_129 = tpu.memref_slice %arg4[%arg1, %dma_wait3A_127, %dma_wait3A_128] : memref<16x160x128xi32, #tpu.memory_space<hbm>> -> memref<1x160x128xi32, #tpu.memory_space<hbm>>
      %dma_wait3A_130 = tpu.memref_squeeze %dma_wait3A_129 : memref<1x160x128xi32, #tpu.memory_space<hbm>> -> memref<160x128xi32, #tpu.memory_space<hbm>>
      tpu.wait_dma2 semaphore(%run_scoped3A_114 : memref<!tpu.dma_semaphore, #tpu.memory_space<semaphore_mem>>) src(%dma_wait3A_130 : memref<160x128xi32, #tpu.memory_space<hbm>>) dst(%arg9 : memref<160x128xi32, #tpu.memory_space<vmem>>)
      tpu.yield
    }) : () -> ()
    %barrier3A = arith.constant 0 : index
    tpu.barrier barrier_id(%barrier3A)
    %dma_start3A = arith.constant 0 : i32
    %dma_start3A_19 = arith.constant 0 : i32
    %dma_start3A_20 = arith.constant 0 : i32
    %dma_start3A_21 = tpu.memref_slice %arg10[%dma_start3A_19, %dma_start3A_20] : memref<768x64xf32, #tpu.memory_space<vmem>> -> memref<128x64xf32, #tpu.memory_space<vmem>>
    %dma_start3A_22 = arith.constant 0 : i32
    %dma_start3A_23 = tpu.memref_slice %arg8[%dma_start3A, %dma_start3A_22] : memref<160x128xi32, #tpu.memory_space<vmem>> -> memref<1x128xi32, #tpu.memory_space<vmem>>
    %dma_start3A_24 = tpu.memref_squeeze %dma_start3A_23 : memref<1x128xi32, #tpu.memory_space<vmem>> -> memref<128xi32, #tpu.memory_space<vmem>>
    %dma_start3A_25 = arith.constant 0 : i32
    %dma_start3A_26 = arith.constant 0 : i32
    %dma_start3A_27 = tpu.memref_slice %arg2[%dma_start3A_25, %dma_start3A_26] : memref<20000x64xf32, #tpu.memory_space<hbm>> -> memref<20000x64xf32, #tpu.memory_space<hbm>>
    tpu.enqueue_indirect_dma source(%dma_start3A_27 : memref<20000x64xf32, #tpu.memory_space<hbm>>) target(%dma_start3A_21 : memref<128x64xf32, #tpu.memory_space<vmem>>) offsets(%dma_start3A_24 : memref<128xi32, #tpu.memory_space<vmem>>) semaphore(%arg11 : memref<!tpu.dma_semaphore, #tpu.memory_space<semaphore_mem>>)
    %dma_start3A_28 = arith.constant 1 : i32
    %dma_start3A_29 = arith.constant 128 : i32
    %dma_start3A_30 = arith.constant 0 : i32
    %dma_start3A_31 = tpu.memref_slice %arg10[%dma_start3A_29, %dma_start3A_30] : memref<768x64xf32, #tpu.memory_space<vmem>> -> memref<128x64xf32, #tpu.memory_space<vmem>>
    %dma_start3A_32 = arith.constant 0 : i32
    %dma_start3A_33 = tpu.memref_slice %arg8[%dma_start3A_28, %dma_start3A_32] : memref<160x128xi32, #tpu.memory_space<vmem>> -> memref<1x128xi32, #tpu.memory_space<vmem>>
    %dma_start3A_34 = tpu.memref_squeeze %dma_start3A_33 : memref<1x128xi32, #tpu.memory_space<vmem>> -> memref<128xi32, #tpu.memory_space<vmem>>
    %dma_start3A_35 = arith.constant 0 : i32
    %dma_start3A_36 = arith.constant 0 : i32
    %dma_start3A_37 = tpu.memref_slice %arg2[%dma_start3A_35, %dma_start3A_36] : memref<20000x64xf32, #tpu.memory_space<hbm>> -> memref<20000x64xf32, #tpu.memory_space<hbm>>
    tpu.enqueue_indirect_dma source(%dma_start3A_37 : memref<20000x64xf32, #tpu.memory_space<hbm>>) target(%dma_start3A_31 : memref<128x64xf32, #tpu.memory_space<vmem>>) offsets(%dma_start3A_34 : memref<128xi32, #tpu.memory_space<vmem>>) semaphore(%arg12 : memref<!tpu.dma_semaphore, #tpu.memory_space<semaphore_mem>>)
    %dma_start3A_38 = arith.constant 2 : i32
    %dma_start3A_39 = arith.constant 256 : i32
    %dma_start3A_40 = arith.constant 0 : i32
    %dma_start3A_41 = tpu.memref_slice %arg10[%dma_start3A_39, %dma_start3A_40] : memref<768x64xf32, #tpu.memory_space<vmem>> -> memref<128x64xf32, #tpu.memory_space<vmem>>
    %dma_start3A_42 = arith.constant 0 : i32
    %dma_start3A_43 = tpu.memref_slice %arg8[%dma_start3A_38, %dma_start3A_42] : memref<160x128xi32, #tpu.memory_space<vmem>> -> memref<1x128xi32, #tpu.memory_space<vmem>>
    %dma_start3A_44 = tpu.memref_squeeze %dma_start3A_43 : memref<1x128xi32, #tpu.memory_space<vmem>> -> memref<128xi32, #tpu.memory_space<vmem>>
    %dma_start3A_45 = arith.constant 0 : i32
    %dma_start3A_46 = arith.constant 0 : i32
    %dma_start3A_47 = tpu.memref_slice %arg2[%dma_start3A_45, %dma_start3A_46] : memref<20000x64xf32, #tpu.memory_space<hbm>> -> memref<20000x64xf32, #tpu.memory_space<hbm>>
    tpu.enqueue_indirect_dma source(%dma_start3A_47 : memref<20000x64xf32, #tpu.memory_space<hbm>>) target(%dma_start3A_41 : memref<128x64xf32, #tpu.memory_space<vmem>>) offsets(%dma_start3A_44 : memref<128xi32, #tpu.memory_space<vmem>>) semaphore(%arg13 : memref<!tpu.dma_semaphore, #tpu.memory_space<semaphore_mem>>)
    %dma_start3A_48 = arith.constant 3 : i32
    %dma_start3A_49 = arith.constant 384 : i32
    %dma_start3A_50 = arith.constant 0 : i32
    %dma_start3A_51 = tpu.memref_slice %arg10[%dma_start3A_49, %dma_start3A_50] : memref<768x64xf32, #tpu.memory_space<vmem>> -> memref<128x64xf32, #tpu.memory_space<vmem>>
    %dma_start3A_52 = arith.constant 0 : i32
    %dma_start3A_53 = tpu.memref_slice %arg8[%dma_start3A_48, %dma_start3A_52] : memref<160x128xi32, #tpu.memory_space<vmem>> -> memref<1x128xi32, #tpu.memory_space<vmem>>
    %dma_start3A_54 = tpu.memref_squeeze %dma_start3A_53 : memref<1x128xi32, #tpu.memory_space<vmem>> -> memref<128xi32, #tpu.memory_space<vmem>>
    %dma_start3A_55 = arith.constant 0 : i32
    %dma_start3A_56 = arith.constant 0 : i32
    %dma_start3A_57 = tpu.memref_slice %arg2[%dma_start3A_55, %dma_start3A_56] : memref<20000x64xf32, #tpu.memory_space<hbm>> -> memref<20000x64xf32, #tpu.memory_space<hbm>>
    tpu.enqueue_indirect_dma source(%dma_start3A_57 : memref<20000x64xf32, #tpu.memory_space<hbm>>) target(%dma_start3A_51 : memref<128x64xf32, #tpu.memory_space<vmem>>) offsets(%dma_start3A_54 : memref<128xi32, #tpu.memory_space<vmem>>) semaphore(%arg14 : memref<!tpu.dma_semaphore, #tpu.memory_space<semaphore_mem>>)
    %scan3A = arith.constant 0 : i32
    %scan3A_58 = arith.constant 0 : i32
    %scan3A_59 = arith.constant 26 : i32
    %scan3A_60 = arith.addi %scan3A_58, %scan3A_59 : i32
    %scan3A_61 = arith.constant 1 : i32
    scf.for %scan3A_114 = %scan3A_58 to %scan3A_60 step %scan3A_61  : i32 {
      %mul3A_115 = arith.constant 3 : i32
      %mul3A_116 = arith.muli %mul3A_115, %scan3A_114 : i32
      %add3A_117 = arith.constant 0 : i32
      %add3A_118 = arith.addi %mul3A_116, %add3A_117 : i32
      %mul3A_119 = arith.constant 2 : i32
      %mul3A_120 = arith.muli %mul3A_119, %add3A_118 : i32
      %add3A_121 = arith.constant 0 : i32
      %add3A_122 = arith.addi %mul3A_120, %add3A_121 : i32
      %dma_wait3A_123 = arith.constant 0 : i32
      %dma_wait3A_124 = arith.constant 0 : i32
      %dma_wait3A_125 = tpu.memref_slice %arg10[%dma_wait3A_123, %dma_wait3A_124] : memref<768x64xf32, #tpu.memory_space<vmem>> -> memref<128x64xf32, #tpu.memory_space<vmem>>
      %dma_wait3A_126 = arith.constant 0 : i32
      %dma_wait3A_127 = tpu.memref_slice %arg8[%add3A_122, %dma_wait3A_126] : memref<160x128xi32, #tpu.memory_space<vmem>> -> memref<1x128xi32, #tpu.memory_space<vmem>>
      %dma_wait3A_128 = tpu.memref_squeeze %dma_wait3A_127 : memref<1x128xi32, #tpu.memory_space<vmem>> -> memref<128xi32, #tpu.memory_space<vmem>>
      %dma_wait3A_129 = arith.constant 0 : i32
      %dma_wait3A_130 = arith.constant 0 : i32
      %dma_wait3A_131 = tpu.memref_slice %arg2[%dma_wait3A_129, %dma_wait3A_130] : memref<20000x64xf32, #tpu.memory_space<hbm>> -> memref<20000x64xf32, #tpu.memory_space<hbm>>
      tpu.wait_indirect_dma semaphore(%arg11 : memref<!tpu.dma_semaphore, #tpu.memory_space<semaphore_mem>>) src(%dma_wait3A_131 : memref<20000x64xf32, #tpu.memory_space<hbm>>) dst(%dma_wait3A_125 : memref<128x64xf32, #tpu.memory_space<vmem>>)
      "tpu.region"() ({
        %run_scoped3A_283 = tpu.sem_alloc : memref<!tpu.dma_semaphore, #tpu.memory_space<semaphore_mem>>
        %dma_start3A_284 = arith.constant 0 : i32
        %dma_start3A_285 = arith.constant 0 : i32
        %dma_start3A_286 = tpu.memref_slice %arg10[%dma_start3A_284, %dma_start3A_285] : memref<768x64xf32, #tpu.memory_space<vmem>> -> memref<128x64xf32, #tpu.memory_space<vmem>>
        %dma_start3A_287 = arith.constant 0 : i32
        %dma_start3A_288 = tpu.memref_slice %arg9[%add3A_122, %dma_start3A_287] : memref<160x128xi32, #tpu.memory_space<vmem>> -> memref<1x128xi32, #tpu.memory_space<vmem>>
        %dma_start3A_289 = tpu.memref_squeeze %dma_start3A_288 : memref<1x128xi32, #tpu.memory_space<vmem>> -> memref<128xi32, #tpu.memory_space<vmem>>
        %dma_start3A_290 = arith.constant 0 : i32
        %dma_start3A_291 = arith.constant 0 : i32
        %dma_start3A_292 = tpu.memref_slice %arg7[%dma_start3A_290, %dma_start3A_291] : memref<10112x64xf32, #tpu.memory_space<vmem_shared>> -> memref<10112x64xf32, #tpu.memory_space<vmem_shared>>
        tpu.enqueue_indirect_dma source(%dma_start3A_286 : memref<128x64xf32, #tpu.memory_space<vmem>>) target(%dma_start3A_292 : memref<10112x64xf32, #tpu.memory_space<vmem_shared>>) offsets(%dma_start3A_289 : memref<128xi32, #tpu.memory_space<vmem>>) semaphore(%run_scoped3A_283 : memref<!tpu.dma_semaphore, #tpu.memory_space<semaphore_mem>>) {add = true}
        %dma_wait3A_293 = arith.constant 0 : i32
        %dma_wait3A_294 = arith.constant 0 : i32
        %dma_wait3A_295 = tpu.memref_slice %arg10[%dma_wait3A_293, %dma_wait3A_294] : memref<768x64xf32, #tpu.memory_space<vmem>> -> memref<128x64xf32, #tpu.memory_space<vmem>>
        %dma_wait3A_296 = arith.constant 0 : i32
        %dma_wait3A_297 = tpu.memref_slice %arg9[%add3A_122, %dma_wait3A_296] : memref<160x128xi32, #tpu.memory_space<vmem>> -> memref<1x128xi32, #tpu.memory_space<vmem>>
        %dma_wait3A_298 = tpu.memref_squeeze %dma_wait3A_297 : memref<1x128xi32, #tpu.memory_space<vmem>> -> memref<128xi32, #tpu.memory_space<vmem>>
        %dma_wait3A_299 = arith.constant 0 : i32
        %dma_wait3A_300 = arith.constant 0 : i32
        %dma_wait3A_301 = tpu.memref_slice %arg7[%dma_wait3A_299, %dma_wait3A_300] : memref<10112x64xf32, #tpu.memory_space<vmem_shared>> -> memref<10112x64xf32, #tpu.memory_space<vmem_shared>>
        tpu.wait_indirect_dma semaphore(%run_scoped3A_283 : memref<!tpu.dma_semaphore, #tpu.memory_space<semaphore_mem>>) src(%dma_wait3A_295 : memref<128x64xf32, #tpu.memory_space<vmem>>) dst(%dma_wait3A_301 : memref<10112x64xf32, #tpu.memory_space<vmem_shared>>)
        tpu.yield
      }) : () -> ()
      %add3A_132 = arith.constant 4 : i32
      %add3A_133 = arith.addi %add3A_122, %add3A_132 : i32
      %dma_start3A_134 = arith.constant 512 : i32
      %dma_start3A_135 = arith.constant 0 : i32
      %dma_start3A_136 = tpu.memref_slice %arg10[%dma_start3A_134, %dma_start3A_135] : memref<768x64xf32, #tpu.memory_space<vmem>> -> memref<128x64xf32, #tpu.memory_space<vmem>>
      %dma_start3A_137 = arith.constant 0 : i32
      %dma_start3A_138 = tpu.memref_slice %arg8[%add3A_133, %dma_start3A_137] : memref<160x128xi32, #tpu.memory_space<vmem>> -> memref<1x128xi32, #tpu.memory_space<vmem>>
      %dma_start3A_139 = tpu.memref_squeeze %dma_start3A_138 : memref<1x128xi32, #tpu.memory_space<vmem>> -> memref<128xi32, #tpu.memory_space<vmem>>
      %dma_start3A_140 = arith.constant 0 : i32
      %dma_start3A_141 = arith.constant 0 : i32
      %dma_start3A_142 = tpu.memref_slice %arg2[%dma_start3A_140, %dma_start3A_141] : memref<20000x64xf32, #tpu.memory_space<hbm>> -> memref<20000x64xf32, #tpu.memory_space<hbm>>
      tpu.enqueue_indirect_dma source(%dma_start3A_142 : memref<20000x64xf32, #tpu.memory_space<hbm>>) target(%dma_start3A_136 : memref<128x64xf32, #tpu.memory_space<vmem>>) offsets(%dma_start3A_139 : memref<128xi32, #tpu.memory_space<vmem>>) semaphore(%arg15 : memref<!tpu.dma_semaphore, #tpu.memory_space<semaphore_mem>>)
      %mul3A_143 = arith.constant 3 : i32
      %mul3A_144 = arith.muli %mul3A_143, %scan3A_114 : i32
      %add3A_145 = arith.constant 0 : i32
      %add3A_146 = arith.addi %mul3A_144, %add3A_145 : i32
      %mul3A_147 = arith.constant 2 : i32
      %mul3A_148 = arith.muli %mul3A_147, %add3A_146 : i32
      %add3A_149 = arith.constant 1 : i32
      %add3A_150 = arith.addi %mul3A_148, %add3A_149 : i32
      %dma_wait3A_151 = arith.constant 128 : i32
      %dma_wait3A_152 = arith.constant 0 : i32
      %dma_wait3A_153 = tpu.memref_slice %arg10[%dma_wait3A_151, %dma_wait3A_152] : memref<768x64xf32, #tpu.memory_space<vmem>> -> memref<128x64xf32, #tpu.memory_space<vmem>>
      %dma_wait3A_154 = arith.constant 0 : i32
      %dma_wait3A_155 = tpu.memref_slice %arg8[%add3A_150, %dma_wait3A_154] : memref<160x128xi32, #tpu.memory_space<vmem>> -> memref<1x128xi32, #tpu.memory_space<vmem>>
      %dma_wait3A_156 = tpu.memref_squeeze %dma_wait3A_155 : memref<1x128xi32, #tpu.memory_space<vmem>> -> memref<128xi32, #tpu.memory_space<vmem>>
      %dma_wait3A_157 = arith.constant 0 : i32
      %dma_wait3A_158 = arith.constant 0 : i32
      %dma_wait3A_159 = tpu.memref_slice %arg2[%dma_wait3A_157, %dma_wait3A_158] : memref<20000x64xf32, #tpu.memory_space<hbm>> -> memref<20000x64xf32, #tpu.memory_space<hbm>>
      tpu.wait_indirect_dma semaphore(%arg12 : memref<!tpu.dma_semaphore, #tpu.memory_space<semaphore_mem>>) src(%dma_wait3A_159 : memref<20000x64xf32, #tpu.memory_space<hbm>>) dst(%dma_wait3A_153 : memref<128x64xf32, #tpu.memory_space<vmem>>)
      "tpu.region"() ({
        %run_scoped3A_283 = tpu.sem_alloc : memref<!tpu.dma_semaphore, #tpu.memory_space<semaphore_mem>>
        %dma_start3A_284 = arith.constant 128 : i32
        %dma_start3A_285 = arith.constant 0 : i32
        %dma_start3A_286 = tpu.memref_slice %arg10[%dma_start3A_284, %dma_start3A_285] : memref<768x64xf32, #tpu.memory_space<vmem>> -> memref<128x64xf32, #tpu.memory_space<vmem>>
        %dma_start3A_287 = arith.constant 0 : i32
        %dma_start3A_288 = tpu.memref_slice %arg9[%add3A_150, %dma_start3A_287] : memref<160x128xi32, #tpu.memory_space<vmem>> -> memref<1x128xi32, #tpu.memory_space<vmem>>
        %dma_start3A_289 = tpu.memref_squeeze %dma_start3A_288 : memref<1x128xi32, #tpu.memory_space<vmem>> -> memref<128xi32, #tpu.memory_space<vmem>>
        %dma_start3A_290 = arith.constant 0 : i32
        %dma_start3A_291 = arith.constant 0 : i32
        %dma_start3A_292 = tpu.memref_slice %arg7[%dma_start3A_290, %dma_start3A_291] : memref<10112x64xf32, #tpu.memory_space<vmem_shared>> -> memref<10112x64xf32, #tpu.memory_space<vmem_shared>>
        tpu.enqueue_indirect_dma source(%dma_start3A_286 : memref<128x64xf32, #tpu.memory_space<vmem>>) target(%dma_start3A_292 : memref<10112x64xf32, #tpu.memory_space<vmem_shared>>) offsets(%dma_start3A_289 : memref<128xi32, #tpu.memory_space<vmem>>) semaphore(%run_scoped3A_283 : memref<!tpu.dma_semaphore, #tpu.memory_space<semaphore_mem>>) {add = true}
        %dma_wait3A_293 = arith.constant 128 : i32
        %dma_wait3A_294 = arith.constant 0 : i32
        %dma_wait3A_295 = tpu.memref_slice %arg10[%dma_wait3A_293, %dma_wait3A_294] : memref<768x64xf32, #tpu.memory_space<vmem>> -> memref<128x64xf32, #tpu.memory_space<vmem>>
        %dma_wait3A_296 = arith.constant 0 : i32
        %dma_wait3A_297 = tpu.memref_slice %arg9[%add3A_150, %dma_wait3A_296] : memref<160x128xi32, #tpu.memory_space<vmem>> -> memref<1x128xi32, #tpu.memory_space<vmem>>
        %dma_wait3A_298 = tpu.memref_squeeze %dma_wait3A_297 : memref<1x128xi32, #tpu.memory_space<vmem>> -> memref<128xi32, #tpu.memory_space<vmem>>
        %dma_wait3A_299 = arith.constant 0 : i32
        %dma_wait3A_300 = arith.constant 0 : i32
        %dma_wait3A_301 = tpu.memref_slice %arg7[%dma_wait3A_299, %dma_wait3A_300] : memref<10112x64xf32, #tpu.memory_space<vmem_shared>> -> memref<10112x64xf32, #tpu.memory_space<vmem_shared>>
        tpu.wait_indirect_dma semaphore(%run_scoped3A_283 : memref<!tpu.dma_semaphore, #tpu.memory_space<semaphore_mem>>) src(%dma_wait3A_295 : memref<128x64xf32, #tpu.memory_space<vmem>>) dst(%dma_wait3A_301 : memref<10112x64xf32, #tpu.memory_space<vmem_shared>>)
        tpu.yield
      }) : () -> ()
      %add3A_160 = arith.constant 4 : i32
      %add3A_161 = arith.addi %add3A_150, %add3A_160 : i32
      %dma_start3A_162 = arith.constant 640 : i32
      %dma_start3A_163 = arith.constant 0 : i32
      %dma_start3A_164 = tpu.memref_slice %arg10[%dma_start3A_162, %dma_start3A_163] : memref<768x64xf32, #tpu.memory_space<vmem>> -> memref<128x64xf32, #tpu.memory_space<vmem>>
      %dma_start3A_165 = arith.constant 0 : i32
      %dma_start3A_166 = tpu.memref_slice %arg8[%add3A_161, %dma_start3A_165] : memref<160x128xi32, #tpu.memory_space<vmem>> -> memref<1x128xi32, #tpu.memory_space<vmem>>
      %dma_start3A_167 = tpu.memref_squeeze %dma_start3A_166 : memref<1x128xi32, #tpu.memory_space<vmem>> -> memref<128xi32, #tpu.memory_space<vmem>>
      %dma_start3A_168 = arith.constant 0 : i32
      %dma_start3A_169 = arith.constant 0 : i32
      %dma_start3A_170 = tpu.memref_slice %arg2[%dma_start3A_168, %dma_start3A_169] : memref<20000x64xf32, #tpu.memory_space<hbm>> -> memref<20000x64xf32, #tpu.memory_space<hbm>>
      tpu.enqueue_indirect_dma source(%dma_start3A_170 : memref<20000x64xf32, #tpu.memory_space<hbm>>) target(%dma_start3A_164 : memref<128x64xf32, #tpu.memory_space<vmem>>) offsets(%dma_start3A_167 : memref<128xi32, #tpu.memory_space<vmem>>) semaphore(%arg16 : memref<!tpu.dma_semaphore, #tpu.memory_space<semaphore_mem>>)
      %mul3A_171 = arith.constant 3 : i32
      %mul3A_172 = arith.muli %mul3A_171, %scan3A_114 : i32
      %add3A_173 = arith.constant 1 : i32
      %add3A_174 = arith.addi %mul3A_172, %add3A_173 : i32
      %mul3A_175 = arith.constant 2 : i32
      %mul3A_176 = arith.muli %mul3A_175, %add3A_174 : i32
      %add3A_177 = arith.constant 0 : i32
      %add3A_178 = arith.addi %mul3A_176, %add3A_177 : i32
      %dma_wait3A_179 = arith.constant 256 : i32
      %dma_wait3A_180 = arith.constant 0 : i32
      %dma_wait3A_181 = tpu.memref_slice %arg10[%dma_wait3A_179, %dma_wait3A_180] : memref<768x64xf32, #tpu.memory_space<vmem>> -> memref<128x64xf32, #tpu.memory_space<vmem>>
      %dma_wait3A_182 = arith.constant 0 : i32
      %dma_wait3A_183 = tpu.memref_slice %arg8[%add3A_178, %dma_wait3A_182] : memref<160x128xi32, #tpu.memory_space<vmem>> -> memref<1x128xi32, #tpu.memory_space<vmem>>
      %dma_wait3A_184 = tpu.memref_squeeze %dma_wait3A_183 : memref<1x128xi32, #tpu.memory_space<vmem>> -> memref<128xi32, #tpu.memory_space<vmem>>
      %dma_wait3A_185 = arith.constant 0 : i32
      %dma_wait3A_186 = arith.constant 0 : i32
      %dma_wait3A_187 = tpu.memref_slice %arg2[%dma_wait3A_185, %dma_wait3A_186] : memref<20000x64xf32, #tpu.memory_space<hbm>> -> memref<20000x64xf32, #tpu.memory_space<hbm>>
      tpu.wait_indirect_dma semaphore(%arg13 : memref<!tpu.dma_semaphore, #tpu.memory_space<semaphore_mem>>) src(%dma_wait3A_187 : memref<20000x64xf32, #tpu.memory_space<hbm>>) dst(%dma_wait3A_181 : memref<128x64xf32, #tpu.memory_space<vmem>>)
      "tpu.region"() ({
        %run_scoped3A_283 = tpu.sem_alloc : memref<!tpu.dma_semaphore, #tpu.memory_space<semaphore_mem>>
        %dma_start3A_284 = arith.constant 256 : i32
        %dma_start3A_285 = arith.constant 0 : i32
        %dma_start3A_286 = tpu.memref_slice %arg10[%dma_start3A_284, %dma_start3A_285] : memref<768x64xf32, #tpu.memory_space<vmem>> -> memref<128x64xf32, #tpu.memory_space<vmem>>
        %dma_start3A_287 = arith.constant 0 : i32
        %dma_start3A_288 = tpu.memref_slice %arg9[%add3A_178, %dma_start3A_287] : memref<160x128xi32, #tpu.memory_space<vmem>> -> memref<1x128xi32, #tpu.memory_space<vmem>>
        %dma_start3A_289 = tpu.memref_squeeze %dma_start3A_288 : memref<1x128xi32, #tpu.memory_space<vmem>> -> memref<128xi32, #tpu.memory_space<vmem>>
        %dma_start3A_290 = arith.constant 0 : i32
        %dma_start3A_291 = arith.constant 0 : i32
        %dma_start3A_292 = tpu.memref_slice %arg7[%dma_start3A_290, %dma_start3A_291] : memref<10112x64xf32, #tpu.memory_space<vmem_shared>> -> memref<10112x64xf32, #tpu.memory_space<vmem_shared>>
        tpu.enqueue_indirect_dma source(%dma_start3A_286 : memref<128x64xf32, #tpu.memory_space<vmem>>) target(%dma_start3A_292 : memref<10112x64xf32, #tpu.memory_space<vmem_shared>>) offsets(%dma_start3A_289 : memref<128xi32, #tpu.memory_space<vmem>>) semaphore(%run_scoped3A_283 : memref<!tpu.dma_semaphore, #tpu.memory_space<semaphore_mem>>) {add = true}
        %dma_wait3A_293 = arith.constant 256 : i32
        %dma_wait3A_294 = arith.constant 0 : i32
        %dma_wait3A_295 = tpu.memref_slice %arg10[%dma_wait3A_293, %dma_wait3A_294] : memref<768x64xf32, #tpu.memory_space<vmem>> -> memref<128x64xf32, #tpu.memory_space<vmem>>
        %dma_wait3A_296 = arith.constant 0 : i32
        %dma_wait3A_297 = tpu.memref_slice %arg9[%add3A_178, %dma_wait3A_296] : memref<160x128xi32, #tpu.memory_space<vmem>> -> memref<1x128xi32, #tpu.memory_space<vmem>>
        %dma_wait3A_298 = tpu.memref_squeeze %dma_wait3A_297 : memref<1x128xi32, #tpu.memory_space<vmem>> -> memref<128xi32, #tpu.memory_space<vmem>>
        %dma_wait3A_299 = arith.constant 0 : i32
        %dma_wait3A_300 = arith.constant 0 : i32
        %dma_wait3A_301 = tpu.memref_slice %arg7[%dma_wait3A_299, %dma_wait3A_300] : memref<10112x64xf32, #tpu.memory_space<vmem_shared>> -> memref<10112x64xf32, #tpu.memory_space<vmem_shared>>
        tpu.wait_indirect_dma semaphore(%run_scoped3A_283 : memref<!tpu.dma_semaphore, #tpu.memory_space<semaphore_mem>>) src(%dma_wait3A_295 : memref<128x64xf32, #tpu.memory_space<vmem>>) dst(%dma_wait3A_301 : memref<10112x64xf32, #tpu.memory_space<vmem_shared>>)
        tpu.yield
      }) : () -> ()
      %add3A_188 = arith.constant 4 : i32
      %add3A_189 = arith.addi %add3A_178, %add3A_188 : i32
      %dma_start3A_190 = arith.constant 0 : i32
      %dma_start3A_191 = arith.constant 0 : i32
      %dma_start3A_192 = tpu.memref_slice %arg10[%dma_start3A_190, %dma_start3A_191] : memref<768x64xf32, #tpu.memory_space<vmem>> -> memref<128x64xf32, #tpu.memory_space<vmem>>
      %dma_start3A_193 = arith.constant 0 : i32
      %dma_start3A_194 = tpu.memref_slice %arg8[%add3A_189, %dma_start3A_193] : memref<160x128xi32, #tpu.memory_space<vmem>> -> memref<1x128xi32, #tpu.memory_space<vmem>>
      %dma_start3A_195 = tpu.memref_squeeze %dma_start3A_194 : memref<1x128xi32, #tpu.memory_space<vmem>> -> memref<128xi32, #tpu.memory_space<vmem>>
      %dma_start3A_196 = arith.constant 0 : i32
      %dma_start3A_197 = arith.constant 0 : i32
      %dma_start3A_198 = tpu.memref_slice %arg2[%dma_start3A_196, %dma_start3A_197] : memref<20000x64xf32, #tpu.memory_space<hbm>> -> memref<20000x64xf32, #tpu.memory_space<hbm>>
      tpu.enqueue_indirect_dma source(%dma_start3A_198 : memref<20000x64xf32, #tpu.memory_space<hbm>>) target(%dma_start3A_192 : memref<128x64xf32, #tpu.memory_space<vmem>>) offsets(%dma_start3A_195 : memref<128xi32, #tpu.memory_space<vmem>>) semaphore(%arg11 : memref<!tpu.dma_semaphore, #tpu.memory_space<semaphore_mem>>)
      %mul3A_199 = arith.constant 3 : i32
      %mul3A_200 = arith.muli %mul3A_199, %scan3A_114 : i32
      %add3A_201 = arith.constant 1 : i32
      %add3A_202 = arith.addi %mul3A_200, %add3A_201 : i32
      %mul3A_203 = arith.constant 2 : i32
      %mul3A_204 = arith.muli %mul3A_203, %add3A_202 : i32
      %add3A_205 = arith.constant 1 : i32
      %add3A_206 = arith.addi %mul3A_204, %add3A_205 : i32
      %dma_wait3A_207 = arith.constant 384 : i32
      %dma_wait3A_208 = arith.constant 0 : i32
      %dma_wait3A_209 = tpu.memref_slice %arg10[%dma_wait3A_207, %dma_wait3A_208] : memref<768x64xf32, #tpu.memory_space<vmem>> -> memref<128x64xf32, #tpu.memory_space<vmem>>
      %dma_wait3A_210 = arith.constant 0 : i32
      %dma_wait3A_211 = tpu.memref_slice %arg8[%add3A_206, %dma_wait3A_210] : memref<160x128xi32, #tpu.memory_space<vmem>> -> memref<1x128xi32, #tpu.memory_space<vmem>>
      %dma_wait3A_212 = tpu.memref_squeeze %dma_wait3A_211 : memref<1x128xi32, #tpu.memory_space<vmem>> -> memref<128xi32, #tpu.memory_space<vmem>>
      %dma_wait3A_213 = arith.constant 0 : i32
      %dma_wait3A_214 = arith.constant 0 : i32
      %dma_wait3A_215 = tpu.memref_slice %arg2[%dma_wait3A_213, %dma_wait3A_214] : memref<20000x64xf32, #tpu.memory_space<hbm>> -> memref<20000x64xf32, #tpu.memory_space<hbm>>
      tpu.wait_indirect_dma semaphore(%arg14 : memref<!tpu.dma_semaphore, #tpu.memory_space<semaphore_mem>>) src(%dma_wait3A_215 : memref<20000x64xf32, #tpu.memory_space<hbm>>) dst(%dma_wait3A_209 : memref<128x64xf32, #tpu.memory_space<vmem>>)
      "tpu.region"() ({
        %run_scoped3A_283 = tpu.sem_alloc : memref<!tpu.dma_semaphore, #tpu.memory_space<semaphore_mem>>
        %dma_start3A_284 = arith.constant 384 : i32
        %dma_start3A_285 = arith.constant 0 : i32
        %dma_start3A_286 = tpu.memref_slice %arg10[%dma_start3A_284, %dma_start3A_285] : memref<768x64xf32, #tpu.memory_space<vmem>> -> memref<128x64xf32, #tpu.memory_space<vmem>>
        %dma_start3A_287 = arith.constant 0 : i32
        %dma_start3A_288 = tpu.memref_slice %arg9[%add3A_206, %dma_start3A_287] : memref<160x128xi32, #tpu.memory_space<vmem>> -> memref<1x128xi32, #tpu.memory_space<vmem>>
        %dma_start3A_289 = tpu.memref_squeeze %dma_start3A_288 : memref<1x128xi32, #tpu.memory_space<vmem>> -> memref<128xi32, #tpu.memory_space<vmem>>
        %dma_start3A_290 = arith.constant 0 : i32
        %dma_start3A_291 = arith.constant 0 : i32
        %dma_start3A_292 = tpu.memref_slice %arg7[%dma_start3A_290, %dma_start3A_291] : memref<10112x64xf32, #tpu.memory_space<vmem_shared>> -> memref<10112x64xf32, #tpu.memory_space<vmem_shared>>
        tpu.enqueue_indirect_dma source(%dma_start3A_286 : memref<128x64xf32, #tpu.memory_space<vmem>>) target(%dma_start3A_292 : memref<10112x64xf32, #tpu.memory_space<vmem_shared>>) offsets(%dma_start3A_289 : memref<128xi32, #tpu.memory_space<vmem>>) semaphore(%run_scoped3A_283 : memref<!tpu.dma_semaphore, #tpu.memory_space<semaphore_mem>>) {add = true}
        %dma_wait3A_293 = arith.constant 384 : i32
        %dma_wait3A_294 = arith.constant 0 : i32
        %dma_wait3A_295 = tpu.memref_slice %arg10[%dma_wait3A_293, %dma_wait3A_294] : memref<768x64xf32, #tpu.memory_space<vmem>> -> memref<128x64xf32, #tpu.memory_space<vmem>>
        %dma_wait3A_296 = arith.constant 0 : i32
        %dma_wait3A_297 = tpu.memref_slice %arg9[%add3A_206, %dma_wait3A_296] : memref<160x128xi32, #tpu.memory_space<vmem>> -> memref<1x128xi32, #tpu.memory_space<vmem>>
        %dma_wait3A_298 = tpu.memref_squeeze %dma_wait3A_297 : memref<1x128xi32, #tpu.memory_space<vmem>> -> memref<128xi32, #tpu.memory_space<vmem>>
        %dma_wait3A_299 = arith.constant 0 : i32
        %dma_wait3A_300 = arith.constant 0 : i32
        %dma_wait3A_301 = tpu.memref_slice %arg7[%dma_wait3A_299, %dma_wait3A_300] : memref<10112x64xf32, #tpu.memory_space<vmem_shared>> -> memref<10112x64xf32, #tpu.memory_space<vmem_shared>>
        tpu.wait_indirect_dma semaphore(%run_scoped3A_283 : memref<!tpu.dma_semaphore, #tpu.memory_space<semaphore_mem>>) src(%dma_wait3A_295 : memref<128x64xf32, #tpu.memory_space<vmem>>) dst(%dma_wait3A_301 : memref<10112x64xf32, #tpu.memory_space<vmem_shared>>)
        tpu.yield
      }) : () -> ()
      %add3A_216 = arith.constant 4 : i32
      %add3A_217 = arith.addi %add3A_206, %add3A_216 : i32
      %dma_start3A_218 = arith.constant 128 : i32
      %dma_start3A_219 = arith.constant 0 : i32
      %dma_start3A_220 = tpu.memref_slice %arg10[%dma_start3A_218, %dma_start3A_219] : memref<768x64xf32, #tpu.memory_space<vmem>> -> memref<128x64xf32, #tpu.memory_space<vmem>>
      %dma_start3A_221 = arith.constant 0 : i32
      %dma_start3A_222 = tpu.memref_slice %arg8[%add3A_217, %dma_start3A_221] : memref<160x128xi32, #tpu.memory_space<vmem>> -> memref<1x128xi32, #tpu.memory_space<vmem>>
      %dma_start3A_223 = tpu.memref_squeeze %dma_start3A_222 : memref<1x128xi32, #tpu.memory_space<vmem>> -> memref<128xi32, #tpu.memory_space<vmem>>
      %dma_start3A_224 = arith.constant 0 : i32
      %dma_start3A_225 = arith.constant 0 : i32
      %dma_start3A_226 = tpu.memref_slice %arg2[%dma_start3A_224, %dma_start3A_225] : memref<20000x64xf32, #tpu.memory_space<hbm>> -> memref<20000x64xf32, #tpu.memory_space<hbm>>
      tpu.enqueue_indirect_dma source(%dma_start3A_226 : memref<20000x64xf32, #tpu.memory_space<hbm>>) target(%dma_start3A_220 : memref<128x64xf32, #tpu.memory_space<vmem>>) offsets(%dma_start3A_223 : memref<128xi32, #tpu.memory_space<vmem>>) semaphore(%arg12 : memref<!tpu.dma_semaphore, #tpu.memory_space<semaphore_mem>>)
      %mul3A_227 = arith.constant 3 : i32
      %mul3A_228 = arith.muli %mul3A_227, %scan3A_114 : i32
      %add3A_229 = arith.constant 2 : i32
      %add3A_230 = arith.addi %mul3A_228, %add3A_229 : i32
      %mul3A_231 = arith.constant 2 : i32
      %mul3A_232 = arith.muli %mul3A_231, %add3A_230 : i32
      %add3A_233 = arith.constant 0 : i32
      %add3A_234 = arith.addi %mul3A_232, %add3A_233 : i32
      %dma_wait3A_235 = arith.constant 512 : i32
      %dma_wait3A_236 = arith.constant 0 : i32
      %dma_wait3A_237 = tpu.memref_slice %arg10[%dma_wait3A_235, %dma_wait3A_236] : memref<768x64xf32, #tpu.memory_space<vmem>> -> memref<128x64xf32, #tpu.memory_space<vmem>>
      %dma_wait3A_238 = arith.constant 0 : i32
      %dma_wait3A_239 = tpu.memref_slice %arg8[%add3A_234, %dma_wait3A_238] : memref<160x128xi32, #tpu.memory_space<vmem>> -> memref<1x128xi32, #tpu.memory_space<vmem>>
      %dma_wait3A_240 = tpu.memref_squeeze %dma_wait3A_239 : memref<1x128xi32, #tpu.memory_space<vmem>> -> memref<128xi32, #tpu.memory_space<vmem>>
      %dma_wait3A_241 = arith.constant 0 : i32
      %dma_wait3A_242 = arith.constant 0 : i32
      %dma_wait3A_243 = tpu.memref_slice %arg2[%dma_wait3A_241, %dma_wait3A_242] : memref<20000x64xf32, #tpu.memory_space<hbm>> -> memref<20000x64xf32, #tpu.memory_space<hbm>>
      tpu.wait_indirect_dma semaphore(%arg15 : memref<!tpu.dma_semaphore, #tpu.memory_space<semaphore_mem>>) src(%dma_wait3A_243 : memref<20000x64xf32, #tpu.memory_space<hbm>>) dst(%dma_wait3A_237 : memref<128x64xf32, #tpu.memory_space<vmem>>)
      "tpu.region"() ({
        %run_scoped3A_283 = tpu.sem_alloc : memref<!tpu.dma_semaphore, #tpu.memory_space<semaphore_mem>>
        %dma_start3A_284 = arith.constant 512 : i32
        %dma_start3A_285 = arith.constant 0 : i32
        %dma_start3A_286 = tpu.memref_slice %arg10[%dma_start3A_284, %dma_start3A_285] : memref<768x64xf32, #tpu.memory_space<vmem>> -> memref<128x64xf32, #tpu.memory_space<vmem>>
        %dma_start3A_287 = arith.constant 0 : i32
        %dma_start3A_288 = tpu.memref_slice %arg9[%add3A_234, %dma_start3A_287] : memref<160x128xi32, #tpu.memory_space<vmem>> -> memref<1x128xi32, #tpu.memory_space<vmem>>
        %dma_start3A_289 = tpu.memref_squeeze %dma_start3A_288 : memref<1x128xi32, #tpu.memory_space<vmem>> -> memref<128xi32, #tpu.memory_space<vmem>>
        %dma_start3A_290 = arith.constant 0 : i32
        %dma_start3A_291 = arith.constant 0 : i32
        %dma_start3A_292 = tpu.memref_slice %arg7[%dma_start3A_290, %dma_start3A_291] : memref<10112x64xf32, #tpu.memory_space<vmem_shared>> -> memref<10112x64xf32, #tpu.memory_space<vmem_shared>>
        tpu.enqueue_indirect_dma source(%dma_start3A_286 : memref<128x64xf32, #tpu.memory_space<vmem>>) target(%dma_start3A_292 : memref<10112x64xf32, #tpu.memory_space<vmem_shared>>) offsets(%dma_start3A_289 : memref<128xi32, #tpu.memory_space<vmem>>) semaphore(%run_scoped3A_283 : memref<!tpu.dma_semaphore, #tpu.memory_space<semaphore_mem>>) {add = true}
        %dma_wait3A_293 = arith.constant 512 : i32
        %dma_wait3A_294 = arith.constant 0 : i32
        %dma_wait3A_295 = tpu.memref_slice %arg10[%dma_wait3A_293, %dma_wait3A_294] : memref<768x64xf32, #tpu.memory_space<vmem>> -> memref<128x64xf32, #tpu.memory_space<vmem>>
        %dma_wait3A_296 = arith.constant 0 : i32
        %dma_wait3A_297 = tpu.memref_slice %arg9[%add3A_234, %dma_wait3A_296] : memref<160x128xi32, #tpu.memory_space<vmem>> -> memref<1x128xi32, #tpu.memory_space<vmem>>
        %dma_wait3A_298 = tpu.memref_squeeze %dma_wait3A_297 : memref<1x128xi32, #tpu.memory_space<vmem>> -> memref<128xi32, #tpu.memory_space<vmem>>
        %dma_wait3A_299 = arith.constant 0 : i32
        %dma_wait3A_300 = arith.constant 0 : i32
        %dma_wait3A_301 = tpu.memref_slice %arg7[%dma_wait3A_299, %dma_wait3A_300] : memref<10112x64xf32, #tpu.memory_space<vmem_shared>> -> memref<10112x64xf32, #tpu.memory_space<vmem_shared>>
        tpu.wait_indirect_dma semaphore(%run_scoped3A_283 : memref<!tpu.dma_semaphore, #tpu.memory_space<semaphore_mem>>) src(%dma_wait3A_295 : memref<128x64xf32, #tpu.memory_space<vmem>>) dst(%dma_wait3A_301 : memref<10112x64xf32, #tpu.memory_space<vmem_shared>>)
        tpu.yield
      }) : () -> ()
      %add3A_244 = arith.constant 4 : i32
      %add3A_245 = arith.addi %add3A_234, %add3A_244 : i32
      %dma_start3A_246 = arith.constant 256 : i32
      %dma_start3A_247 = arith.constant 0 : i32
      %dma_start3A_248 = tpu.memref_slice %arg10[%dma_start3A_246, %dma_start3A_247] : memref<768x64xf32, #tpu.memory_space<vmem>> -> memref<128x64xf32, #tpu.memory_space<vmem>>
      %dma_start3A_249 = arith.constant 0 : i32
      %dma_start3A_250 = tpu.memref_slice %arg8[%add3A_245, %dma_start3A_249] : memref<160x128xi32, #tpu.memory_space<vmem>> -> memref<1x128xi32, #tpu.memory_space<vmem>>
      %dma_start3A_251 = tpu.memref_squeeze %dma_start3A_250 : memref<1x128xi32, #tpu.memory_space<vmem>> -> memref<128xi32, #tpu.memory_space<vmem>>
      %dma_start3A_252 = arith.constant 0 : i32
      %dma_start3A_253 = arith.constant 0 : i32
      %dma_start3A_254 = tpu.memref_slice %arg2[%dma_start3A_252, %dma_start3A_253] : memref<20000x64xf32, #tpu.memory_space<hbm>> -> memref<20000x64xf32, #tpu.memory_space<hbm>>
      tpu.enqueue_indirect_dma source(%dma_start3A_254 : memref<20000x64xf32, #tpu.memory_space<hbm>>) target(%dma_start3A_248 : memref<128x64xf32, #tpu.memory_space<vmem>>) offsets(%dma_start3A_251 : memref<128xi32, #tpu.memory_space<vmem>>) semaphore(%arg13 : memref<!tpu.dma_semaphore, #tpu.memory_space<semaphore_mem>>)
      %mul3A_255 = arith.constant 3 : i32
      %mul3A_256 = arith.muli %mul3A_255, %scan3A_114 : i32
      %add3A_257 = arith.constant 2 : i32
      %add3A_258 = arith.addi %mul3A_256, %add3A_257 : i32
      %mul3A_259 = arith.constant 2 : i32
      %mul3A_260 = arith.muli %mul3A_259, %add3A_258 : i32
      %add3A_261 = arith.constant 1 : i32
      %add3A_262 = arith.addi %mul3A_260, %add3A_261 : i32
      %dma_wait3A_263 = arith.constant 640 : i32
      %dma_wait3A_264 = arith.constant 0 : i32
      %dma_wait3A_265 = tpu.memref_slice %arg10[%dma_wait3A_263, %dma_wait3A_264] : memref<768x64xf32, #tpu.memory_space<vmem>> -> memref<128x64xf32, #tpu.memory_space<vmem>>
      %dma_wait3A_266 = arith.constant 0 : i32
      %dma_wait3A_267 = tpu.memref_slice %arg8[%add3A_262, %dma_wait3A_266] : memref<160x128xi32, #tpu.memory_space<vmem>> -> memref<1x128xi32, #tpu.memory_space<vmem>>
      %dma_wait3A_268 = tpu.memref_squeeze %dma_wait3A_267 : memref<1x128xi32, #tpu.memory_space<vmem>> -> memref<128xi32, #tpu.memory_space<vmem>>
      %dma_wait3A_269 = arith.constant 0 : i32
      %dma_wait3A_270 = arith.constant 0 : i32
      %dma_wait3A_271 = tpu.memref_slice %arg2[%dma_wait3A_269, %dma_wait3A_270] : memref<20000x64xf32, #tpu.memory_space<hbm>> -> memref<20000x64xf32, #tpu.memory_space<hbm>>
      tpu.wait_indirect_dma semaphore(%arg16 : memref<!tpu.dma_semaphore, #tpu.memory_space<semaphore_mem>>) src(%dma_wait3A_271 : memref<20000x64xf32, #tpu.memory_space<hbm>>) dst(%dma_wait3A_265 : memref<128x64xf32, #tpu.memory_space<vmem>>)
      "tpu.region"() ({
        %run_scoped3A_283 = tpu.sem_alloc : memref<!tpu.dma_semaphore, #tpu.memory_space<semaphore_mem>>
        %dma_start3A_284 = arith.constant 640 : i32
        %dma_start3A_285 = arith.constant 0 : i32
        %dma_start3A_286 = tpu.memref_slice %arg10[%dma_start3A_284, %dma_start3A_285] : memref<768x64xf32, #tpu.memory_space<vmem>> -> memref<128x64xf32, #tpu.memory_space<vmem>>
        %dma_start3A_287 = arith.constant 0 : i32
        %dma_start3A_288 = tpu.memref_slice %arg9[%add3A_262, %dma_start3A_287] : memref<160x128xi32, #tpu.memory_space<vmem>> -> memref<1x128xi32, #tpu.memory_space<vmem>>
        %dma_start3A_289 = tpu.memref_squeeze %dma_start3A_288 : memref<1x128xi32, #tpu.memory_space<vmem>> -> memref<128xi32, #tpu.memory_space<vmem>>
        %dma_start3A_290 = arith.constant 0 : i32
        %dma_start3A_291 = arith.constant 0 : i32
        %dma_start3A_292 = tpu.memref_slice %arg7[%dma_start3A_290, %dma_start3A_291] : memref<10112x64xf32, #tpu.memory_space<vmem_shared>> -> memref<10112x64xf32, #tpu.memory_space<vmem_shared>>
        tpu.enqueue_indirect_dma source(%dma_start3A_286 : memref<128x64xf32, #tpu.memory_space<vmem>>) target(%dma_start3A_292 : memref<10112x64xf32, #tpu.memory_space<vmem_shared>>) offsets(%dma_start3A_289 : memref<128xi32, #tpu.memory_space<vmem>>) semaphore(%run_scoped3A_283 : memref<!tpu.dma_semaphore, #tpu.memory_space<semaphore_mem>>) {add = true}
        %dma_wait3A_293 = arith.constant 640 : i32
        %dma_wait3A_294 = arith.constant 0 : i32
        %dma_wait3A_295 = tpu.memref_slice %arg10[%dma_wait3A_293, %dma_wait3A_294] : memref<768x64xf32, #tpu.memory_space<vmem>> -> memref<128x64xf32, #tpu.memory_space<vmem>>
        %dma_wait3A_296 = arith.constant 0 : i32
        %dma_wait3A_297 = tpu.memref_slice %arg9[%add3A_262, %dma_wait3A_296] : memref<160x128xi32, #tpu.memory_space<vmem>> -> memref<1x128xi32, #tpu.memory_space<vmem>>
        %dma_wait3A_298 = tpu.memref_squeeze %dma_wait3A_297 : memref<1x128xi32, #tpu.memory_space<vmem>> -> memref<128xi32, #tpu.memory_space<vmem>>
        %dma_wait3A_299 = arith.constant 0 : i32
        %dma_wait3A_300 = arith.constant 0 : i32
        %dma_wait3A_301 = tpu.memref_slice %arg7[%dma_wait3A_299, %dma_wait3A_300] : memref<10112x64xf32, #tpu.memory_space<vmem_shared>> -> memref<10112x64xf32, #tpu.memory_space<vmem_shared>>
        tpu.wait_indirect_dma semaphore(%run_scoped3A_283 : memref<!tpu.dma_semaphore, #tpu.memory_space<semaphore_mem>>) src(%dma_wait3A_295 : memref<128x64xf32, #tpu.memory_space<vmem>>) dst(%dma_wait3A_301 : memref<10112x64xf32, #tpu.memory_space<vmem_shared>>)
        tpu.yield
      }) : () -> ()
      %add3A_272 = arith.constant 4 : i32
      %add3A_273 = arith.addi %add3A_262, %add3A_272 : i32
      %dma_start3A_274 = arith.constant 384 : i32
      %dma_start3A_275 = arith.constant 0 : i32
      %dma_start3A_276 = tpu.memref_slice %arg10[%dma_start3A_274, %dma_start3A_275] : memref<768x64xf32, #tpu.memory_space<vmem>> -> memref<128x64xf32, #tpu.memory_space<vmem>>
      %dma_start3A_277 = arith.constant 0 : i32
      %dma_start3A_278 = tpu.memref_slice %arg8[%add3A_273, %dma_start3A_277] : memref<160x128xi32, #tpu.memory_space<vmem>> -> memref<1x128xi32, #tpu.memory_space<vmem>>
      %dma_start3A_279 = tpu.memref_squeeze %dma_start3A_278 : memref<1x128xi32, #tpu.memory_space<vmem>> -> memref<128xi32, #tpu.memory_space<vmem>>
      %dma_start3A_280 = arith.constant 0 : i32
      %dma_start3A_281 = arith.constant 0 : i32
      %dma_start3A_282 = tpu.memref_slice %arg2[%dma_start3A_280, %dma_start3A_281] : memref<20000x64xf32, #tpu.memory_space<hbm>> -> memref<20000x64xf32, #tpu.memory_space<hbm>>
      tpu.enqueue_indirect_dma source(%dma_start3A_282 : memref<20000x64xf32, #tpu.memory_space<hbm>>) target(%dma_start3A_276 : memref<128x64xf32, #tpu.memory_space<vmem>>) offsets(%dma_start3A_279 : memref<128xi32, #tpu.memory_space<vmem>>) semaphore(%arg14 : memref<!tpu.dma_semaphore, #tpu.memory_space<semaphore_mem>>)
    }
    %scan3A_62 = arith.constant 26 : i32
    %dma_wait3A = arith.constant 156 : i32
    %dma_wait3A_63 = arith.constant 0 : i32
    %dma_wait3A_64 = arith.constant 0 : i32
    %dma_wait3A_65 = tpu.memref_slice %arg10[%dma_wait3A_63, %dma_wait3A_64] : memref<768x64xf32, #tpu.memory_space<vmem>> -> memref<128x64xf32, #tpu.memory_space<vmem>>
    %dma_wait3A_66 = arith.constant 0 : i32
    %dma_wait3A_67 = tpu.memref_slice %arg8[%dma_wait3A, %dma_wait3A_66] : memref<160x128xi32, #tpu.memory_space<vmem>> -> memref<1x128xi32, #tpu.memory_space<vmem>>
    %dma_wait3A_68 = tpu.memref_squeeze %dma_wait3A_67 : memref<1x128xi32, #tpu.memory_space<vmem>> -> memref<128xi32, #tpu.memory_space<vmem>>
    %dma_wait3A_69 = arith.constant 0 : i32
    %dma_wait3A_70 = arith.constant 0 : i32
    %dma_wait3A_71 = tpu.memref_slice %arg2[%dma_wait3A_69, %dma_wait3A_70] : memref<20000x64xf32, #tpu.memory_space<hbm>> -> memref<20000x64xf32, #tpu.memory_space<hbm>>
    tpu.wait_indirect_dma semaphore(%arg11 : memref<!tpu.dma_semaphore, #tpu.memory_space<semaphore_mem>>) src(%dma_wait3A_71 : memref<20000x64xf32, #tpu.memory_space<hbm>>) dst(%dma_wait3A_65 : memref<128x64xf32, #tpu.memory_space<vmem>>)
    %run_scoped3A = arith.constant 156 : i32
    "tpu.region"() ({
      %run_scoped3A_114 = tpu.sem_alloc : memref<!tpu.dma_semaphore, #tpu.memory_space<semaphore_mem>>
      %dma_start3A_115 = arith.constant 0 : i32
      %dma_start3A_116 = arith.constant 0 : i32
      %dma_start3A_117 = tpu.memref_slice %arg10[%dma_start3A_115, %dma_start3A_116] : memref<768x64xf32, #tpu.memory_space<vmem>> -> memref<128x64xf32, #tpu.memory_space<vmem>>
      %dma_start3A_118 = arith.constant 0 : i32
      %dma_start3A_119 = tpu.memref_slice %arg9[%run_scoped3A, %dma_start3A_118] : memref<160x128xi32, #tpu.memory_space<vmem>> -> memref<1x128xi32, #tpu.memory_space<vmem>>
      %dma_start3A_120 = tpu.memref_squeeze %dma_start3A_119 : memref<1x128xi32, #tpu.memory_space<vmem>> -> memref<128xi32, #tpu.memory_space<vmem>>
      %dma_start3A_121 = arith.constant 0 : i32
      %dma_start3A_122 = arith.constant 0 : i32
      %dma_start3A_123 = tpu.memref_slice %arg7[%dma_start3A_121, %dma_start3A_122] : memref<10112x64xf32, #tpu.memory_space<vmem_shared>> -> memref<10112x64xf32, #tpu.memory_space<vmem_shared>>
      tpu.enqueue_indirect_dma source(%dma_start3A_117 : memref<128x64xf32, #tpu.memory_space<vmem>>) target(%dma_start3A_123 : memref<10112x64xf32, #tpu.memory_space<vmem_shared>>) offsets(%dma_start3A_120 : memref<128xi32, #tpu.memory_space<vmem>>) semaphore(%run_scoped3A_114 : memref<!tpu.dma_semaphore, #tpu.memory_space<semaphore_mem>>) {add = true}
      %dma_wait3A_124 = arith.constant 0 : i32
      %dma_wait3A_125 = arith.constant 0 : i32
      %dma_wait3A_126 = tpu.memref_slice %arg10[%dma_wait3A_124, %dma_wait3A_125] : memref<768x64xf32, #tpu.memory_space<vmem>> -> memref<128x64xf32, #tpu.memory_space<vmem>>
      %dma_wait3A_127 = arith.constant 0 : i32
      %dma_wait3A_128 = tpu.memref_slice %arg9[%run_scoped3A, %dma_wait3A_127] : memref<160x128xi32, #tpu.memory_space<vmem>> -> memref<1x128xi32, #tpu.memory_space<vmem>>
      %dma_wait3A_129 = tpu.memref_squeeze %dma_wait3A_128 : memref<1x128xi32, #tpu.memory_space<vmem>> -> memref<128xi32, #tpu.memory_space<vmem>>
      %dma_wait3A_130 = arith.constant 0 : i32
      %dma_wait3A_131 = arith.constant 0 : i32
      %dma_wait3A_132 = tpu.memref_slice %arg7[%dma_wait3A_130, %dma_wait3A_131] : memref<10112x64xf32, #tpu.memory_space<vmem_shared>> -> memref<10112x64xf32, #tpu.memory_space<vmem_shared>>
      tpu.wait_indirect_dma semaphore(%run_scoped3A_114 : memref<!tpu.dma_semaphore, #tpu.memory_space<semaphore_mem>>) src(%dma_wait3A_126 : memref<128x64xf32, #tpu.memory_space<vmem>>) dst(%dma_wait3A_132 : memref<10112x64xf32, #tpu.memory_space<vmem_shared>>)
      tpu.yield
    }) : () -> ()
    %dma_wait3A_72 = arith.constant 157 : i32
    %dma_wait3A_73 = arith.constant 128 : i32
    %dma_wait3A_74 = arith.constant 0 : i32
    %dma_wait3A_75 = tpu.memref_slice %arg10[%dma_wait3A_73, %dma_wait3A_74] : memref<768x64xf32, #tpu.memory_space<vmem>> -> memref<128x64xf32, #tpu.memory_space<vmem>>
    %dma_wait3A_76 = arith.constant 0 : i32
    %dma_wait3A_77 = tpu.memref_slice %arg8[%dma_wait3A_72, %dma_wait3A_76] : memref<160x128xi32, #tpu.memory_space<vmem>> -> memref<1x128xi32, #tpu.memory_space<vmem>>
    %dma_wait3A_78 = tpu.memref_squeeze %dma_wait3A_77 : memref<1x128xi32, #tpu.memory_space<vmem>> -> memref<128xi32, #tpu.memory_space<vmem>>
    %dma_wait3A_79 = arith.constant 0 : i32
    %dma_wait3A_80 = arith.constant 0 : i32
    %dma_wait3A_81 = tpu.memref_slice %arg2[%dma_wait3A_79, %dma_wait3A_80] : memref<20000x64xf32, #tpu.memory_space<hbm>> -> memref<20000x64xf32, #tpu.memory_space<hbm>>
    tpu.wait_indirect_dma semaphore(%arg12 : memref<!tpu.dma_semaphore, #tpu.memory_space<semaphore_mem>>) src(%dma_wait3A_81 : memref<20000x64xf32, #tpu.memory_space<hbm>>) dst(%dma_wait3A_75 : memref<128x64xf32, #tpu.memory_space<vmem>>)
    %run_scoped3A_82 = arith.constant 157 : i32
    "tpu.region"() ({
      %run_scoped3A_114 = tpu.sem_alloc : memref<!tpu.dma_semaphore, #tpu.memory_space<semaphore_mem>>
      %dma_start3A_115 = arith.constant 128 : i32
      %dma_start3A_116 = arith.constant 0 : i32
      %dma_start3A_117 = tpu.memref_slice %arg10[%dma_start3A_115, %dma_start3A_116] : memref<768x64xf32, #tpu.memory_space<vmem>> -> memref<128x64xf32, #tpu.memory_space<vmem>>
      %dma_start3A_118 = arith.constant 0 : i32
      %dma_start3A_119 = tpu.memref_slice %arg9[%run_scoped3A_82, %dma_start3A_118] : memref<160x128xi32, #tpu.memory_space<vmem>> -> memref<1x128xi32, #tpu.memory_space<vmem>>
      %dma_start3A_120 = tpu.memref_squeeze %dma_start3A_119 : memref<1x128xi32, #tpu.memory_space<vmem>> -> memref<128xi32, #tpu.memory_space<vmem>>
      %dma_start3A_121 = arith.constant 0 : i32
      %dma_start3A_122 = arith.constant 0 : i32
      %dma_start3A_123 = tpu.memref_slice %arg7[%dma_start3A_121, %dma_start3A_122] : memref<10112x64xf32, #tpu.memory_space<vmem_shared>> -> memref<10112x64xf32, #tpu.memory_space<vmem_shared>>
      tpu.enqueue_indirect_dma source(%dma_start3A_117 : memref<128x64xf32, #tpu.memory_space<vmem>>) target(%dma_start3A_123 : memref<10112x64xf32, #tpu.memory_space<vmem_shared>>) offsets(%dma_start3A_120 : memref<128xi32, #tpu.memory_space<vmem>>) semaphore(%run_scoped3A_114 : memref<!tpu.dma_semaphore, #tpu.memory_space<semaphore_mem>>) {add = true}
      %dma_wait3A_124 = arith.constant 128 : i32
      %dma_wait3A_125 = arith.constant 0 : i32
      %dma_wait3A_126 = tpu.memref_slice %arg10[%dma_wait3A_124, %dma_wait3A_125] : memref<768x64xf32, #tpu.memory_space<vmem>> -> memref<128x64xf32, #tpu.memory_space<vmem>>
      %dma_wait3A_127 = arith.constant 0 : i32
      %dma_wait3A_128 = tpu.memref_slice %arg9[%run_scoped3A_82, %dma_wait3A_127] : memref<160x128xi32, #tpu.memory_space<vmem>> -> memref<1x128xi32, #tpu.memory_space<vmem>>
      %dma_wait3A_129 = tpu.memref_squeeze %dma_wait3A_128 : memref<1x128xi32, #tpu.memory_space<vmem>> -> memref<128xi32, #tpu.memory_space<vmem>>
      %dma_wait3A_130 = arith.constant 0 : i32
      %dma_wait3A_131 = arith.constant 0 : i32
      %dma_wait3A_132 = tpu.memref_slice %arg7[%dma_wait3A_130, %dma_wait3A_131] : memref<10112x64xf32, #tpu.memory_space<vmem_shared>> -> memref<10112x64xf32, #tpu.memory_space<vmem_shared>>
      tpu.wait_indirect_dma semaphore(%run_scoped3A_114 : memref<!tpu.dma_semaphore, #tpu.memory_space<semaphore_mem>>) src(%dma_wait3A_126 : memref<128x64xf32, #tpu.memory_space<vmem>>) dst(%dma_wait3A_132 : memref<10112x64xf32, #tpu.memory_space<vmem_shared>>)
      tpu.yield
    }) : () -> ()
    %dma_wait3A_83 = arith.constant 158 : i32
    %dma_wait3A_84 = arith.constant 256 : i32
    %dma_wait3A_85 = arith.constant 0 : i32
    %dma_wait3A_86 = tpu.memref_slice %arg10[%dma_wait3A_84, %dma_wait3A_85] : memref<768x64xf32, #tpu.memory_space<vmem>> -> memref<128x64xf32, #tpu.memory_space<vmem>>
    %dma_wait3A_87 = arith.constant 0 : i32
    %dma_wait3A_88 = tpu.memref_slice %arg8[%dma_wait3A_83, %dma_wait3A_87] : memref<160x128xi32, #tpu.memory_space<vmem>> -> memref<1x128xi32, #tpu.memory_space<vmem>>
    %dma_wait3A_89 = tpu.memref_squeeze %dma_wait3A_88 : memref<1x128xi32, #tpu.memory_space<vmem>> -> memref<128xi32, #tpu.memory_space<vmem>>
    %dma_wait3A_90 = arith.constant 0 : i32
    %dma_wait3A_91 = arith.constant 0 : i32
    %dma_wait3A_92 = tpu.memref_slice %arg2[%dma_wait3A_90, %dma_wait3A_91] : memref<20000x64xf32, #tpu.memory_space<hbm>> -> memref<20000x64xf32, #tpu.memory_space<hbm>>
    tpu.wait_indirect_dma semaphore(%arg13 : memref<!tpu.dma_semaphore, #tpu.memory_space<semaphore_mem>>) src(%dma_wait3A_92 : memref<20000x64xf32, #tpu.memory_space<hbm>>) dst(%dma_wait3A_86 : memref<128x64xf32, #tpu.memory_space<vmem>>)
    %run_scoped3A_93 = arith.constant 158 : i32
    "tpu.region"() ({
      %run_scoped3A_114 = tpu.sem_alloc : memref<!tpu.dma_semaphore, #tpu.memory_space<semaphore_mem>>
      %dma_start3A_115 = arith.constant 256 : i32
      %dma_start3A_116 = arith.constant 0 : i32
      %dma_start3A_117 = tpu.memref_slice %arg10[%dma_start3A_115, %dma_start3A_116] : memref<768x64xf32, #tpu.memory_space<vmem>> -> memref<128x64xf32, #tpu.memory_space<vmem>>
      %dma_start3A_118 = arith.constant 0 : i32
      %dma_start3A_119 = tpu.memref_slice %arg9[%run_scoped3A_93, %dma_start3A_118] : memref<160x128xi32, #tpu.memory_space<vmem>> -> memref<1x128xi32, #tpu.memory_space<vmem>>
      %dma_start3A_120 = tpu.memref_squeeze %dma_start3A_119 : memref<1x128xi32, #tpu.memory_space<vmem>> -> memref<128xi32, #tpu.memory_space<vmem>>
      %dma_start3A_121 = arith.constant 0 : i32
      %dma_start3A_122 = arith.constant 0 : i32
      %dma_start3A_123 = tpu.memref_slice %arg7[%dma_start3A_121, %dma_start3A_122] : memref<10112x64xf32, #tpu.memory_space<vmem_shared>> -> memref<10112x64xf32, #tpu.memory_space<vmem_shared>>
      tpu.enqueue_indirect_dma source(%dma_start3A_117 : memref<128x64xf32, #tpu.memory_space<vmem>>) target(%dma_start3A_123 : memref<10112x64xf32, #tpu.memory_space<vmem_shared>>) offsets(%dma_start3A_120 : memref<128xi32, #tpu.memory_space<vmem>>) semaphore(%run_scoped3A_114 : memref<!tpu.dma_semaphore, #tpu.memory_space<semaphore_mem>>) {add = true}
      %dma_wait3A_124 = arith.constant 256 : i32
      %dma_wait3A_125 = arith.constant 0 : i32
      %dma_wait3A_126 = tpu.memref_slice %arg10[%dma_wait3A_124, %dma_wait3A_125] : memref<768x64xf32, #tpu.memory_space<vmem>> -> memref<128x64xf32, #tpu.memory_space<vmem>>
      %dma_wait3A_127 = arith.constant 0 : i32
      %dma_wait3A_128 = tpu.memref_slice %arg9[%run_scoped3A_93, %dma_wait3A_127] : memref<160x128xi32, #tpu.memory_space<vmem>> -> memref<1x128xi32, #tpu.memory_space<vmem>>
      %dma_wait3A_129 = tpu.memref_squeeze %dma_wait3A_128 : memref<1x128xi32, #tpu.memory_space<vmem>> -> memref<128xi32, #tpu.memory_space<vmem>>
      %dma_wait3A_130 = arith.constant 0 : i32
      %dma_wait3A_131 = arith.constant 0 : i32
      %dma_wait3A_132 = tpu.memref_slice %arg7[%dma_wait3A_130, %dma_wait3A_131] : memref<10112x64xf32, #tpu.memory_space<vmem_shared>> -> memref<10112x64xf32, #tpu.memory_space<vmem_shared>>
      tpu.wait_indirect_dma semaphore(%run_scoped3A_114 : memref<!tpu.dma_semaphore, #tpu.memory_space<semaphore_mem>>) src(%dma_wait3A_126 : memref<128x64xf32, #tpu.memory_space<vmem>>) dst(%dma_wait3A_132 : memref<10112x64xf32, #tpu.memory_space<vmem_shared>>)
      tpu.yield
    }) : () -> ()
    %dma_wait3A_94 = arith.constant 159 : i32
    %dma_wait3A_95 = arith.constant 384 : i32
    %dma_wait3A_96 = arith.constant 0 : i32
    %dma_wait3A_97 = tpu.memref_slice %arg10[%dma_wait3A_95, %dma_wait3A_96] : memref<768x64xf32, #tpu.memory_space<vmem>> -> memref<128x64xf32, #tpu.memory_space<vmem>>
    %dma_wait3A_98 = arith.constant 0 : i32
    %dma_wait3A_99 = tpu.memref_slice %arg8[%dma_wait3A_94, %dma_wait3A_98] : memref<160x128xi32, #tpu.memory_space<vmem>> -> memref<1x128xi32, #tpu.memory_space<vmem>>
    %dma_wait3A_100 = tpu.memref_squeeze %dma_wait3A_99 : memref<1x128xi32, #tpu.memory_space<vmem>> -> memref<128xi32, #tpu.memory_space<vmem>>
    %dma_wait3A_101 = arith.constant 0 : i32
    %dma_wait3A_102 = arith.constant 0 : i32
    %dma_wait3A_103 = tpu.memref_slice %arg2[%dma_wait3A_101, %dma_wait3A_102] : memref<20000x64xf32, #tpu.memory_space<hbm>> -> memref<20000x64xf32, #tpu.memory_space<hbm>>
    tpu.wait_indirect_dma semaphore(%arg14 : memref<!tpu.dma_semaphore, #tpu.memory_space<semaphore_mem>>) src(%dma_wait3A_103 : memref<20000x64xf32, #tpu.memory_space<hbm>>) dst(%dma_wait3A_97 : memref<128x64xf32, #tpu.memory_space<vmem>>)
    %run_scoped3A_104 = arith.constant 159 : i32
    "tpu.region"() ({
      %run_scoped3A_114 = tpu.sem_alloc : memref<!tpu.dma_semaphore, #tpu.memory_space<semaphore_mem>>
      %dma_start3A_115 = arith.constant 384 : i32
      %dma_start3A_116 = arith.constant 0 : i32
      %dma_start3A_117 = tpu.memref_slice %arg10[%dma_start3A_115, %dma_start3A_116] : memref<768x64xf32, #tpu.memory_space<vmem>> -> memref<128x64xf32, #tpu.memory_space<vmem>>
      %dma_start3A_118 = arith.constant 0 : i32
      %dma_start3A_119 = tpu.memref_slice %arg9[%run_scoped3A_104, %dma_start3A_118] : memref<160x128xi32, #tpu.memory_space<vmem>> -> memref<1x128xi32, #tpu.memory_space<vmem>>
      %dma_start3A_120 = tpu.memref_squeeze %dma_start3A_119 : memref<1x128xi32, #tpu.memory_space<vmem>> -> memref<128xi32, #tpu.memory_space<vmem>>
      %dma_start3A_121 = arith.constant 0 : i32
      %dma_start3A_122 = arith.constant 0 : i32
      %dma_start3A_123 = tpu.memref_slice %arg7[%dma_start3A_121, %dma_start3A_122] : memref<10112x64xf32, #tpu.memory_space<vmem_shared>> -> memref<10112x64xf32, #tpu.memory_space<vmem_shared>>
      tpu.enqueue_indirect_dma source(%dma_start3A_117 : memref<128x64xf32, #tpu.memory_space<vmem>>) target(%dma_start3A_123 : memref<10112x64xf32, #tpu.memory_space<vmem_shared>>) offsets(%dma_start3A_120 : memref<128xi32, #tpu.memory_space<vmem>>) semaphore(%run_scoped3A_114 : memref<!tpu.dma_semaphore, #tpu.memory_space<semaphore_mem>>) {add = true}
      %dma_wait3A_124 = arith.constant 384 : i32
      %dma_wait3A_125 = arith.constant 0 : i32
      %dma_wait3A_126 = tpu.memref_slice %arg10[%dma_wait3A_124, %dma_wait3A_125] : memref<768x64xf32, #tpu.memory_space<vmem>> -> memref<128x64xf32, #tpu.memory_space<vmem>>
      %dma_wait3A_127 = arith.constant 0 : i32
      %dma_wait3A_128 = tpu.memref_slice %arg9[%run_scoped3A_104, %dma_wait3A_127] : memref<160x128xi32, #tpu.memory_space<vmem>> -> memref<1x128xi32, #tpu.memory_space<vmem>>
      %dma_wait3A_129 = tpu.memref_squeeze %dma_wait3A_128 : memref<1x128xi32, #tpu.memory_space<vmem>> -> memref<128xi32, #tpu.memory_space<vmem>>
      %dma_wait3A_130 = arith.constant 0 : i32
      %dma_wait3A_131 = arith.constant 0 : i32
      %dma_wait3A_132 = tpu.memref_slice %arg7[%dma_wait3A_130, %dma_wait3A_131] : memref<10112x64xf32, #tpu.memory_space<vmem_shared>> -> memref<10112x64xf32, #tpu.memory_space<vmem_shared>>
      tpu.wait_indirect_dma semaphore(%run_scoped3A_114 : memref<!tpu.dma_semaphore, #tpu.memory_space<semaphore_mem>>) src(%dma_wait3A_126 : memref<128x64xf32, #tpu.memory_space<vmem>>) dst(%dma_wait3A_132 : memref<10112x64xf32, #tpu.memory_space<vmem_shared>>)
      tpu.yield
    }) : () -> ()
    %barrier3A_105 = arith.constant 0 : index
    tpu.barrier barrier_id(%barrier3A_105)
    %mul3A_106 = arith.constant 632 : i32
    %mul3A_107 = arith.muli %arg1, %mul3A_106 : i32
    %add3A_108 = arith.constant 0 : i32
    %add3A_109 = arith.addi %mul3A_107, %add3A_108 : i32
    "tpu.region"() ({
      %run_scoped3A_114 = tpu.sem_alloc : memref<!tpu.dma_semaphore, #tpu.memory_space<semaphore_mem>>
      %dma_start3A_115 = arith.constant 0 : i32
      %dma_start3A_116 = arith.constant 0 : i32
      %dma_start3A_117 = tpu.memref_slice %arg10[%dma_start3A_115, %dma_start3A_116] : memref<768x64xf32, #tpu.memory_space<vmem>> -> memref<632x64xf32, #tpu.memory_space<vmem>>
      %dma_start3A_118 = arith.constant 0 : i32
      %dma_start3A_119 = tpu.memref_slice %arg7[%add3A_109, %dma_start3A_118] : memref<10112x64xf32, #tpu.memory_space<vmem_shared>> -> memref<632x64xf32, #tpu.memory_space<vmem_shared>>
      %dma_start3A_120 = arith.constant 0 : i32
      %dma_start3A_121 = arith.constant 0 : i32
      %dma_start3A_122 = tpu.memref_slice %arg10[%dma_start3A_120, %dma_start3A_121] : memref<768x64xf32, #tpu.memory_space<vmem>> -> memref<632x64xf32, #tpu.memory_space<vmem>>
      %dma_start3A_123 = arith.constant 0 : i32
      %dma_start3A_124 = tpu.memref_slice %arg7[%add3A_109, %dma_start3A_123] : memref<10112x64xf32, #tpu.memory_space<vmem_shared>> -> memref<632x64xf32, #tpu.memory_space<vmem_shared>>
      tpu.enqueue_dma source(%dma_start3A_124 : memref<632x64xf32, #tpu.memory_space<vmem_shared>>) target(%dma_start3A_122 : memref<632x64xf32, #tpu.memory_space<vmem>>) target_semaphore(%run_scoped3A_114 : memref<!tpu.dma_semaphore, #tpu.memory_space<semaphore_mem>>)
      %dma_wait3A_125 = arith.constant 0 : i32
      %dma_wait3A_126 = arith.constant 0 : i32
      %dma_wait3A_127 = tpu.memref_slice %arg10[%dma_wait3A_125, %dma_wait3A_126] : memref<768x64xf32, #tpu.memory_space<vmem>> -> memref<632x64xf32, #tpu.memory_space<vmem>>
      %dma_wait3A_128 = arith.constant 0 : i32
      %dma_wait3A_129 = tpu.memref_slice %arg7[%add3A_109, %dma_wait3A_128] : memref<10112x64xf32, #tpu.memory_space<vmem_shared>> -> memref<632x64xf32, #tpu.memory_space<vmem_shared>>
      %dma_wait3A_130 = arith.constant 0 : i32
      %dma_wait3A_131 = arith.constant 0 : i32
      %dma_wait3A_132 = tpu.memref_slice %arg10[%dma_wait3A_130, %dma_wait3A_131] : memref<768x64xf32, #tpu.memory_space<vmem>> -> memref<632x64xf32, #tpu.memory_space<vmem>>
      %dma_wait3A_133 = arith.constant 0 : i32
      %dma_wait3A_134 = tpu.memref_slice %arg7[%add3A_109, %dma_wait3A_133] : memref<10112x64xf32, #tpu.memory_space<vmem_shared>> -> memref<632x64xf32, #tpu.memory_space<vmem_shared>>
      tpu.wait_dma2 semaphore(%run_scoped3A_114 : memref<!tpu.dma_semaphore, #tpu.memory_space<semaphore_mem>>) src(%dma_wait3A_134 : memref<632x64xf32, #tpu.memory_space<vmem_shared>>) dst(%dma_wait3A_132 : memref<632x64xf32, #tpu.memory_space<vmem>>)
      tpu.yield
    }) : () -> ()
    %mul3A_110 = arith.constant 632 : i32
    %mul3A_111 = arith.muli %arg1, %mul3A_110 : i32
    %add3A_112 = arith.constant 0 : i32
    %add3A_113 = arith.addi %mul3A_111, %add3A_112 : i32
    "tpu.region"() ({
      %run_scoped3A_114 = tpu.sem_alloc : memref<!tpu.dma_semaphore, #tpu.memory_space<semaphore_mem>>
      %dma_start3A_115 = arith.constant 0 : i32
      %dma_start3A_116 = arith.constant 0 : i32
      %dma_start3A_117 = tpu.memref_slice %arg10[%dma_start3A_115, %dma_start3A_116] : memref<768x64xf32, #tpu.memory_space<vmem>> -> memref<632x64xf32, #tpu.memory_space<vmem>>
      %dma_start3A_118 = arith.constant 0 : i32
      %dma_start3A_119 = tpu.memref_slice %arg6[%arg0, %add3A_113, %dma_start3A_118] : memref<2x10112x64xf32, #tpu.memory_space<hbm>> -> memref<1x632x64xf32, #tpu.memory_space<hbm>>
      %dma_start3A_120 = tpu.memref_squeeze %dma_start3A_119 : memref<1x632x64xf32, #tpu.memory_space<hbm>> -> memref<632x64xf32, #tpu.memory_space<hbm>>
      %dma_start3A_121 = arith.constant 0 : i32
      %dma_start3A_122 = tpu.memref_slice %arg6[%arg0, %add3A_113, %dma_start3A_121] : memref<2x10112x64xf32, #tpu.memory_space<hbm>> -> memref<1x632x64xf32, #tpu.memory_space<hbm>>
      %dma_start3A_123 = tpu.memref_squeeze %dma_start3A_122 : memref<1x632x64xf32, #tpu.memory_space<hbm>> -> memref<632x64xf32, #tpu.memory_space<hbm>>
      %dma_start3A_124 = arith.constant 0 : i32
      %dma_start3A_125 = arith.constant 0 : i32
      %dma_start3A_126 = tpu.memref_slice %arg10[%dma_start3A_124, %dma_start3A_125] : memref<768x64xf32, #tpu.memory_space<vmem>> -> memref<632x64xf32, #tpu.memory_space<vmem>>
      tpu.enqueue_dma source(%dma_start3A_126 : memref<632x64xf32, #tpu.memory_space<vmem>>) target(%dma_start3A_123 : memref<632x64xf32, #tpu.memory_space<hbm>>) target_semaphore(%run_scoped3A_114 : memref<!tpu.dma_semaphore, #tpu.memory_space<semaphore_mem>>)
      %dma_wait3A_127 = arith.constant 0 : i32
      %dma_wait3A_128 = arith.constant 0 : i32
      %dma_wait3A_129 = tpu.memref_slice %arg10[%dma_wait3A_127, %dma_wait3A_128] : memref<768x64xf32, #tpu.memory_space<vmem>> -> memref<632x64xf32, #tpu.memory_space<vmem>>
      %dma_wait3A_130 = arith.constant 0 : i32
      %dma_wait3A_131 = tpu.memref_slice %arg6[%arg0, %add3A_113, %dma_wait3A_130] : memref<2x10112x64xf32, #tpu.memory_space<hbm>> -> memref<1x632x64xf32, #tpu.memory_space<hbm>>
      %dma_wait3A_132 = tpu.memref_squeeze %dma_wait3A_131 : memref<1x632x64xf32, #tpu.memory_space<hbm>> -> memref<632x64xf32, #tpu.memory_space<hbm>>
      %dma_wait3A_133 = arith.constant 0 : i32
      %dma_wait3A_134 = tpu.memref_slice %arg6[%arg0, %add3A_113, %dma_wait3A_133] : memref<2x10112x64xf32, #tpu.memory_space<hbm>> -> memref<1x632x64xf32, #tpu.memory_space<hbm>>
      %dma_wait3A_135 = tpu.memref_squeeze %dma_wait3A_134 : memref<1x632x64xf32, #tpu.memory_space<hbm>> -> memref<632x64xf32, #tpu.memory_space<hbm>>
      %dma_wait3A_136 = arith.constant 0 : i32
      %dma_wait3A_137 = arith.constant 0 : i32
      %dma_wait3A_138 = tpu.memref_slice %arg10[%dma_wait3A_136, %dma_wait3A_137] : memref<768x64xf32, #tpu.memory_space<vmem>> -> memref<632x64xf32, #tpu.memory_space<vmem>>
      tpu.wait_dma2 semaphore(%run_scoped3A_114 : memref<!tpu.dma_semaphore, #tpu.memory_space<semaphore_mem>>) src(%dma_wait3A_138 : memref<632x64xf32, #tpu.memory_space<vmem>>) dst(%dma_wait3A_135 : memref<632x64xf32, #tpu.memory_space<hbm>>)
      tpu.yield
    }) : () -> ()
    return
  }
}

#map = affine_map<(d0, d1) -> (0, 0)>
#map1 = affine_map<(d0, d1) -> (0, 0, 0, 0)>
#map2 = affine_map<(d0, d1) -> (0, 0, 0)>
module attributes {stable_mosaic.version = 14 : i64} {
  func.func @_sc_agg_body(%arg0: i32, %arg1: i32, %arg2: memref<20000x64xf32, #tpu.memory_space<hbm>>, %arg3: memref<2x16x160x128xi32, #tpu.memory_space<hbm>>, %arg4: memref<16x160x128xi32, #tpu.memory_space<hbm>>, %arg5: memref<128x64xf32, #tpu.memory_space<hbm>>, %arg6: memref<2x10112x64xf32, #tpu.memory_space<hbm>>, %arg7: memref<10112x64xf32, #tpu.memory_space<vmem_shared>>, %arg8: memref<160x128xi32, #tpu.memory_space<vmem>>, %arg9: memref<160x128xi32, #tpu.memory_space<vmem>>, %arg10: memref<768x64xf32, #tpu.memory_space<vmem>>, %arg11: memref<!tpu.dma_semaphore, #tpu.memory_space<semaphore_mem>>, %arg12: memref<!tpu.dma_semaphore, #tpu.memory_space<semaphore_mem>>, %arg13: memref<!tpu.dma_semaphore, #tpu.memory_space<semaphore_mem>>, %arg14: memref<!tpu.dma_semaphore, #tpu.memory_space<semaphore_mem>>, %arg15: memref<!tpu.dma_semaphore, #tpu.memory_space<semaphore_mem>>, %arg16: memref<!tpu.dma_semaphore, #tpu.memory_space<semaphore_mem>>) attributes {dimension_semantics = [#tpu.dimension_semantics<core_parallel>, #tpu.dimension_semantics<subcore_parallel>], iteration_bounds = array<i64: 2, 16>, scalar_prefetch = 0 : i64, scratch_operands = 10 : i64, tpu.core_type = #tpu.core_type<sc_vector_subcore>, window_params = [{transform_indices = #map}, {transform_indices = #map1}, {transform_indices = #map2}, {transform_indices = #map}, {transform_indices = #map2}]} {
    "tpu.region"() ({
      %run_scoped3A_114 = tpu.sem_alloc : memref<!tpu.dma_semaphore, #tpu.memory_space<semaphore_mem>>
      %dma_start3A_115 = arith.constant 0 : i32
      %dma_start3A_116 = arith.constant 0 : i32
      %dma_start3A_117 = tpu.memref_slice %arg10[%dma_start3A_115, %dma_start3A_116] : memref<768x64xf32, #tpu.memory_space<vmem>> -> memref<128x64xf32, #tpu.memory_space<vmem>>
      %dma_start3A_118 = arith.constant 0 : i32
      %dma_start3A_119 = arith.constant 0 : i32
      %dma_start3A_120 = tpu.memref_slice %arg10[%dma_start3A_118, %dma_start3A_119] : memref<768x64xf32, #tpu.memory_space<vmem>> -> memref<128x64xf32, #tpu.memory_space<vmem>>
      tpu.enqueue_dma source(%arg5 : memref<128x64xf32, #tpu.memory_space<hbm>>) target(%dma_start3A_120 : memref<128x64xf32, #tpu.memory_space<vmem>>) target_semaphore(%run_scoped3A_114 : memref<!tpu.dma_semaphore, #tpu.memory_space<semaphore_mem>>)
      %dma_wait3A_121 = arith.constant 0 : i32
      %dma_wait3A_122 = arith.constant 0 : i32
      %dma_wait3A_123 = tpu.memref_slice %arg10[%dma_wait3A_121, %dma_wait3A_122] : memref<768x64xf32, #tpu.memory_space<vmem>> -> memref<128x64xf32, #tpu.memory_space<vmem>>
      %dma_wait3A_124 = arith.constant 0 : i32
      %dma_wait3A_125 = arith.constant 0 : i32
      %dma_wait3A_126 = tpu.memref_slice %arg10[%dma_wait3A_124, %dma_wait3A_125] : memref<768x64xf32, #tpu.memory_space<vmem>> -> memref<128x64xf32, #tpu.memory_space<vmem>>
      tpu.wait_dma2 semaphore(%run_scoped3A_114 : memref<!tpu.dma_semaphore, #tpu.memory_space<semaphore_mem>>) src(%arg5 : memref<128x64xf32, #tpu.memory_space<hbm>>) dst(%dma_wait3A_126 : memref<128x64xf32, #tpu.memory_space<vmem>>)
      tpu.yield
    }) : () -> ()
    %mul3A = arith.constant 632 : i32
    %mul3A_0 = arith.muli %arg1, %mul3A : i32
    %add3A = arith.constant 0 : i32
    %add3A_1 = arith.addi %mul3A_0, %add3A : i32
    "tpu.region"() ({
      %run_scoped3A_114 = tpu.sem_alloc : memref<!tpu.dma_semaphore, #tpu.memory_space<semaphore_mem>>
      %dma_start3A_115 = arith.constant 0 : i32
      %dma_start3A_116 = arith.constant 0 : i32
      %dma_start3A_117 = tpu.memref_slice %arg10[%dma_start3A_115, %dma_start3A_116] : memref<768x64xf32, #tpu.memory_space<vmem>> -> memref<128x64xf32, #tpu.memory_space<vmem>>
      %dma_start3A_118 = arith.constant 0 : i32
      %dma_start3A_119 = tpu.memref_slice %arg7[%add3A_1, %dma_start3A_118] : memref<10112x64xf32, #tpu.memory_space<vmem_shared>> -> memref<128x64xf32, #tpu.memory_space<vmem_shared>>
      %dma_start3A_120 = arith.constant 0 : i32
      %dma_start3A_121 = tpu.memref_slice %arg7[%add3A_1, %dma_start3A_120] : memref<10112x64xf32, #tpu.memory_space<vmem_shared>> -> memref<128x64xf32, #tpu.memory_space<vmem_shared>>
      %dma_start3A_122 = arith.constant 0 : i32
      %dma_start3A_123 = arith.constant 0 : i32
      %dma_start3A_124 = tpu.memref_slice %arg10[%dma_start3A_122, %dma_start3A_123] : memref<768x64xf32, #tpu.memory_space<vmem>> -> memref<128x64xf32, #tpu.memory_space<vmem>>
      tpu.enqueue_dma source(%dma_start3A_124 : memref<128x64xf32, #tpu.memory_space<vmem>>) target(%dma_start3A_121 : memref<128x64xf32, #tpu.memory_space<vmem_shared>>) target_semaphore(%run_scoped3A_114 : memref<!tpu.dma_semaphore, #tpu.memory_space<semaphore_mem>>)
      %dma_wait3A_125 = arith.constant 0 : i32
      %dma_wait3A_126 = arith.constant 0 : i32
      %dma_wait3A_127 = tpu.memref_slice %arg10[%dma_wait3A_125, %dma_wait3A_126] : memref<768x64xf32, #tpu.memory_space<vmem>> -> memref<128x64xf32, #tpu.memory_space<vmem>>
      %dma_wait3A_128 = arith.constant 0 : i32
      %dma_wait3A_129 = tpu.memref_slice %arg7[%add3A_1, %dma_wait3A_128] : memref<10112x64xf32, #tpu.memory_space<vmem_shared>> -> memref<128x64xf32, #tpu.memory_space<vmem_shared>>
      %dma_wait3A_130 = arith.constant 0 : i32
      %dma_wait3A_131 = tpu.memref_slice %arg7[%add3A_1, %dma_wait3A_130] : memref<10112x64xf32, #tpu.memory_space<vmem_shared>> -> memref<128x64xf32, #tpu.memory_space<vmem_shared>>
      %dma_wait3A_132 = arith.constant 0 : i32
      %dma_wait3A_133 = arith.constant 0 : i32
      %dma_wait3A_134 = tpu.memref_slice %arg10[%dma_wait3A_132, %dma_wait3A_133] : memref<768x64xf32, #tpu.memory_space<vmem>> -> memref<128x64xf32, #tpu.memory_space<vmem>>
      tpu.wait_dma2 semaphore(%run_scoped3A_114 : memref<!tpu.dma_semaphore, #tpu.memory_space<semaphore_mem>>) src(%dma_wait3A_134 : memref<128x64xf32, #tpu.memory_space<vmem>>) dst(%dma_wait3A_131 : memref<128x64xf32, #tpu.memory_space<vmem_shared>>)
      tpu.yield
    }) : () -> ()
    %mul3A_2 = arith.constant 632 : i32
    %mul3A_3 = arith.muli %arg1, %mul3A_2 : i32
    %add3A_4 = arith.constant 128 : i32
    %add3A_5 = arith.addi %mul3A_3, %add3A_4 : i32
    "tpu.region"() ({
      %run_scoped3A_114 = tpu.sem_alloc : memref<!tpu.dma_semaphore, #tpu.memory_space<semaphore_mem>>
      %dma_start3A_115 = arith.constant 0 : i32
      %dma_start3A_116 = arith.constant 0 : i32
      %dma_start3A_117 = tpu.memref_slice %arg10[%dma_start3A_115, %dma_start3A_116] : memref<768x64xf32, #tpu.memory_space<vmem>> -> memref<128x64xf32, #tpu.memory_space<vmem>>
      %dma_start3A_118 = arith.constant 0 : i32
      %dma_start3A_119 = tpu.memref_slice %arg7[%add3A_5, %dma_start3A_118] : memref<10112x64xf32, #tpu.memory_space<vmem_shared>> -> memref<128x64xf32, #tpu.memory_space<vmem_shared>>
      %dma_start3A_120 = arith.constant 0 : i32
      %dma_start3A_121 = tpu.memref_slice %arg7[%add3A_5, %dma_start3A_120] : memref<10112x64xf32, #tpu.memory_space<vmem_shared>> -> memref<128x64xf32, #tpu.memory_space<vmem_shared>>
      %dma_start3A_122 = arith.constant 0 : i32
      %dma_start3A_123 = arith.constant 0 : i32
      %dma_start3A_124 = tpu.memref_slice %arg10[%dma_start3A_122, %dma_start3A_123] : memref<768x64xf32, #tpu.memory_space<vmem>> -> memref<128x64xf32, #tpu.memory_space<vmem>>
      tpu.enqueue_dma source(%dma_start3A_124 : memref<128x64xf32, #tpu.memory_space<vmem>>) target(%dma_start3A_121 : memref<128x64xf32, #tpu.memory_space<vmem_shared>>) target_semaphore(%run_scoped3A_114 : memref<!tpu.dma_semaphore, #tpu.memory_space<semaphore_mem>>)
      %dma_wait3A_125 = arith.constant 0 : i32
      %dma_wait3A_126 = arith.constant 0 : i32
      %dma_wait3A_127 = tpu.memref_slice %arg10[%dma_wait3A_125, %dma_wait3A_126] : memref<768x64xf32, #tpu.memory_space<vmem>> -> memref<128x64xf32, #tpu.memory_space<vmem>>
      %dma_wait3A_128 = arith.constant 0 : i32
      %dma_wait3A_129 = tpu.memref_slice %arg7[%add3A_5, %dma_wait3A_128] : memref<10112x64xf32, #tpu.memory_space<vmem_shared>> -> memref<128x64xf32, #tpu.memory_space<vmem_shared>>
      %dma_wait3A_130 = arith.constant 0 : i32
      %dma_wait3A_131 = tpu.memref_slice %arg7[%add3A_5, %dma_wait3A_130] : memref<10112x64xf32, #tpu.memory_space<vmem_shared>> -> memref<128x64xf32, #tpu.memory_space<vmem_shared>>
      %dma_wait3A_132 = arith.constant 0 : i32
      %dma_wait3A_133 = arith.constant 0 : i32
      %dma_wait3A_134 = tpu.memref_slice %arg10[%dma_wait3A_132, %dma_wait3A_133] : memref<768x64xf32, #tpu.memory_space<vmem>> -> memref<128x64xf32, #tpu.memory_space<vmem>>
      tpu.wait_dma2 semaphore(%run_scoped3A_114 : memref<!tpu.dma_semaphore, #tpu.memory_space<semaphore_mem>>) src(%dma_wait3A_134 : memref<128x64xf32, #tpu.memory_space<vmem>>) dst(%dma_wait3A_131 : memref<128x64xf32, #tpu.memory_space<vmem_shared>>)
      tpu.yield
    }) : () -> ()
    %mul3A_6 = arith.constant 632 : i32
    %mul3A_7 = arith.muli %arg1, %mul3A_6 : i32
    %add3A_8 = arith.constant 256 : i32
    %add3A_9 = arith.addi %mul3A_7, %add3A_8 : i32
    "tpu.region"() ({
      %run_scoped3A_114 = tpu.sem_alloc : memref<!tpu.dma_semaphore, #tpu.memory_space<semaphore_mem>>
      %dma_start3A_115 = arith.constant 0 : i32
      %dma_start3A_116 = arith.constant 0 : i32
      %dma_start3A_117 = tpu.memref_slice %arg10[%dma_start3A_115, %dma_start3A_116] : memref<768x64xf32, #tpu.memory_space<vmem>> -> memref<128x64xf32, #tpu.memory_space<vmem>>
      %dma_start3A_118 = arith.constant 0 : i32
      %dma_start3A_119 = tpu.memref_slice %arg7[%add3A_9, %dma_start3A_118] : memref<10112x64xf32, #tpu.memory_space<vmem_shared>> -> memref<128x64xf32, #tpu.memory_space<vmem_shared>>
      %dma_start3A_120 = arith.constant 0 : i32
      %dma_start3A_121 = tpu.memref_slice %arg7[%add3A_9, %dma_start3A_120] : memref<10112x64xf32, #tpu.memory_space<vmem_shared>> -> memref<128x64xf32, #tpu.memory_space<vmem_shared>>
      %dma_start3A_122 = arith.constant 0 : i32
      %dma_start3A_123 = arith.constant 0 : i32
      %dma_start3A_124 = tpu.memref_slice %arg10[%dma_start3A_122, %dma_start3A_123] : memref<768x64xf32, #tpu.memory_space<vmem>> -> memref<128x64xf32, #tpu.memory_space<vmem>>
      tpu.enqueue_dma source(%dma_start3A_124 : memref<128x64xf32, #tpu.memory_space<vmem>>) target(%dma_start3A_121 : memref<128x64xf32, #tpu.memory_space<vmem_shared>>) target_semaphore(%run_scoped3A_114 : memref<!tpu.dma_semaphore, #tpu.memory_space<semaphore_mem>>)
      %dma_wait3A_125 = arith.constant 0 : i32
      %dma_wait3A_126 = arith.constant 0 : i32
      %dma_wait3A_127 = tpu.memref_slice %arg10[%dma_wait3A_125, %dma_wait3A_126] : memref<768x64xf32, #tpu.memory_space<vmem>> -> memref<128x64xf32, #tpu.memory_space<vmem>>
      %dma_wait3A_128 = arith.constant 0 : i32
      %dma_wait3A_129 = tpu.memref_slice %arg7[%add3A_9, %dma_wait3A_128] : memref<10112x64xf32, #tpu.memory_space<vmem_shared>> -> memref<128x64xf32, #tpu.memory_space<vmem_shared>>
      %dma_wait3A_130 = arith.constant 0 : i32
      %dma_wait3A_131 = tpu.memref_slice %arg7[%add3A_9, %dma_wait3A_130] : memref<10112x64xf32, #tpu.memory_space<vmem_shared>> -> memref<128x64xf32, #tpu.memory_space<vmem_shared>>
      %dma_wait3A_132 = arith.constant 0 : i32
      %dma_wait3A_133 = arith.constant 0 : i32
      %dma_wait3A_134 = tpu.memref_slice %arg10[%dma_wait3A_132, %dma_wait3A_133] : memref<768x64xf32, #tpu.memory_space<vmem>> -> memref<128x64xf32, #tpu.memory_space<vmem>>
      tpu.wait_dma2 semaphore(%run_scoped3A_114 : memref<!tpu.dma_semaphore, #tpu.memory_space<semaphore_mem>>) src(%dma_wait3A_134 : memref<128x64xf32, #tpu.memory_space<vmem>>) dst(%dma_wait3A_131 : memref<128x64xf32, #tpu.memory_space<vmem_shared>>)
      tpu.yield
    }) : () -> ()
    %mul3A_10 = arith.constant 632 : i32
    %mul3A_11 = arith.muli %arg1, %mul3A_10 : i32
    %add3A_12 = arith.constant 384 : i32
    %add3A_13 = arith.addi %mul3A_11, %add3A_12 : i32
    "tpu.region"() ({
      %run_scoped3A_114 = tpu.sem_alloc : memref<!tpu.dma_semaphore, #tpu.memory_space<semaphore_mem>>
      %dma_start3A_115 = arith.constant 0 : i32
      %dma_start3A_116 = arith.constant 0 : i32
      %dma_start3A_117 = tpu.memref_slice %arg10[%dma_start3A_115, %dma_start3A_116] : memref<768x64xf32, #tpu.memory_space<vmem>> -> memref<128x64xf32, #tpu.memory_space<vmem>>
      %dma_start3A_118 = arith.constant 0 : i32
      %dma_start3A_119 = tpu.memref_slice %arg7[%add3A_13, %dma_start3A_118] : memref<10112x64xf32, #tpu.memory_space<vmem_shared>> -> memref<128x64xf32, #tpu.memory_space<vmem_shared>>
      %dma_start3A_120 = arith.constant 0 : i32
      %dma_start3A_121 = tpu.memref_slice %arg7[%add3A_13, %dma_start3A_120] : memref<10112x64xf32, #tpu.memory_space<vmem_shared>> -> memref<128x64xf32, #tpu.memory_space<vmem_shared>>
      %dma_start3A_122 = arith.constant 0 : i32
      %dma_start3A_123 = arith.constant 0 : i32
      %dma_start3A_124 = tpu.memref_slice %arg10[%dma_start3A_122, %dma_start3A_123] : memref<768x64xf32, #tpu.memory_space<vmem>> -> memref<128x64xf32, #tpu.memory_space<vmem>>
      tpu.enqueue_dma source(%dma_start3A_124 : memref<128x64xf32, #tpu.memory_space<vmem>>) target(%dma_start3A_121 : memref<128x64xf32, #tpu.memory_space<vmem_shared>>) target_semaphore(%run_scoped3A_114 : memref<!tpu.dma_semaphore, #tpu.memory_space<semaphore_mem>>)
      %dma_wait3A_125 = arith.constant 0 : i32
      %dma_wait3A_126 = arith.constant 0 : i32
      %dma_wait3A_127 = tpu.memref_slice %arg10[%dma_wait3A_125, %dma_wait3A_126] : memref<768x64xf32, #tpu.memory_space<vmem>> -> memref<128x64xf32, #tpu.memory_space<vmem>>
      %dma_wait3A_128 = arith.constant 0 : i32
      %dma_wait3A_129 = tpu.memref_slice %arg7[%add3A_13, %dma_wait3A_128] : memref<10112x64xf32, #tpu.memory_space<vmem_shared>> -> memref<128x64xf32, #tpu.memory_space<vmem_shared>>
      %dma_wait3A_130 = arith.constant 0 : i32
      %dma_wait3A_131 = tpu.memref_slice %arg7[%add3A_13, %dma_wait3A_130] : memref<10112x64xf32, #tpu.memory_space<vmem_shared>> -> memref<128x64xf32, #tpu.memory_space<vmem_shared>>
      %dma_wait3A_132 = arith.constant 0 : i32
      %dma_wait3A_133 = arith.constant 0 : i32
      %dma_wait3A_134 = tpu.memref_slice %arg10[%dma_wait3A_132, %dma_wait3A_133] : memref<768x64xf32, #tpu.memory_space<vmem>> -> memref<128x64xf32, #tpu.memory_space<vmem>>
      tpu.wait_dma2 semaphore(%run_scoped3A_114 : memref<!tpu.dma_semaphore, #tpu.memory_space<semaphore_mem>>) src(%dma_wait3A_134 : memref<128x64xf32, #tpu.memory_space<vmem>>) dst(%dma_wait3A_131 : memref<128x64xf32, #tpu.memory_space<vmem_shared>>)
      tpu.yield
    }) : () -> ()
    %mul3A_14 = arith.constant 632 : i32
    %mul3A_15 = arith.muli %arg1, %mul3A_14 : i32
    %add3A_16 = arith.constant 632 : i32
    %add3A_17 = arith.addi %mul3A_15, %add3A_16 : i32
    %sub3A = arith.constant 120 : i32
    %sub3A_18 = arith.subi %add3A_17, %sub3A : i32
    "tpu.region"() ({
      %run_scoped3A_114 = tpu.sem_alloc : memref<!tpu.dma_semaphore, #tpu.memory_space<semaphore_mem>>
      %dma_start3A_115 = arith.constant 0 : i32
      %dma_start3A_116 = arith.constant 0 : i32
      %dma_start3A_117 = tpu.memref_slice %arg10[%dma_start3A_115, %dma_start3A_116] : memref<768x64xf32, #tpu.memory_space<vmem>> -> memref<128x64xf32, #tpu.memory_space<vmem>>
      %dma_start3A_118 = arith.constant 0 : i32
      %dma_start3A_119 = arith.constant 0 : i32
      %dma_start3A_120 = tpu.memref_slice %dma_start3A_117[%dma_start3A_118, %dma_start3A_119] : memref<128x64xf32, #tpu.memory_space<vmem>> -> memref<120x64xf32, #tpu.memory_space<vmem>>
      %dma_start3A_121 = arith.constant 0 : i32
      %dma_start3A_122 = tpu.memref_slice %arg7[%sub3A_18, %dma_start3A_121] : memref<10112x64xf32, #tpu.memory_space<vmem_shared>> -> memref<120x64xf32, #tpu.memory_space<vmem_shared>>
      %dma_start3A_123 = arith.constant 0 : i32
      %dma_start3A_124 = tpu.memref_slice %arg7[%sub3A_18, %dma_start3A_123] : memref<10112x64xf32, #tpu.memory_space<vmem_shared>> -> memref<120x64xf32, #tpu.memory_space<vmem_shared>>
      %dma_start3A_125 = arith.constant 0 : i32
      %dma_start3A_126 = arith.constant 0 : i32
      %dma_start3A_127 = tpu.memref_slice %arg10[%dma_start3A_125, %dma_start3A_126] : memref<768x64xf32, #tpu.memory_space<vmem>> -> memref<128x64xf32, #tpu.memory_space<vmem>>
      %dma_start3A_128 = arith.constant 0 : i32
      %dma_start3A_129 = arith.constant 0 : i32
      %dma_start3A_130 = tpu.memref_slice %dma_start3A_127[%dma_start3A_128, %dma_start3A_129] : memref<128x64xf32, #tpu.memory_space<vmem>> -> memref<120x64xf32, #tpu.memory_space<vmem>>
      tpu.enqueue_dma source(%dma_start3A_130 : memref<120x64xf32, #tpu.memory_space<vmem>>) target(%dma_start3A_124 : memref<120x64xf32, #tpu.memory_space<vmem_shared>>) target_semaphore(%run_scoped3A_114 : memref<!tpu.dma_semaphore, #tpu.memory_space<semaphore_mem>>)
      %dma_wait3A_131 = arith.constant 0 : i32
      %dma_wait3A_132 = arith.constant 0 : i32
      %dma_wait3A_133 = tpu.memref_slice %arg10[%dma_wait3A_131, %dma_wait3A_132] : memref<768x64xf32, #tpu.memory_space<vmem>> -> memref<128x64xf32, #tpu.memory_space<vmem>>
      %dma_wait3A_134 = arith.constant 0 : i32
      %dma_wait3A_135 = arith.constant 0 : i32
      %dma_wait3A_136 = tpu.memref_slice %dma_wait3A_133[%dma_wait3A_134, %dma_wait3A_135] : memref<128x64xf32, #tpu.memory_space<vmem>> -> memref<120x64xf32, #tpu.memory_space<vmem>>
      %dma_wait3A_137 = arith.constant 0 : i32
      %dma_wait3A_138 = tpu.memref_slice %arg7[%sub3A_18, %dma_wait3A_137] : memref<10112x64xf32, #tpu.memory_space<vmem_shared>> -> memref<120x64xf32, #tpu.memory_space<vmem_shared>>
      %dma_wait3A_139 = arith.constant 0 : i32
      %dma_wait3A_140 = tpu.memref_slice %arg7[%sub3A_18, %dma_wait3A_139] : memref<10112x64xf32, #tpu.memory_space<vmem_shared>> -> memref<120x64xf32, #tpu.memory_space<vmem_shared>>
      %dma_wait3A_141 = arith.constant 0 : i32
      %dma_wait3A_142 = arith.constant 0 : i32
      %dma_wait3A_143 = tpu.memref_slice %arg10[%dma_wait3A_141, %dma_wait3A_142] : memref<768x64xf32, #tpu.memory_space<vmem>> -> memref<128x64xf32, #tpu.memory_space<vmem>>
      %dma_wait3A_144 = arith.constant 0 : i32
      %dma_wait3A_145 = arith.constant 0 : i32
      %dma_wait3A_146 = tpu.memref_slice %dma_wait3A_143[%dma_wait3A_144, %dma_wait3A_145] : memref<128x64xf32, #tpu.memory_space<vmem>> -> memref<120x64xf32, #tpu.memory_space<vmem>>
      tpu.wait_dma2 semaphore(%run_scoped3A_114 : memref<!tpu.dma_semaphore, #tpu.memory_space<semaphore_mem>>) src(%dma_wait3A_146 : memref<120x64xf32, #tpu.memory_space<vmem>>) dst(%dma_wait3A_140 : memref<120x64xf32, #tpu.memory_space<vmem_shared>>)
      tpu.yield
    }) : () -> ()
    "tpu.region"() ({
      %run_scoped3A_114 = tpu.sem_alloc : memref<!tpu.dma_semaphore, #tpu.memory_space<semaphore_mem>>
      %dma_start3A_115 = arith.constant 0 : i32
      %dma_start3A_116 = arith.constant 0 : i32
      %dma_start3A_117 = tpu.memref_slice %arg3[%arg0, %arg1, %dma_start3A_115, %dma_start3A_116] : memref<2x16x160x128xi32, #tpu.memory_space<hbm>> -> memref<1x1x160x128xi32, #tpu.memory_space<hbm>>
      %dma_start3A_118 = tpu.memref_squeeze %dma_start3A_117 : memref<1x1x160x128xi32, #tpu.memory_space<hbm>> -> memref<160x128xi32, #tpu.memory_space<hbm>>
      %dma_start3A_119 = arith.constant 0 : i32
      %dma_start3A_120 = arith.constant 0 : i32
      %dma_start3A_121 = tpu.memref_slice %arg3[%arg0, %arg1, %dma_start3A_119, %dma_start3A_120] : memref<2x16x160x128xi32, #tpu.memory_space<hbm>> -> memref<1x1x160x128xi32, #tpu.memory_space<hbm>>
      %dma_start3A_122 = tpu.memref_squeeze %dma_start3A_121 : memref<1x1x160x128xi32, #tpu.memory_space<hbm>> -> memref<160x128xi32, #tpu.memory_space<hbm>>
      tpu.enqueue_dma source(%dma_start3A_122 : memref<160x128xi32, #tpu.memory_space<hbm>>) target(%arg8 : memref<160x128xi32, #tpu.memory_space<vmem>>) target_semaphore(%run_scoped3A_114 : memref<!tpu.dma_semaphore, #tpu.memory_space<semaphore_mem>>)
      %dma_wait3A_123 = arith.constant 0 : i32
      %dma_wait3A_124 = arith.constant 0 : i32
      %dma_wait3A_125 = tpu.memref_slice %arg3[%arg0, %arg1, %dma_wait3A_123, %dma_wait3A_124] : memref<2x16x160x128xi32, #tpu.memory_space<hbm>> -> memref<1x1x160x128xi32, #tpu.memory_space<hbm>>
      %dma_wait3A_126 = tpu.memref_squeeze %dma_wait3A_125 : memref<1x1x160x128xi32, #tpu.memory_space<hbm>> -> memref<160x128xi32, #tpu.memory_space<hbm>>
      %dma_wait3A_127 = arith.constant 0 : i32
      %dma_wait3A_128 = arith.constant 0 : i32
      %dma_wait3A_129 = tpu.memref_slice %arg3[%arg0, %arg1, %dma_wait3A_127, %dma_wait3A_128] : memref<2x16x160x128xi32, #tpu.memory_space<hbm>> -> memref<1x1x160x128xi32, #tpu.memory_space<hbm>>
      %dma_wait3A_130 = tpu.memref_squeeze %dma_wait3A_129 : memref<1x1x160x128xi32, #tpu.memory_space<hbm>> -> memref<160x128xi32, #tpu.memory_space<hbm>>
      tpu.wait_dma2 semaphore(%run_scoped3A_114 : memref<!tpu.dma_semaphore, #tpu.memory_space<semaphore_mem>>) src(%dma_wait3A_130 : memref<160x128xi32, #tpu.memory_space<hbm>>) dst(%arg8 : memref<160x128xi32, #tpu.memory_space<vmem>>)
      tpu.yield
    }) : () -> ()
    "tpu.region"() ({
      %run_scoped3A_114 = tpu.sem_alloc : memref<!tpu.dma_semaphore, #tpu.memory_space<semaphore_mem>>
      %dma_start3A_115 = arith.constant 0 : i32
      %dma_start3A_116 = arith.constant 0 : i32
      %dma_start3A_117 = tpu.memref_slice %arg4[%arg1, %dma_start3A_115, %dma_start3A_116] : memref<16x160x128xi32, #tpu.memory_space<hbm>> -> memref<1x160x128xi32, #tpu.memory_space<hbm>>
      %dma_start3A_118 = tpu.memref_squeeze %dma_start3A_117 : memref<1x160x128xi32, #tpu.memory_space<hbm>> -> memref<160x128xi32, #tpu.memory_space<hbm>>
      %dma_start3A_119 = arith.constant 0 : i32
      %dma_start3A_120 = arith.constant 0 : i32
      %dma_start3A_121 = tpu.memref_slice %arg4[%arg1, %dma_start3A_119, %dma_start3A_120] : memref<16x160x128xi32, #tpu.memory_space<hbm>> -> memref<1x160x128xi32, #tpu.memory_space<hbm>>
      %dma_start3A_122 = tpu.memref_squeeze %dma_start3A_121 : memref<1x160x128xi32, #tpu.memory_space<hbm>> -> memref<160x128xi32, #tpu.memory_space<hbm>>
      tpu.enqueue_dma source(%dma_start3A_122 : memref<160x128xi32, #tpu.memory_space<hbm>>) target(%arg9 : memref<160x128xi32, #tpu.memory_space<vmem>>) target_semaphore(%run_scoped3A_114 : memref<!tpu.dma_semaphore, #tpu.memory_space<semaphore_mem>>)
      %dma_wait3A_123 = arith.constant 0 : i32
      %dma_wait3A_124 = arith.constant 0 : i32
      %dma_wait3A_125 = tpu.memref_slice %arg4[%arg1, %dma_wait3A_123, %dma_wait3A_124] : memref<16x160x128xi32, #tpu.memory_space<hbm>> -> memref<1x160x128xi32, #tpu.memory_space<hbm>>
      %dma_wait3A_126 = tpu.memref_squeeze %dma_wait3A_125 : memref<1x160x128xi32, #tpu.memory_space<hbm>> -> memref<160x128xi32, #tpu.memory_space<hbm>>
      %dma_wait3A_127 = arith.constant 0 : i32
      %dma_wait3A_128 = arith.constant 0 : i32
      %dma_wait3A_129 = tpu.memref_slice %arg4[%arg1, %dma_wait3A_127, %dma_wait3A_128] : memref<16x160x128xi32, #tpu.memory_space<hbm>> -> memref<1x160x128xi32, #tpu.memory_space<hbm>>
      %dma_wait3A_130 = tpu.memref_squeeze %dma_wait3A_129 : memref<1x160x128xi32, #tpu.memory_space<hbm>> -> memref<160x128xi32, #tpu.memory_space<hbm>>
      tpu.wait_dma2 semaphore(%run_scoped3A_114 : memref<!tpu.dma_semaphore, #tpu.memory_space<semaphore_mem>>) src(%dma_wait3A_130 : memref<160x128xi32, #tpu.memory_space<hbm>>) dst(%arg9 : memref<160x128xi32, #tpu.memory_space<vmem>>)
      tpu.yield
    }) : () -> ()
    %barrier3A = arith.constant 0 : index
    tpu.barrier barrier_id(%barrier3A)
    %dma_start3A = arith.constant 0 : i32
    %dma_start3A_19 = arith.constant 0 : i32
    %dma_start3A_20 = arith.constant 0 : i32
    %dma_start3A_21 = tpu.memref_slice %arg10[%dma_start3A_19, %dma_start3A_20] : memref<768x64xf32, #tpu.memory_space<vmem>> -> memref<128x64xf32, #tpu.memory_space<vmem>>
    %dma_start3A_22 = arith.constant 0 : i32
    %dma_start3A_23 = tpu.memref_slice %arg8[%dma_start3A, %dma_start3A_22] : memref<160x128xi32, #tpu.memory_space<vmem>> -> memref<1x128xi32, #tpu.memory_space<vmem>>
    %dma_start3A_24 = tpu.memref_squeeze %dma_start3A_23 : memref<1x128xi32, #tpu.memory_space<vmem>> -> memref<128xi32, #tpu.memory_space<vmem>>
    %dma_start3A_25 = arith.constant 0 : i32
    %dma_start3A_26 = arith.constant 0 : i32
    %dma_start3A_27 = tpu.memref_slice %arg2[%dma_start3A_25, %dma_start3A_26] : memref<20000x64xf32, #tpu.memory_space<hbm>> -> memref<20000x64xf32, #tpu.memory_space<hbm>>
    tpu.enqueue_indirect_dma source(%dma_start3A_27 : memref<20000x64xf32, #tpu.memory_space<hbm>>) target(%dma_start3A_21 : memref<128x64xf32, #tpu.memory_space<vmem>>) offsets(%dma_start3A_24 : memref<128xi32, #tpu.memory_space<vmem>>) semaphore(%arg11 : memref<!tpu.dma_semaphore, #tpu.memory_space<semaphore_mem>>)
    %dma_start3A_28 = arith.constant 1 : i32
    %dma_start3A_29 = arith.constant 128 : i32
    %dma_start3A_30 = arith.constant 0 : i32
    %dma_start3A_31 = tpu.memref_slice %arg10[%dma_start3A_29, %dma_start3A_30] : memref<768x64xf32, #tpu.memory_space<vmem>> -> memref<128x64xf32, #tpu.memory_space<vmem>>
    %dma_start3A_32 = arith.constant 0 : i32
    %dma_start3A_33 = tpu.memref_slice %arg8[%dma_start3A_28, %dma_start3A_32] : memref<160x128xi32, #tpu.memory_space<vmem>> -> memref<1x128xi32, #tpu.memory_space<vmem>>
    %dma_start3A_34 = tpu.memref_squeeze %dma_start3A_33 : memref<1x128xi32, #tpu.memory_space<vmem>> -> memref<128xi32, #tpu.memory_space<vmem>>
    %dma_start3A_35 = arith.constant 0 : i32
    %dma_start3A_36 = arith.constant 0 : i32
    %dma_start3A_37 = tpu.memref_slice %arg2[%dma_start3A_35, %dma_start3A_36] : memref<20000x64xf32, #tpu.memory_space<hbm>> -> memref<20000x64xf32, #tpu.memory_space<hbm>>
    tpu.enqueue_indirect_dma source(%dma_start3A_37 : memref<20000x64xf32, #tpu.memory_space<hbm>>) target(%dma_start3A_31 : memref<128x64xf32, #tpu.memory_space<vmem>>) offsets(%dma_start3A_34 : memref<128xi32, #tpu.memory_space<vmem>>) semaphore(%arg12 : memref<!tpu.dma_semaphore, #tpu.memory_space<semaphore_mem>>)
    %dma_start3A_38 = arith.constant 2 : i32
    %dma_start3A_39 = arith.constant 256 : i32
    %dma_start3A_40 = arith.constant 0 : i32
    %dma_start3A_41 = tpu.memref_slice %arg10[%dma_start3A_39, %dma_start3A_40] : memref<768x64xf32, #tpu.memory_space<vmem>> -> memref<128x64xf32, #tpu.memory_space<vmem>>
    %dma_start3A_42 = arith.constant 0 : i32
    %dma_start3A_43 = tpu.memref_slice %arg8[%dma_start3A_38, %dma_start3A_42] : memref<160x128xi32, #tpu.memory_space<vmem>> -> memref<1x128xi32, #tpu.memory_space<vmem>>
    %dma_start3A_44 = tpu.memref_squeeze %dma_start3A_43 : memref<1x128xi32, #tpu.memory_space<vmem>> -> memref<128xi32, #tpu.memory_space<vmem>>
    %dma_start3A_45 = arith.constant 0 : i32
    %dma_start3A_46 = arith.constant 0 : i32
    %dma_start3A_47 = tpu.memref_slice %arg2[%dma_start3A_45, %dma_start3A_46] : memref<20000x64xf32, #tpu.memory_space<hbm>> -> memref<20000x64xf32, #tpu.memory_space<hbm>>
    tpu.enqueue_indirect_dma source(%dma_start3A_47 : memref<20000x64xf32, #tpu.memory_space<hbm>>) target(%dma_start3A_41 : memref<128x64xf32, #tpu.memory_space<vmem>>) offsets(%dma_start3A_44 : memref<128xi32, #tpu.memory_space<vmem>>) semaphore(%arg13 : memref<!tpu.dma_semaphore, #tpu.memory_space<semaphore_mem>>)
    %dma_start3A_48 = arith.constant 3 : i32
    %dma_start3A_49 = arith.constant 384 : i32
    %dma_start3A_50 = arith.constant 0 : i32
    %dma_start3A_51 = tpu.memref_slice %arg10[%dma_start3A_49, %dma_start3A_50] : memref<768x64xf32, #tpu.memory_space<vmem>> -> memref<128x64xf32, #tpu.memory_space<vmem>>
    %dma_start3A_52 = arith.constant 0 : i32
    %dma_start3A_53 = tpu.memref_slice %arg8[%dma_start3A_48, %dma_start3A_52] : memref<160x128xi32, #tpu.memory_space<vmem>> -> memref<1x128xi32, #tpu.memory_space<vmem>>
    %dma_start3A_54 = tpu.memref_squeeze %dma_start3A_53 : memref<1x128xi32, #tpu.memory_space<vmem>> -> memref<128xi32, #tpu.memory_space<vmem>>
    %dma_start3A_55 = arith.constant 0 : i32
    %dma_start3A_56 = arith.constant 0 : i32
    %dma_start3A_57 = tpu.memref_slice %arg2[%dma_start3A_55, %dma_start3A_56] : memref<20000x64xf32, #tpu.memory_space<hbm>> -> memref<20000x64xf32, #tpu.memory_space<hbm>>
    tpu.enqueue_indirect_dma source(%dma_start3A_57 : memref<20000x64xf32, #tpu.memory_space<hbm>>) target(%dma_start3A_51 : memref<128x64xf32, #tpu.memory_space<vmem>>) offsets(%dma_start3A_54 : memref<128xi32, #tpu.memory_space<vmem>>) semaphore(%arg14 : memref<!tpu.dma_semaphore, #tpu.memory_space<semaphore_mem>>)
    %scan3A = arith.constant 0 : i32
    %scan3A_58 = arith.constant 0 : i32
    %scan3A_59 = arith.constant 26 : i32
    %scan3A_60 = arith.addi %scan3A_58, %scan3A_59 : i32
    %scan3A_61 = arith.constant 1 : i32
    scf.for %scan3A_114 = %scan3A_58 to %scan3A_60 step %scan3A_61  : i32 {
      %mul3A_115 = arith.constant 3 : i32
      %mul3A_116 = arith.muli %mul3A_115, %scan3A_114 : i32
      %add3A_117 = arith.constant 0 : i32
      %add3A_118 = arith.addi %mul3A_116, %add3A_117 : i32
      %mul3A_119 = arith.constant 2 : i32
      %mul3A_120 = arith.muli %mul3A_119, %add3A_118 : i32
      %add3A_121 = arith.constant 0 : i32
      %add3A_122 = arith.addi %mul3A_120, %add3A_121 : i32
      %dma_wait3A_123 = arith.constant 0 : i32
      %dma_wait3A_124 = arith.constant 0 : i32
      %dma_wait3A_125 = tpu.memref_slice %arg10[%dma_wait3A_123, %dma_wait3A_124] : memref<768x64xf32, #tpu.memory_space<vmem>> -> memref<128x64xf32, #tpu.memory_space<vmem>>
      %dma_wait3A_126 = arith.constant 0 : i32
      %dma_wait3A_127 = tpu.memref_slice %arg8[%add3A_122, %dma_wait3A_126] : memref<160x128xi32, #tpu.memory_space<vmem>> -> memref<1x128xi32, #tpu.memory_space<vmem>>
      %dma_wait3A_128 = tpu.memref_squeeze %dma_wait3A_127 : memref<1x128xi32, #tpu.memory_space<vmem>> -> memref<128xi32, #tpu.memory_space<vmem>>
      %dma_wait3A_129 = arith.constant 0 : i32
      %dma_wait3A_130 = arith.constant 0 : i32
      %dma_wait3A_131 = tpu.memref_slice %arg2[%dma_wait3A_129, %dma_wait3A_130] : memref<20000x64xf32, #tpu.memory_space<hbm>> -> memref<20000x64xf32, #tpu.memory_space<hbm>>
      tpu.wait_indirect_dma semaphore(%arg11 : memref<!tpu.dma_semaphore, #tpu.memory_space<semaphore_mem>>) src(%dma_wait3A_131 : memref<20000x64xf32, #tpu.memory_space<hbm>>) dst(%dma_wait3A_125 : memref<128x64xf32, #tpu.memory_space<vmem>>)
      "tpu.region"() ({
        %run_scoped3A_283 = tpu.sem_alloc : memref<!tpu.dma_semaphore, #tpu.memory_space<semaphore_mem>>
        %dma_start3A_284 = arith.constant 0 : i32
        %dma_start3A_285 = arith.constant 0 : i32
        %dma_start3A_286 = tpu.memref_slice %arg10[%dma_start3A_284, %dma_start3A_285] : memref<768x64xf32, #tpu.memory_space<vmem>> -> memref<128x64xf32, #tpu.memory_space<vmem>>
        %dma_start3A_287 = arith.constant 0 : i32
        %dma_start3A_288 = tpu.memref_slice %arg9[%add3A_122, %dma_start3A_287] : memref<160x128xi32, #tpu.memory_space<vmem>> -> memref<1x128xi32, #tpu.memory_space<vmem>>
        %dma_start3A_289 = tpu.memref_squeeze %dma_start3A_288 : memref<1x128xi32, #tpu.memory_space<vmem>> -> memref<128xi32, #tpu.memory_space<vmem>>
        %dma_start3A_290 = arith.constant 0 : i32
        %dma_start3A_291 = arith.constant 0 : i32
        %dma_start3A_292 = tpu.memref_slice %arg7[%dma_start3A_290, %dma_start3A_291] : memref<10112x64xf32, #tpu.memory_space<vmem_shared>> -> memref<10112x64xf32, #tpu.memory_space<vmem_shared>>
        tpu.enqueue_indirect_dma source(%dma_start3A_286 : memref<128x64xf32, #tpu.memory_space<vmem>>) target(%dma_start3A_292 : memref<10112x64xf32, #tpu.memory_space<vmem_shared>>) offsets(%dma_start3A_289 : memref<128xi32, #tpu.memory_space<vmem>>) semaphore(%run_scoped3A_283 : memref<!tpu.dma_semaphore, #tpu.memory_space<semaphore_mem>>) {add = true}
        %dma_wait3A_293 = arith.constant 0 : i32
        %dma_wait3A_294 = arith.constant 0 : i32
        %dma_wait3A_295 = tpu.memref_slice %arg10[%dma_wait3A_293, %dma_wait3A_294] : memref<768x64xf32, #tpu.memory_space<vmem>> -> memref<128x64xf32, #tpu.memory_space<vmem>>
        %dma_wait3A_296 = arith.constant 0 : i32
        %dma_wait3A_297 = tpu.memref_slice %arg9[%add3A_122, %dma_wait3A_296] : memref<160x128xi32, #tpu.memory_space<vmem>> -> memref<1x128xi32, #tpu.memory_space<vmem>>
        %dma_wait3A_298 = tpu.memref_squeeze %dma_wait3A_297 : memref<1x128xi32, #tpu.memory_space<vmem>> -> memref<128xi32, #tpu.memory_space<vmem>>
        %dma_wait3A_299 = arith.constant 0 : i32
        %dma_wait3A_300 = arith.constant 0 : i32
        %dma_wait3A_301 = tpu.memref_slice %arg7[%dma_wait3A_299, %dma_wait3A_300] : memref<10112x64xf32, #tpu.memory_space<vmem_shared>> -> memref<10112x64xf32, #tpu.memory_space<vmem_shared>>
        tpu.wait_indirect_dma semaphore(%run_scoped3A_283 : memref<!tpu.dma_semaphore, #tpu.memory_space<semaphore_mem>>) src(%dma_wait3A_295 : memref<128x64xf32, #tpu.memory_space<vmem>>) dst(%dma_wait3A_301 : memref<10112x64xf32, #tpu.memory_space<vmem_shared>>)
        tpu.yield
      }) : () -> ()
      %add3A_132 = arith.constant 4 : i32
      %add3A_133 = arith.addi %add3A_122, %add3A_132 : i32
      %dma_start3A_134 = arith.constant 512 : i32
      %dma_start3A_135 = arith.constant 0 : i32
      %dma_start3A_136 = tpu.memref_slice %arg10[%dma_start3A_134, %dma_start3A_135] : memref<768x64xf32, #tpu.memory_space<vmem>> -> memref<128x64xf32, #tpu.memory_space<vmem>>
      %dma_start3A_137 = arith.constant 0 : i32
      %dma_start3A_138 = tpu.memref_slice %arg8[%add3A_133, %dma_start3A_137] : memref<160x128xi32, #tpu.memory_space<vmem>> -> memref<1x128xi32, #tpu.memory_space<vmem>>
      %dma_start3A_139 = tpu.memref_squeeze %dma_start3A_138 : memref<1x128xi32, #tpu.memory_space<vmem>> -> memref<128xi32, #tpu.memory_space<vmem>>
      %dma_start3A_140 = arith.constant 0 : i32
      %dma_start3A_141 = arith.constant 0 : i32
      %dma_start3A_142 = tpu.memref_slice %arg2[%dma_start3A_140, %dma_start3A_141] : memref<20000x64xf32, #tpu.memory_space<hbm>> -> memref<20000x64xf32, #tpu.memory_space<hbm>>
      tpu.enqueue_indirect_dma source(%dma_start3A_142 : memref<20000x64xf32, #tpu.memory_space<hbm>>) target(%dma_start3A_136 : memref<128x64xf32, #tpu.memory_space<vmem>>) offsets(%dma_start3A_139 : memref<128xi32, #tpu.memory_space<vmem>>) semaphore(%arg15 : memref<!tpu.dma_semaphore, #tpu.memory_space<semaphore_mem>>)
      %mul3A_143 = arith.constant 3 : i32
      %mul3A_144 = arith.muli %mul3A_143, %scan3A_114 : i32
      %add3A_145 = arith.constant 0 : i32
      %add3A_146 = arith.addi %mul3A_144, %add3A_145 : i32
      %mul3A_147 = arith.constant 2 : i32
      %mul3A_148 = arith.muli %mul3A_147, %add3A_146 : i32
      %add3A_149 = arith.constant 1 : i32
      %add3A_150 = arith.addi %mul3A_148, %add3A_149 : i32
      %dma_wait3A_151 = arith.constant 128 : i32
      %dma_wait3A_152 = arith.constant 0 : i32
      %dma_wait3A_153 = tpu.memref_slice %arg10[%dma_wait3A_151, %dma_wait3A_152] : memref<768x64xf32, #tpu.memory_space<vmem>> -> memref<128x64xf32, #tpu.memory_space<vmem>>
      %dma_wait3A_154 = arith.constant 0 : i32
      %dma_wait3A_155 = tpu.memref_slice %arg8[%add3A_150, %dma_wait3A_154] : memref<160x128xi32, #tpu.memory_space<vmem>> -> memref<1x128xi32, #tpu.memory_space<vmem>>
      %dma_wait3A_156 = tpu.memref_squeeze %dma_wait3A_155 : memref<1x128xi32, #tpu.memory_space<vmem>> -> memref<128xi32, #tpu.memory_space<vmem>>
      %dma_wait3A_157 = arith.constant 0 : i32
      %dma_wait3A_158 = arith.constant 0 : i32
      %dma_wait3A_159 = tpu.memref_slice %arg2[%dma_wait3A_157, %dma_wait3A_158] : memref<20000x64xf32, #tpu.memory_space<hbm>> -> memref<20000x64xf32, #tpu.memory_space<hbm>>
      tpu.wait_indirect_dma semaphore(%arg12 : memref<!tpu.dma_semaphore, #tpu.memory_space<semaphore_mem>>) src(%dma_wait3A_159 : memref<20000x64xf32, #tpu.memory_space<hbm>>) dst(%dma_wait3A_153 : memref<128x64xf32, #tpu.memory_space<vmem>>)
      "tpu.region"() ({
        %run_scoped3A_283 = tpu.sem_alloc : memref<!tpu.dma_semaphore, #tpu.memory_space<semaphore_mem>>
        %dma_start3A_284 = arith.constant 128 : i32
        %dma_start3A_285 = arith.constant 0 : i32
        %dma_start3A_286 = tpu.memref_slice %arg10[%dma_start3A_284, %dma_start3A_285] : memref<768x64xf32, #tpu.memory_space<vmem>> -> memref<128x64xf32, #tpu.memory_space<vmem>>
        %dma_start3A_287 = arith.constant 0 : i32
        %dma_start3A_288 = tpu.memref_slice %arg9[%add3A_150, %dma_start3A_287] : memref<160x128xi32, #tpu.memory_space<vmem>> -> memref<1x128xi32, #tpu.memory_space<vmem>>
        %dma_start3A_289 = tpu.memref_squeeze %dma_start3A_288 : memref<1x128xi32, #tpu.memory_space<vmem>> -> memref<128xi32, #tpu.memory_space<vmem>>
        %dma_start3A_290 = arith.constant 0 : i32
        %dma_start3A_291 = arith.constant 0 : i32
        %dma_start3A_292 = tpu.memref_slice %arg7[%dma_start3A_290, %dma_start3A_291] : memref<10112x64xf32, #tpu.memory_space<vmem_shared>> -> memref<10112x64xf32, #tpu.memory_space<vmem_shared>>
        tpu.enqueue_indirect_dma source(%dma_start3A_286 : memref<128x64xf32, #tpu.memory_space<vmem>>) target(%dma_start3A_292 : memref<10112x64xf32, #tpu.memory_space<vmem_shared>>) offsets(%dma_start3A_289 : memref<128xi32, #tpu.memory_space<vmem>>) semaphore(%run_scoped3A_283 : memref<!tpu.dma_semaphore, #tpu.memory_space<semaphore_mem>>) {add = true}
        %dma_wait3A_293 = arith.constant 128 : i32
        %dma_wait3A_294 = arith.constant 0 : i32
        %dma_wait3A_295 = tpu.memref_slice %arg10[%dma_wait3A_293, %dma_wait3A_294] : memref<768x64xf32, #tpu.memory_space<vmem>> -> memref<128x64xf32, #tpu.memory_space<vmem>>
        %dma_wait3A_296 = arith.constant 0 : i32
        %dma_wait3A_297 = tpu.memref_slice %arg9[%add3A_150, %dma_wait3A_296] : memref<160x128xi32, #tpu.memory_space<vmem>> -> memref<1x128xi32, #tpu.memory_space<vmem>>
        %dma_wait3A_298 = tpu.memref_squeeze %dma_wait3A_297 : memref<1x128xi32, #tpu.memory_space<vmem>> -> memref<128xi32, #tpu.memory_space<vmem>>
        %dma_wait3A_299 = arith.constant 0 : i32
        %dma_wait3A_300 = arith.constant 0 : i32
        %dma_wait3A_301 = tpu.memref_slice %arg7[%dma_wait3A_299, %dma_wait3A_300] : memref<10112x64xf32, #tpu.memory_space<vmem_shared>> -> memref<10112x64xf32, #tpu.memory_space<vmem_shared>>
        tpu.wait_indirect_dma semaphore(%run_scoped3A_283 : memref<!tpu.dma_semaphore, #tpu.memory_space<semaphore_mem>>) src(%dma_wait3A_295 : memref<128x64xf32, #tpu.memory_space<vmem>>) dst(%dma_wait3A_301 : memref<10112x64xf32, #tpu.memory_space<vmem_shared>>)
        tpu.yield
      }) : () -> ()
      %add3A_160 = arith.constant 4 : i32
      %add3A_161 = arith.addi %add3A_150, %add3A_160 : i32
      %dma_start3A_162 = arith.constant 640 : i32
      %dma_start3A_163 = arith.constant 0 : i32
      %dma_start3A_164 = tpu.memref_slice %arg10[%dma_start3A_162, %dma_start3A_163] : memref<768x64xf32, #tpu.memory_space<vmem>> -> memref<128x64xf32, #tpu.memory_space<vmem>>
      %dma_start3A_165 = arith.constant 0 : i32
      %dma_start3A_166 = tpu.memref_slice %arg8[%add3A_161, %dma_start3A_165] : memref<160x128xi32, #tpu.memory_space<vmem>> -> memref<1x128xi32, #tpu.memory_space<vmem>>
      %dma_start3A_167 = tpu.memref_squeeze %dma_start3A_166 : memref<1x128xi32, #tpu.memory_space<vmem>> -> memref<128xi32, #tpu.memory_space<vmem>>
      %dma_start3A_168 = arith.constant 0 : i32
      %dma_start3A_169 = arith.constant 0 : i32
      %dma_start3A_170 = tpu.memref_slice %arg2[%dma_start3A_168, %dma_start3A_169] : memref<20000x64xf32, #tpu.memory_space<hbm>> -> memref<20000x64xf32, #tpu.memory_space<hbm>>
      tpu.enqueue_indirect_dma source(%dma_start3A_170 : memref<20000x64xf32, #tpu.memory_space<hbm>>) target(%dma_start3A_164 : memref<128x64xf32, #tpu.memory_space<vmem>>) offsets(%dma_start3A_167 : memref<128xi32, #tpu.memory_space<vmem>>) semaphore(%arg16 : memref<!tpu.dma_semaphore, #tpu.memory_space<semaphore_mem>>)
      %mul3A_171 = arith.constant 3 : i32
      %mul3A_172 = arith.muli %mul3A_171, %scan3A_114 : i32
      %add3A_173 = arith.constant 1 : i32
      %add3A_174 = arith.addi %mul3A_172, %add3A_173 : i32
      %mul3A_175 = arith.constant 2 : i32
      %mul3A_176 = arith.muli %mul3A_175, %add3A_174 : i32
      %add3A_177 = arith.constant 0 : i32
      %add3A_178 = arith.addi %mul3A_176, %add3A_177 : i32
      %dma_wait3A_179 = arith.constant 256 : i32
      %dma_wait3A_180 = arith.constant 0 : i32
      %dma_wait3A_181 = tpu.memref_slice %arg10[%dma_wait3A_179, %dma_wait3A_180] : memref<768x64xf32, #tpu.memory_space<vmem>> -> memref<128x64xf32, #tpu.memory_space<vmem>>
      %dma_wait3A_182 = arith.constant 0 : i32
      %dma_wait3A_183 = tpu.memref_slice %arg8[%add3A_178, %dma_wait3A_182] : memref<160x128xi32, #tpu.memory_space<vmem>> -> memref<1x128xi32, #tpu.memory_space<vmem>>
      %dma_wait3A_184 = tpu.memref_squeeze %dma_wait3A_183 : memref<1x128xi32, #tpu.memory_space<vmem>> -> memref<128xi32, #tpu.memory_space<vmem>>
      %dma_wait3A_185 = arith.constant 0 : i32
      %dma_wait3A_186 = arith.constant 0 : i32
      %dma_wait3A_187 = tpu.memref_slice %arg2[%dma_wait3A_185, %dma_wait3A_186] : memref<20000x64xf32, #tpu.memory_space<hbm>> -> memref<20000x64xf32, #tpu.memory_space<hbm>>
      tpu.wait_indirect_dma semaphore(%arg13 : memref<!tpu.dma_semaphore, #tpu.memory_space<semaphore_mem>>) src(%dma_wait3A_187 : memref<20000x64xf32, #tpu.memory_space<hbm>>) dst(%dma_wait3A_181 : memref<128x64xf32, #tpu.memory_space<vmem>>)
      "tpu.region"() ({
        %run_scoped3A_283 = tpu.sem_alloc : memref<!tpu.dma_semaphore, #tpu.memory_space<semaphore_mem>>
        %dma_start3A_284 = arith.constant 256 : i32
        %dma_start3A_285 = arith.constant 0 : i32
        %dma_start3A_286 = tpu.memref_slice %arg10[%dma_start3A_284, %dma_start3A_285] : memref<768x64xf32, #tpu.memory_space<vmem>> -> memref<128x64xf32, #tpu.memory_space<vmem>>
        %dma_start3A_287 = arith.constant 0 : i32
        %dma_start3A_288 = tpu.memref_slice %arg9[%add3A_178, %dma_start3A_287] : memref<160x128xi32, #tpu.memory_space<vmem>> -> memref<1x128xi32, #tpu.memory_space<vmem>>
        %dma_start3A_289 = tpu.memref_squeeze %dma_start3A_288 : memref<1x128xi32, #tpu.memory_space<vmem>> -> memref<128xi32, #tpu.memory_space<vmem>>
        %dma_start3A_290 = arith.constant 0 : i32
        %dma_start3A_291 = arith.constant 0 : i32
        %dma_start3A_292 = tpu.memref_slice %arg7[%dma_start3A_290, %dma_start3A_291] : memref<10112x64xf32, #tpu.memory_space<vmem_shared>> -> memref<10112x64xf32, #tpu.memory_space<vmem_shared>>
        tpu.enqueue_indirect_dma source(%dma_start3A_286 : memref<128x64xf32, #tpu.memory_space<vmem>>) target(%dma_start3A_292 : memref<10112x64xf32, #tpu.memory_space<vmem_shared>>) offsets(%dma_start3A_289 : memref<128xi32, #tpu.memory_space<vmem>>) semaphore(%run_scoped3A_283 : memref<!tpu.dma_semaphore, #tpu.memory_space<semaphore_mem>>) {add = true}
        %dma_wait3A_293 = arith.constant 256 : i32
        %dma_wait3A_294 = arith.constant 0 : i32
        %dma_wait3A_295 = tpu.memref_slice %arg10[%dma_wait3A_293, %dma_wait3A_294] : memref<768x64xf32, #tpu.memory_space<vmem>> -> memref<128x64xf32, #tpu.memory_space<vmem>>
        %dma_wait3A_296 = arith.constant 0 : i32
        %dma_wait3A_297 = tpu.memref_slice %arg9[%add3A_178, %dma_wait3A_296] : memref<160x128xi32, #tpu.memory_space<vmem>> -> memref<1x128xi32, #tpu.memory_space<vmem>>
        %dma_wait3A_298 = tpu.memref_squeeze %dma_wait3A_297 : memref<1x128xi32, #tpu.memory_space<vmem>> -> memref<128xi32, #tpu.memory_space<vmem>>
        %dma_wait3A_299 = arith.constant 0 : i32
        %dma_wait3A_300 = arith.constant 0 : i32
        %dma_wait3A_301 = tpu.memref_slice %arg7[%dma_wait3A_299, %dma_wait3A_300] : memref<10112x64xf32, #tpu.memory_space<vmem_shared>> -> memref<10112x64xf32, #tpu.memory_space<vmem_shared>>
        tpu.wait_indirect_dma semaphore(%run_scoped3A_283 : memref<!tpu.dma_semaphore, #tpu.memory_space<semaphore_mem>>) src(%dma_wait3A_295 : memref<128x64xf32, #tpu.memory_space<vmem>>) dst(%dma_wait3A_301 : memref<10112x64xf32, #tpu.memory_space<vmem_shared>>)
        tpu.yield
      }) : () -> ()
      %add3A_188 = arith.constant 4 : i32
      %add3A_189 = arith.addi %add3A_178, %add3A_188 : i32
      %dma_start3A_190 = arith.constant 0 : i32
      %dma_start3A_191 = arith.constant 0 : i32
      %dma_start3A_192 = tpu.memref_slice %arg10[%dma_start3A_190, %dma_start3A_191] : memref<768x64xf32, #tpu.memory_space<vmem>> -> memref<128x64xf32, #tpu.memory_space<vmem>>
      %dma_start3A_193 = arith.constant 0 : i32
      %dma_start3A_194 = tpu.memref_slice %arg8[%add3A_189, %dma_start3A_193] : memref<160x128xi32, #tpu.memory_space<vmem>> -> memref<1x128xi32, #tpu.memory_space<vmem>>
      %dma_start3A_195 = tpu.memref_squeeze %dma_start3A_194 : memref<1x128xi32, #tpu.memory_space<vmem>> -> memref<128xi32, #tpu.memory_space<vmem>>
      %dma_start3A_196 = arith.constant 0 : i32
      %dma_start3A_197 = arith.constant 0 : i32
      %dma_start3A_198 = tpu.memref_slice %arg2[%dma_start3A_196, %dma_start3A_197] : memref<20000x64xf32, #tpu.memory_space<hbm>> -> memref<20000x64xf32, #tpu.memory_space<hbm>>
      tpu.enqueue_indirect_dma source(%dma_start3A_198 : memref<20000x64xf32, #tpu.memory_space<hbm>>) target(%dma_start3A_192 : memref<128x64xf32, #tpu.memory_space<vmem>>) offsets(%dma_start3A_195 : memref<128xi32, #tpu.memory_space<vmem>>) semaphore(%arg11 : memref<!tpu.dma_semaphore, #tpu.memory_space<semaphore_mem>>)
      %mul3A_199 = arith.constant 3 : i32
      %mul3A_200 = arith.muli %mul3A_199, %scan3A_114 : i32
      %add3A_201 = arith.constant 1 : i32
      %add3A_202 = arith.addi %mul3A_200, %add3A_201 : i32
      %mul3A_203 = arith.constant 2 : i32
      %mul3A_204 = arith.muli %mul3A_203, %add3A_202 : i32
      %add3A_205 = arith.constant 1 : i32
      %add3A_206 = arith.addi %mul3A_204, %add3A_205 : i32
      %dma_wait3A_207 = arith.constant 384 : i32
      %dma_wait3A_208 = arith.constant 0 : i32
      %dma_wait3A_209 = tpu.memref_slice %arg10[%dma_wait3A_207, %dma_wait3A_208] : memref<768x64xf32, #tpu.memory_space<vmem>> -> memref<128x64xf32, #tpu.memory_space<vmem>>
      %dma_wait3A_210 = arith.constant 0 : i32
      %dma_wait3A_211 = tpu.memref_slice %arg8[%add3A_206, %dma_wait3A_210] : memref<160x128xi32, #tpu.memory_space<vmem>> -> memref<1x128xi32, #tpu.memory_space<vmem>>
      %dma_wait3A_212 = tpu.memref_squeeze %dma_wait3A_211 : memref<1x128xi32, #tpu.memory_space<vmem>> -> memref<128xi32, #tpu.memory_space<vmem>>
      %dma_wait3A_213 = arith.constant 0 : i32
      %dma_wait3A_214 = arith.constant 0 : i32
      %dma_wait3A_215 = tpu.memref_slice %arg2[%dma_wait3A_213, %dma_wait3A_214] : memref<20000x64xf32, #tpu.memory_space<hbm>> -> memref<20000x64xf32, #tpu.memory_space<hbm>>
      tpu.wait_indirect_dma semaphore(%arg14 : memref<!tpu.dma_semaphore, #tpu.memory_space<semaphore_mem>>) src(%dma_wait3A_215 : memref<20000x64xf32, #tpu.memory_space<hbm>>) dst(%dma_wait3A_209 : memref<128x64xf32, #tpu.memory_space<vmem>>)
      "tpu.region"() ({
        %run_scoped3A_283 = tpu.sem_alloc : memref<!tpu.dma_semaphore, #tpu.memory_space<semaphore_mem>>
        %dma_start3A_284 = arith.constant 384 : i32
        %dma_start3A_285 = arith.constant 0 : i32
        %dma_start3A_286 = tpu.memref_slice %arg10[%dma_start3A_284, %dma_start3A_285] : memref<768x64xf32, #tpu.memory_space<vmem>> -> memref<128x64xf32, #tpu.memory_space<vmem>>
        %dma_start3A_287 = arith.constant 0 : i32
        %dma_start3A_288 = tpu.memref_slice %arg9[%add3A_206, %dma_start3A_287] : memref<160x128xi32, #tpu.memory_space<vmem>> -> memref<1x128xi32, #tpu.memory_space<vmem>>
        %dma_start3A_289 = tpu.memref_squeeze %dma_start3A_288 : memref<1x128xi32, #tpu.memory_space<vmem>> -> memref<128xi32, #tpu.memory_space<vmem>>
        %dma_start3A_290 = arith.constant 0 : i32
        %dma_start3A_291 = arith.constant 0 : i32
        %dma_start3A_292 = tpu.memref_slice %arg7[%dma_start3A_290, %dma_start3A_291] : memref<10112x64xf32, #tpu.memory_space<vmem_shared>> -> memref<10112x64xf32, #tpu.memory_space<vmem_shared>>
        tpu.enqueue_indirect_dma source(%dma_start3A_286 : memref<128x64xf32, #tpu.memory_space<vmem>>) target(%dma_start3A_292 : memref<10112x64xf32, #tpu.memory_space<vmem_shared>>) offsets(%dma_start3A_289 : memref<128xi32, #tpu.memory_space<vmem>>) semaphore(%run_scoped3A_283 : memref<!tpu.dma_semaphore, #tpu.memory_space<semaphore_mem>>) {add = true}
        %dma_wait3A_293 = arith.constant 384 : i32
        %dma_wait3A_294 = arith.constant 0 : i32
        %dma_wait3A_295 = tpu.memref_slice %arg10[%dma_wait3A_293, %dma_wait3A_294] : memref<768x64xf32, #tpu.memory_space<vmem>> -> memref<128x64xf32, #tpu.memory_space<vmem>>
        %dma_wait3A_296 = arith.constant 0 : i32
        %dma_wait3A_297 = tpu.memref_slice %arg9[%add3A_206, %dma_wait3A_296] : memref<160x128xi32, #tpu.memory_space<vmem>> -> memref<1x128xi32, #tpu.memory_space<vmem>>
        %dma_wait3A_298 = tpu.memref_squeeze %dma_wait3A_297 : memref<1x128xi32, #tpu.memory_space<vmem>> -> memref<128xi32, #tpu.memory_space<vmem>>
        %dma_wait3A_299 = arith.constant 0 : i32
        %dma_wait3A_300 = arith.constant 0 : i32
        %dma_wait3A_301 = tpu.memref_slice %arg7[%dma_wait3A_299, %dma_wait3A_300] : memref<10112x64xf32, #tpu.memory_space<vmem_shared>> -> memref<10112x64xf32, #tpu.memory_space<vmem_shared>>
        tpu.wait_indirect_dma semaphore(%run_scoped3A_283 : memref<!tpu.dma_semaphore, #tpu.memory_space<semaphore_mem>>) src(%dma_wait3A_295 : memref<128x64xf32, #tpu.memory_space<vmem>>) dst(%dma_wait3A_301 : memref<10112x64xf32, #tpu.memory_space<vmem_shared>>)
        tpu.yield
      }) : () -> ()
      %add3A_216 = arith.constant 4 : i32
      %add3A_217 = arith.addi %add3A_206, %add3A_216 : i32
      %dma_start3A_218 = arith.constant 128 : i32
      %dma_start3A_219 = arith.constant 0 : i32
      %dma_start3A_220 = tpu.memref_slice %arg10[%dma_start3A_218, %dma_start3A_219] : memref<768x64xf32, #tpu.memory_space<vmem>> -> memref<128x64xf32, #tpu.memory_space<vmem>>
      %dma_start3A_221 = arith.constant 0 : i32
      %dma_start3A_222 = tpu.memref_slice %arg8[%add3A_217, %dma_start3A_221] : memref<160x128xi32, #tpu.memory_space<vmem>> -> memref<1x128xi32, #tpu.memory_space<vmem>>
      %dma_start3A_223 = tpu.memref_squeeze %dma_start3A_222 : memref<1x128xi32, #tpu.memory_space<vmem>> -> memref<128xi32, #tpu.memory_space<vmem>>
      %dma_start3A_224 = arith.constant 0 : i32
      %dma_start3A_225 = arith.constant 0 : i32
      %dma_start3A_226 = tpu.memref_slice %arg2[%dma_start3A_224, %dma_start3A_225] : memref<20000x64xf32, #tpu.memory_space<hbm>> -> memref<20000x64xf32, #tpu.memory_space<hbm>>
      tpu.enqueue_indirect_dma source(%dma_start3A_226 : memref<20000x64xf32, #tpu.memory_space<hbm>>) target(%dma_start3A_220 : memref<128x64xf32, #tpu.memory_space<vmem>>) offsets(%dma_start3A_223 : memref<128xi32, #tpu.memory_space<vmem>>) semaphore(%arg12 : memref<!tpu.dma_semaphore, #tpu.memory_space<semaphore_mem>>)
      %mul3A_227 = arith.constant 3 : i32
      %mul3A_228 = arith.muli %mul3A_227, %scan3A_114 : i32
      %add3A_229 = arith.constant 2 : i32
      %add3A_230 = arith.addi %mul3A_228, %add3A_229 : i32
      %mul3A_231 = arith.constant 2 : i32
      %mul3A_232 = arith.muli %mul3A_231, %add3A_230 : i32
      %add3A_233 = arith.constant 0 : i32
      %add3A_234 = arith.addi %mul3A_232, %add3A_233 : i32
      %dma_wait3A_235 = arith.constant 512 : i32
      %dma_wait3A_236 = arith.constant 0 : i32
      %dma_wait3A_237 = tpu.memref_slice %arg10[%dma_wait3A_235, %dma_wait3A_236] : memref<768x64xf32, #tpu.memory_space<vmem>> -> memref<128x64xf32, #tpu.memory_space<vmem>>
      %dma_wait3A_238 = arith.constant 0 : i32
      %dma_wait3A_239 = tpu.memref_slice %arg8[%add3A_234, %dma_wait3A_238] : memref<160x128xi32, #tpu.memory_space<vmem>> -> memref<1x128xi32, #tpu.memory_space<vmem>>
      %dma_wait3A_240 = tpu.memref_squeeze %dma_wait3A_239 : memref<1x128xi32, #tpu.memory_space<vmem>> -> memref<128xi32, #tpu.memory_space<vmem>>
      %dma_wait3A_241 = arith.constant 0 : i32
      %dma_wait3A_242 = arith.constant 0 : i32
      %dma_wait3A_243 = tpu.memref_slice %arg2[%dma_wait3A_241, %dma_wait3A_242] : memref<20000x64xf32, #tpu.memory_space<hbm>> -> memref<20000x64xf32, #tpu.memory_space<hbm>>
      tpu.wait_indirect_dma semaphore(%arg15 : memref<!tpu.dma_semaphore, #tpu.memory_space<semaphore_mem>>) src(%dma_wait3A_243 : memref<20000x64xf32, #tpu.memory_space<hbm>>) dst(%dma_wait3A_237 : memref<128x64xf32, #tpu.memory_space<vmem>>)
      "tpu.region"() ({
        %run_scoped3A_283 = tpu.sem_alloc : memref<!tpu.dma_semaphore, #tpu.memory_space<semaphore_mem>>
        %dma_start3A_284 = arith.constant 512 : i32
        %dma_start3A_285 = arith.constant 0 : i32
        %dma_start3A_286 = tpu.memref_slice %arg10[%dma_start3A_284, %dma_start3A_285] : memref<768x64xf32, #tpu.memory_space<vmem>> -> memref<128x64xf32, #tpu.memory_space<vmem>>
        %dma_start3A_287 = arith.constant 0 : i32
        %dma_start3A_288 = tpu.memref_slice %arg9[%add3A_234, %dma_start3A_287] : memref<160x128xi32, #tpu.memory_space<vmem>> -> memref<1x128xi32, #tpu.memory_space<vmem>>
        %dma_start3A_289 = tpu.memref_squeeze %dma_start3A_288 : memref<1x128xi32, #tpu.memory_space<vmem>> -> memref<128xi32, #tpu.memory_space<vmem>>
        %dma_start3A_290 = arith.constant 0 : i32
        %dma_start3A_291 = arith.constant 0 : i32
        %dma_start3A_292 = tpu.memref_slice %arg7[%dma_start3A_290, %dma_start3A_291] : memref<10112x64xf32, #tpu.memory_space<vmem_shared>> -> memref<10112x64xf32, #tpu.memory_space<vmem_shared>>
        tpu.enqueue_indirect_dma source(%dma_start3A_286 : memref<128x64xf32, #tpu.memory_space<vmem>>) target(%dma_start3A_292 : memref<10112x64xf32, #tpu.memory_space<vmem_shared>>) offsets(%dma_start3A_289 : memref<128xi32, #tpu.memory_space<vmem>>) semaphore(%run_scoped3A_283 : memref<!tpu.dma_semaphore, #tpu.memory_space<semaphore_mem>>) {add = true}
        %dma_wait3A_293 = arith.constant 512 : i32
        %dma_wait3A_294 = arith.constant 0 : i32
        %dma_wait3A_295 = tpu.memref_slice %arg10[%dma_wait3A_293, %dma_wait3A_294] : memref<768x64xf32, #tpu.memory_space<vmem>> -> memref<128x64xf32, #tpu.memory_space<vmem>>
        %dma_wait3A_296 = arith.constant 0 : i32
        %dma_wait3A_297 = tpu.memref_slice %arg9[%add3A_234, %dma_wait3A_296] : memref<160x128xi32, #tpu.memory_space<vmem>> -> memref<1x128xi32, #tpu.memory_space<vmem>>
        %dma_wait3A_298 = tpu.memref_squeeze %dma_wait3A_297 : memref<1x128xi32, #tpu.memory_space<vmem>> -> memref<128xi32, #tpu.memory_space<vmem>>
        %dma_wait3A_299 = arith.constant 0 : i32
        %dma_wait3A_300 = arith.constant 0 : i32
        %dma_wait3A_301 = tpu.memref_slice %arg7[%dma_wait3A_299, %dma_wait3A_300] : memref<10112x64xf32, #tpu.memory_space<vmem_shared>> -> memref<10112x64xf32, #tpu.memory_space<vmem_shared>>
        tpu.wait_indirect_dma semaphore(%run_scoped3A_283 : memref<!tpu.dma_semaphore, #tpu.memory_space<semaphore_mem>>) src(%dma_wait3A_295 : memref<128x64xf32, #tpu.memory_space<vmem>>) dst(%dma_wait3A_301 : memref<10112x64xf32, #tpu.memory_space<vmem_shared>>)
        tpu.yield
      }) : () -> ()
      %add3A_244 = arith.constant 4 : i32
      %add3A_245 = arith.addi %add3A_234, %add3A_244 : i32
      %dma_start3A_246 = arith.constant 256 : i32
      %dma_start3A_247 = arith.constant 0 : i32
      %dma_start3A_248 = tpu.memref_slice %arg10[%dma_start3A_246, %dma_start3A_247] : memref<768x64xf32, #tpu.memory_space<vmem>> -> memref<128x64xf32, #tpu.memory_space<vmem>>
      %dma_start3A_249 = arith.constant 0 : i32
      %dma_start3A_250 = tpu.memref_slice %arg8[%add3A_245, %dma_start3A_249] : memref<160x128xi32, #tpu.memory_space<vmem>> -> memref<1x128xi32, #tpu.memory_space<vmem>>
      %dma_start3A_251 = tpu.memref_squeeze %dma_start3A_250 : memref<1x128xi32, #tpu.memory_space<vmem>> -> memref<128xi32, #tpu.memory_space<vmem>>
      %dma_start3A_252 = arith.constant 0 : i32
      %dma_start3A_253 = arith.constant 0 : i32
      %dma_start3A_254 = tpu.memref_slice %arg2[%dma_start3A_252, %dma_start3A_253] : memref<20000x64xf32, #tpu.memory_space<hbm>> -> memref<20000x64xf32, #tpu.memory_space<hbm>>
      tpu.enqueue_indirect_dma source(%dma_start3A_254 : memref<20000x64xf32, #tpu.memory_space<hbm>>) target(%dma_start3A_248 : memref<128x64xf32, #tpu.memory_space<vmem>>) offsets(%dma_start3A_251 : memref<128xi32, #tpu.memory_space<vmem>>) semaphore(%arg13 : memref<!tpu.dma_semaphore, #tpu.memory_space<semaphore_mem>>)
      %mul3A_255 = arith.constant 3 : i32
      %mul3A_256 = arith.muli %mul3A_255, %scan3A_114 : i32
      %add3A_257 = arith.constant 2 : i32
      %add3A_258 = arith.addi %mul3A_256, %add3A_257 : i32
      %mul3A_259 = arith.constant 2 : i32
      %mul3A_260 = arith.muli %mul3A_259, %add3A_258 : i32
      %add3A_261 = arith.constant 1 : i32
      %add3A_262 = arith.addi %mul3A_260, %add3A_261 : i32
      %dma_wait3A_263 = arith.constant 640 : i32
      %dma_wait3A_264 = arith.constant 0 : i32
      %dma_wait3A_265 = tpu.memref_slice %arg10[%dma_wait3A_263, %dma_wait3A_264] : memref<768x64xf32, #tpu.memory_space<vmem>> -> memref<128x64xf32, #tpu.memory_space<vmem>>
      %dma_wait3A_266 = arith.constant 0 : i32
      %dma_wait3A_267 = tpu.memref_slice %arg8[%add3A_262, %dma_wait3A_266] : memref<160x128xi32, #tpu.memory_space<vmem>> -> memref<1x128xi32, #tpu.memory_space<vmem>>
      %dma_wait3A_268 = tpu.memref_squeeze %dma_wait3A_267 : memref<1x128xi32, #tpu.memory_space<vmem>> -> memref<128xi32, #tpu.memory_space<vmem>>
      %dma_wait3A_269 = arith.constant 0 : i32
      %dma_wait3A_270 = arith.constant 0 : i32
      %dma_wait3A_271 = tpu.memref_slice %arg2[%dma_wait3A_269, %dma_wait3A_270] : memref<20000x64xf32, #tpu.memory_space<hbm>> -> memref<20000x64xf32, #tpu.memory_space<hbm>>
      tpu.wait_indirect_dma semaphore(%arg16 : memref<!tpu.dma_semaphore, #tpu.memory_space<semaphore_mem>>) src(%dma_wait3A_271 : memref<20000x64xf32, #tpu.memory_space<hbm>>) dst(%dma_wait3A_265 : memref<128x64xf32, #tpu.memory_space<vmem>>)
      "tpu.region"() ({
        %run_scoped3A_283 = tpu.sem_alloc : memref<!tpu.dma_semaphore, #tpu.memory_space<semaphore_mem>>
        %dma_start3A_284 = arith.constant 640 : i32
        %dma_start3A_285 = arith.constant 0 : i32
        %dma_start3A_286 = tpu.memref_slice %arg10[%dma_start3A_284, %dma_start3A_285] : memref<768x64xf32, #tpu.memory_space<vmem>> -> memref<128x64xf32, #tpu.memory_space<vmem>>
        %dma_start3A_287 = arith.constant 0 : i32
        %dma_start3A_288 = tpu.memref_slice %arg9[%add3A_262, %dma_start3A_287] : memref<160x128xi32, #tpu.memory_space<vmem>> -> memref<1x128xi32, #tpu.memory_space<vmem>>
        %dma_start3A_289 = tpu.memref_squeeze %dma_start3A_288 : memref<1x128xi32, #tpu.memory_space<vmem>> -> memref<128xi32, #tpu.memory_space<vmem>>
        %dma_start3A_290 = arith.constant 0 : i32
        %dma_start3A_291 = arith.constant 0 : i32
        %dma_start3A_292 = tpu.memref_slice %arg7[%dma_start3A_290, %dma_start3A_291] : memref<10112x64xf32, #tpu.memory_space<vmem_shared>> -> memref<10112x64xf32, #tpu.memory_space<vmem_shared>>
        tpu.enqueue_indirect_dma source(%dma_start3A_286 : memref<128x64xf32, #tpu.memory_space<vmem>>) target(%dma_start3A_292 : memref<10112x64xf32, #tpu.memory_space<vmem_shared>>) offsets(%dma_start3A_289 : memref<128xi32, #tpu.memory_space<vmem>>) semaphore(%run_scoped3A_283 : memref<!tpu.dma_semaphore, #tpu.memory_space<semaphore_mem>>) {add = true}
        %dma_wait3A_293 = arith.constant 640 : i32
        %dma_wait3A_294 = arith.constant 0 : i32
        %dma_wait3A_295 = tpu.memref_slice %arg10[%dma_wait3A_293, %dma_wait3A_294] : memref<768x64xf32, #tpu.memory_space<vmem>> -> memref<128x64xf32, #tpu.memory_space<vmem>>
        %dma_wait3A_296 = arith.constant 0 : i32
        %dma_wait3A_297 = tpu.memref_slice %arg9[%add3A_262, %dma_wait3A_296] : memref<160x128xi32, #tpu.memory_space<vmem>> -> memref<1x128xi32, #tpu.memory_space<vmem>>
        %dma_wait3A_298 = tpu.memref_squeeze %dma_wait3A_297 : memref<1x128xi32, #tpu.memory_space<vmem>> -> memref<128xi32, #tpu.memory_space<vmem>>
        %dma_wait3A_299 = arith.constant 0 : i32
        %dma_wait3A_300 = arith.constant 0 : i32
        %dma_wait3A_301 = tpu.memref_slice %arg7[%dma_wait3A_299, %dma_wait3A_300] : memref<10112x64xf32, #tpu.memory_space<vmem_shared>> -> memref<10112x64xf32, #tpu.memory_space<vmem_shared>>
        tpu.wait_indirect_dma semaphore(%run_scoped3A_283 : memref<!tpu.dma_semaphore, #tpu.memory_space<semaphore_mem>>) src(%dma_wait3A_295 : memref<128x64xf32, #tpu.memory_space<vmem>>) dst(%dma_wait3A_301 : memref<10112x64xf32, #tpu.memory_space<vmem_shared>>)
        tpu.yield
      }) : () -> ()
      %add3A_272 = arith.constant 4 : i32
      %add3A_273 = arith.addi %add3A_262, %add3A_272 : i32
      %dma_start3A_274 = arith.constant 384 : i32
      %dma_start3A_275 = arith.constant 0 : i32
      %dma_start3A_276 = tpu.memref_slice %arg10[%dma_start3A_274, %dma_start3A_275] : memref<768x64xf32, #tpu.memory_space<vmem>> -> memref<128x64xf32, #tpu.memory_space<vmem>>
      %dma_start3A_277 = arith.constant 0 : i32
      %dma_start3A_278 = tpu.memref_slice %arg8[%add3A_273, %dma_start3A_277] : memref<160x128xi32, #tpu.memory_space<vmem>> -> memref<1x128xi32, #tpu.memory_space<vmem>>
      %dma_start3A_279 = tpu.memref_squeeze %dma_start3A_278 : memref<1x128xi32, #tpu.memory_space<vmem>> -> memref<128xi32, #tpu.memory_space<vmem>>
      %dma_start3A_280 = arith.constant 0 : i32
      %dma_start3A_281 = arith.constant 0 : i32
      %dma_start3A_282 = tpu.memref_slice %arg2[%dma_start3A_280, %dma_start3A_281] : memref<20000x64xf32, #tpu.memory_space<hbm>> -> memref<20000x64xf32, #tpu.memory_space<hbm>>
      tpu.enqueue_indirect_dma source(%dma_start3A_282 : memref<20000x64xf32, #tpu.memory_space<hbm>>) target(%dma_start3A_276 : memref<128x64xf32, #tpu.memory_space<vmem>>) offsets(%dma_start3A_279 : memref<128xi32, #tpu.memory_space<vmem>>) semaphore(%arg14 : memref<!tpu.dma_semaphore, #tpu.memory_space<semaphore_mem>>)
    }
    %scan3A_62 = arith.constant 26 : i32
    %dma_wait3A = arith.constant 156 : i32
    %dma_wait3A_63 = arith.constant 0 : i32
    %dma_wait3A_64 = arith.constant 0 : i32
    %dma_wait3A_65 = tpu.memref_slice %arg10[%dma_wait3A_63, %dma_wait3A_64] : memref<768x64xf32, #tpu.memory_space<vmem>> -> memref<128x64xf32, #tpu.memory_space<vmem>>
    %dma_wait3A_66 = arith.constant 0 : i32
    %dma_wait3A_67 = tpu.memref_slice %arg8[%dma_wait3A, %dma_wait3A_66] : memref<160x128xi32, #tpu.memory_space<vmem>> -> memref<1x128xi32, #tpu.memory_space<vmem>>
    %dma_wait3A_68 = tpu.memref_squeeze %dma_wait3A_67 : memref<1x128xi32, #tpu.memory_space<vmem>> -> memref<128xi32, #tpu.memory_space<vmem>>
    %dma_wait3A_69 = arith.constant 0 : i32
    %dma_wait3A_70 = arith.constant 0 : i32
    %dma_wait3A_71 = tpu.memref_slice %arg2[%dma_wait3A_69, %dma_wait3A_70] : memref<20000x64xf32, #tpu.memory_space<hbm>> -> memref<20000x64xf32, #tpu.memory_space<hbm>>
    tpu.wait_indirect_dma semaphore(%arg11 : memref<!tpu.dma_semaphore, #tpu.memory_space<semaphore_mem>>) src(%dma_wait3A_71 : memref<20000x64xf32, #tpu.memory_space<hbm>>) dst(%dma_wait3A_65 : memref<128x64xf32, #tpu.memory_space<vmem>>)
    %run_scoped3A = arith.constant 156 : i32
    "tpu.region"() ({
      %run_scoped3A_114 = tpu.sem_alloc : memref<!tpu.dma_semaphore, #tpu.memory_space<semaphore_mem>>
      %dma_start3A_115 = arith.constant 0 : i32
      %dma_start3A_116 = arith.constant 0 : i32
      %dma_start3A_117 = tpu.memref_slice %arg10[%dma_start3A_115, %dma_start3A_116] : memref<768x64xf32, #tpu.memory_space<vmem>> -> memref<128x64xf32, #tpu.memory_space<vmem>>
      %dma_start3A_118 = arith.constant 0 : i32
      %dma_start3A_119 = tpu.memref_slice %arg9[%run_scoped3A, %dma_start3A_118] : memref<160x128xi32, #tpu.memory_space<vmem>> -> memref<1x128xi32, #tpu.memory_space<vmem>>
      %dma_start3A_120 = tpu.memref_squeeze %dma_start3A_119 : memref<1x128xi32, #tpu.memory_space<vmem>> -> memref<128xi32, #tpu.memory_space<vmem>>
      %dma_start3A_121 = arith.constant 0 : i32
      %dma_start3A_122 = arith.constant 0 : i32
      %dma_start3A_123 = tpu.memref_slice %arg7[%dma_start3A_121, %dma_start3A_122] : memref<10112x64xf32, #tpu.memory_space<vmem_shared>> -> memref<10112x64xf32, #tpu.memory_space<vmem_shared>>
      tpu.enqueue_indirect_dma source(%dma_start3A_117 : memref<128x64xf32, #tpu.memory_space<vmem>>) target(%dma_start3A_123 : memref<10112x64xf32, #tpu.memory_space<vmem_shared>>) offsets(%dma_start3A_120 : memref<128xi32, #tpu.memory_space<vmem>>) semaphore(%run_scoped3A_114 : memref<!tpu.dma_semaphore, #tpu.memory_space<semaphore_mem>>) {add = true}
      %dma_wait3A_124 = arith.constant 0 : i32
      %dma_wait3A_125 = arith.constant 0 : i32
      %dma_wait3A_126 = tpu.memref_slice %arg10[%dma_wait3A_124, %dma_wait3A_125] : memref<768x64xf32, #tpu.memory_space<vmem>> -> memref<128x64xf32, #tpu.memory_space<vmem>>
      %dma_wait3A_127 = arith.constant 0 : i32
      %dma_wait3A_128 = tpu.memref_slice %arg9[%run_scoped3A, %dma_wait3A_127] : memref<160x128xi32, #tpu.memory_space<vmem>> -> memref<1x128xi32, #tpu.memory_space<vmem>>
      %dma_wait3A_129 = tpu.memref_squeeze %dma_wait3A_128 : memref<1x128xi32, #tpu.memory_space<vmem>> -> memref<128xi32, #tpu.memory_space<vmem>>
      %dma_wait3A_130 = arith.constant 0 : i32
      %dma_wait3A_131 = arith.constant 0 : i32
      %dma_wait3A_132 = tpu.memref_slice %arg7[%dma_wait3A_130, %dma_wait3A_131] : memref<10112x64xf32, #tpu.memory_space<vmem_shared>> -> memref<10112x64xf32, #tpu.memory_space<vmem_shared>>
      tpu.wait_indirect_dma semaphore(%run_scoped3A_114 : memref<!tpu.dma_semaphore, #tpu.memory_space<semaphore_mem>>) src(%dma_wait3A_126 : memref<128x64xf32, #tpu.memory_space<vmem>>) dst(%dma_wait3A_132 : memref<10112x64xf32, #tpu.memory_space<vmem_shared>>)
      tpu.yield
    }) : () -> ()
    %dma_wait3A_72 = arith.constant 157 : i32
    %dma_wait3A_73 = arith.constant 128 : i32
    %dma_wait3A_74 = arith.constant 0 : i32
    %dma_wait3A_75 = tpu.memref_slice %arg10[%dma_wait3A_73, %dma_wait3A_74] : memref<768x64xf32, #tpu.memory_space<vmem>> -> memref<128x64xf32, #tpu.memory_space<vmem>>
    %dma_wait3A_76 = arith.constant 0 : i32
    %dma_wait3A_77 = tpu.memref_slice %arg8[%dma_wait3A_72, %dma_wait3A_76] : memref<160x128xi32, #tpu.memory_space<vmem>> -> memref<1x128xi32, #tpu.memory_space<vmem>>
    %dma_wait3A_78 = tpu.memref_squeeze %dma_wait3A_77 : memref<1x128xi32, #tpu.memory_space<vmem>> -> memref<128xi32, #tpu.memory_space<vmem>>
    %dma_wait3A_79 = arith.constant 0 : i32
    %dma_wait3A_80 = arith.constant 0 : i32
    %dma_wait3A_81 = tpu.memref_slice %arg2[%dma_wait3A_79, %dma_wait3A_80] : memref<20000x64xf32, #tpu.memory_space<hbm>> -> memref<20000x64xf32, #tpu.memory_space<hbm>>
    tpu.wait_indirect_dma semaphore(%arg12 : memref<!tpu.dma_semaphore, #tpu.memory_space<semaphore_mem>>) src(%dma_wait3A_81 : memref<20000x64xf32, #tpu.memory_space<hbm>>) dst(%dma_wait3A_75 : memref<128x64xf32, #tpu.memory_space<vmem>>)
    %run_scoped3A_82 = arith.constant 157 : i32
    "tpu.region"() ({
      %run_scoped3A_114 = tpu.sem_alloc : memref<!tpu.dma_semaphore, #tpu.memory_space<semaphore_mem>>
      %dma_start3A_115 = arith.constant 128 : i32
      %dma_start3A_116 = arith.constant 0 : i32
      %dma_start3A_117 = tpu.memref_slice %arg10[%dma_start3A_115, %dma_start3A_116] : memref<768x64xf32, #tpu.memory_space<vmem>> -> memref<128x64xf32, #tpu.memory_space<vmem>>
      %dma_start3A_118 = arith.constant 0 : i32
      %dma_start3A_119 = tpu.memref_slice %arg9[%run_scoped3A_82, %dma_start3A_118] : memref<160x128xi32, #tpu.memory_space<vmem>> -> memref<1x128xi32, #tpu.memory_space<vmem>>
      %dma_start3A_120 = tpu.memref_squeeze %dma_start3A_119 : memref<1x128xi32, #tpu.memory_space<vmem>> -> memref<128xi32, #tpu.memory_space<vmem>>
      %dma_start3A_121 = arith.constant 0 : i32
      %dma_start3A_122 = arith.constant 0 : i32
      %dma_start3A_123 = tpu.memref_slice %arg7[%dma_start3A_121, %dma_start3A_122] : memref<10112x64xf32, #tpu.memory_space<vmem_shared>> -> memref<10112x64xf32, #tpu.memory_space<vmem_shared>>
      tpu.enqueue_indirect_dma source(%dma_start3A_117 : memref<128x64xf32, #tpu.memory_space<vmem>>) target(%dma_start3A_123 : memref<10112x64xf32, #tpu.memory_space<vmem_shared>>) offsets(%dma_start3A_120 : memref<128xi32, #tpu.memory_space<vmem>>) semaphore(%run_scoped3A_114 : memref<!tpu.dma_semaphore, #tpu.memory_space<semaphore_mem>>) {add = true}
      %dma_wait3A_124 = arith.constant 128 : i32
      %dma_wait3A_125 = arith.constant 0 : i32
      %dma_wait3A_126 = tpu.memref_slice %arg10[%dma_wait3A_124, %dma_wait3A_125] : memref<768x64xf32, #tpu.memory_space<vmem>> -> memref<128x64xf32, #tpu.memory_space<vmem>>
      %dma_wait3A_127 = arith.constant 0 : i32
      %dma_wait3A_128 = tpu.memref_slice %arg9[%run_scoped3A_82, %dma_wait3A_127] : memref<160x128xi32, #tpu.memory_space<vmem>> -> memref<1x128xi32, #tpu.memory_space<vmem>>
      %dma_wait3A_129 = tpu.memref_squeeze %dma_wait3A_128 : memref<1x128xi32, #tpu.memory_space<vmem>> -> memref<128xi32, #tpu.memory_space<vmem>>
      %dma_wait3A_130 = arith.constant 0 : i32
      %dma_wait3A_131 = arith.constant 0 : i32
      %dma_wait3A_132 = tpu.memref_slice %arg7[%dma_wait3A_130, %dma_wait3A_131] : memref<10112x64xf32, #tpu.memory_space<vmem_shared>> -> memref<10112x64xf32, #tpu.memory_space<vmem_shared>>
      tpu.wait_indirect_dma semaphore(%run_scoped3A_114 : memref<!tpu.dma_semaphore, #tpu.memory_space<semaphore_mem>>) src(%dma_wait3A_126 : memref<128x64xf32, #tpu.memory_space<vmem>>) dst(%dma_wait3A_132 : memref<10112x64xf32, #tpu.memory_space<vmem_shared>>)
      tpu.yield
    }) : () -> ()
    %dma_wait3A_83 = arith.constant 158 : i32
    %dma_wait3A_84 = arith.constant 256 : i32
    %dma_wait3A_85 = arith.constant 0 : i32
    %dma_wait3A_86 = tpu.memref_slice %arg10[%dma_wait3A_84, %dma_wait3A_85] : memref<768x64xf32, #tpu.memory_space<vmem>> -> memref<128x64xf32, #tpu.memory_space<vmem>>
    %dma_wait3A_87 = arith.constant 0 : i32
    %dma_wait3A_88 = tpu.memref_slice %arg8[%dma_wait3A_83, %dma_wait3A_87] : memref<160x128xi32, #tpu.memory_space<vmem>> -> memref<1x128xi32, #tpu.memory_space<vmem>>
    %dma_wait3A_89 = tpu.memref_squeeze %dma_wait3A_88 : memref<1x128xi32, #tpu.memory_space<vmem>> -> memref<128xi32, #tpu.memory_space<vmem>>
    %dma_wait3A_90 = arith.constant 0 : i32
    %dma_wait3A_91 = arith.constant 0 : i32
    %dma_wait3A_92 = tpu.memref_slice %arg2[%dma_wait3A_90, %dma_wait3A_91] : memref<20000x64xf32, #tpu.memory_space<hbm>> -> memref<20000x64xf32, #tpu.memory_space<hbm>>
    tpu.wait_indirect_dma semaphore(%arg13 : memref<!tpu.dma_semaphore, #tpu.memory_space<semaphore_mem>>) src(%dma_wait3A_92 : memref<20000x64xf32, #tpu.memory_space<hbm>>) dst(%dma_wait3A_86 : memref<128x64xf32, #tpu.memory_space<vmem>>)
    %run_scoped3A_93 = arith.constant 158 : i32
    "tpu.region"() ({
      %run_scoped3A_114 = tpu.sem_alloc : memref<!tpu.dma_semaphore, #tpu.memory_space<semaphore_mem>>
      %dma_start3A_115 = arith.constant 256 : i32
      %dma_start3A_116 = arith.constant 0 : i32
      %dma_start3A_117 = tpu.memref_slice %arg10[%dma_start3A_115, %dma_start3A_116] : memref<768x64xf32, #tpu.memory_space<vmem>> -> memref<128x64xf32, #tpu.memory_space<vmem>>
      %dma_start3A_118 = arith.constant 0 : i32
      %dma_start3A_119 = tpu.memref_slice %arg9[%run_scoped3A_93, %dma_start3A_118] : memref<160x128xi32, #tpu.memory_space<vmem>> -> memref<1x128xi32, #tpu.memory_space<vmem>>
      %dma_start3A_120 = tpu.memref_squeeze %dma_start3A_119 : memref<1x128xi32, #tpu.memory_space<vmem>> -> memref<128xi32, #tpu.memory_space<vmem>>
      %dma_start3A_121 = arith.constant 0 : i32
      %dma_start3A_122 = arith.constant 0 : i32
      %dma_start3A_123 = tpu.memref_slice %arg7[%dma_start3A_121, %dma_start3A_122] : memref<10112x64xf32, #tpu.memory_space<vmem_shared>> -> memref<10112x64xf32, #tpu.memory_space<vmem_shared>>
      tpu.enqueue_indirect_dma source(%dma_start3A_117 : memref<128x64xf32, #tpu.memory_space<vmem>>) target(%dma_start3A_123 : memref<10112x64xf32, #tpu.memory_space<vmem_shared>>) offsets(%dma_start3A_120 : memref<128xi32, #tpu.memory_space<vmem>>) semaphore(%run_scoped3A_114 : memref<!tpu.dma_semaphore, #tpu.memory_space<semaphore_mem>>) {add = true}
      %dma_wait3A_124 = arith.constant 256 : i32
      %dma_wait3A_125 = arith.constant 0 : i32
      %dma_wait3A_126 = tpu.memref_slice %arg10[%dma_wait3A_124, %dma_wait3A_125] : memref<768x64xf32, #tpu.memory_space<vmem>> -> memref<128x64xf32, #tpu.memory_space<vmem>>
      %dma_wait3A_127 = arith.constant 0 : i32
      %dma_wait3A_128 = tpu.memref_slice %arg9[%run_scoped3A_93, %dma_wait3A_127] : memref<160x128xi32, #tpu.memory_space<vmem>> -> memref<1x128xi32, #tpu.memory_space<vmem>>
      %dma_wait3A_129 = tpu.memref_squeeze %dma_wait3A_128 : memref<1x128xi32, #tpu.memory_space<vmem>> -> memref<128xi32, #tpu.memory_space<vmem>>
      %dma_wait3A_130 = arith.constant 0 : i32
      %dma_wait3A_131 = arith.constant 0 : i32
      %dma_wait3A_132 = tpu.memref_slice %arg7[%dma_wait3A_130, %dma_wait3A_131] : memref<10112x64xf32, #tpu.memory_space<vmem_shared>> -> memref<10112x64xf32, #tpu.memory_space<vmem_shared>>
      tpu.wait_indirect_dma semaphore(%run_scoped3A_114 : memref<!tpu.dma_semaphore, #tpu.memory_space<semaphore_mem>>) src(%dma_wait3A_126 : memref<128x64xf32, #tpu.memory_space<vmem>>) dst(%dma_wait3A_132 : memref<10112x64xf32, #tpu.memory_space<vmem_shared>>)
      tpu.yield
    }) : () -> ()
    %dma_wait3A_94 = arith.constant 159 : i32
    %dma_wait3A_95 = arith.constant 384 : i32
    %dma_wait3A_96 = arith.constant 0 : i32
    %dma_wait3A_97 = tpu.memref_slice %arg10[%dma_wait3A_95, %dma_wait3A_96] : memref<768x64xf32, #tpu.memory_space<vmem>> -> memref<128x64xf32, #tpu.memory_space<vmem>>
    %dma_wait3A_98 = arith.constant 0 : i32
    %dma_wait3A_99 = tpu.memref_slice %arg8[%dma_wait3A_94, %dma_wait3A_98] : memref<160x128xi32, #tpu.memory_space<vmem>> -> memref<1x128xi32, #tpu.memory_space<vmem>>
    %dma_wait3A_100 = tpu.memref_squeeze %dma_wait3A_99 : memref<1x128xi32, #tpu.memory_space<vmem>> -> memref<128xi32, #tpu.memory_space<vmem>>
    %dma_wait3A_101 = arith.constant 0 : i32
    %dma_wait3A_102 = arith.constant 0 : i32
    %dma_wait3A_103 = tpu.memref_slice %arg2[%dma_wait3A_101, %dma_wait3A_102] : memref<20000x64xf32, #tpu.memory_space<hbm>> -> memref<20000x64xf32, #tpu.memory_space<hbm>>
    tpu.wait_indirect_dma semaphore(%arg14 : memref<!tpu.dma_semaphore, #tpu.memory_space<semaphore_mem>>) src(%dma_wait3A_103 : memref<20000x64xf32, #tpu.memory_space<hbm>>) dst(%dma_wait3A_97 : memref<128x64xf32, #tpu.memory_space<vmem>>)
    %run_scoped3A_104 = arith.constant 159 : i32
    "tpu.region"() ({
      %run_scoped3A_114 = tpu.sem_alloc : memref<!tpu.dma_semaphore, #tpu.memory_space<semaphore_mem>>
      %dma_start3A_115 = arith.constant 384 : i32
      %dma_start3A_116 = arith.constant 0 : i32
      %dma_start3A_117 = tpu.memref_slice %arg10[%dma_start3A_115, %dma_start3A_116] : memref<768x64xf32, #tpu.memory_space<vmem>> -> memref<128x64xf32, #tpu.memory_space<vmem>>
      %dma_start3A_118 = arith.constant 0 : i32
      %dma_start3A_119 = tpu.memref_slice %arg9[%run_scoped3A_104, %dma_start3A_118] : memref<160x128xi32, #tpu.memory_space<vmem>> -> memref<1x128xi32, #tpu.memory_space<vmem>>
      %dma_start3A_120 = tpu.memref_squeeze %dma_start3A_119 : memref<1x128xi32, #tpu.memory_space<vmem>> -> memref<128xi32, #tpu.memory_space<vmem>>
      %dma_start3A_121 = arith.constant 0 : i32
      %dma_start3A_122 = arith.constant 0 : i32
      %dma_start3A_123 = tpu.memref_slice %arg7[%dma_start3A_121, %dma_start3A_122] : memref<10112x64xf32, #tpu.memory_space<vmem_shared>> -> memref<10112x64xf32, #tpu.memory_space<vmem_shared>>
      tpu.enqueue_indirect_dma source(%dma_start3A_117 : memref<128x64xf32, #tpu.memory_space<vmem>>) target(%dma_start3A_123 : memref<10112x64xf32, #tpu.memory_space<vmem_shared>>) offsets(%dma_start3A_120 : memref<128xi32, #tpu.memory_space<vmem>>) semaphore(%run_scoped3A_114 : memref<!tpu.dma_semaphore, #tpu.memory_space<semaphore_mem>>) {add = true}
      %dma_wait3A_124 = arith.constant 384 : i32
      %dma_wait3A_125 = arith.constant 0 : i32
      %dma_wait3A_126 = tpu.memref_slice %arg10[%dma_wait3A_124, %dma_wait3A_125] : memref<768x64xf32, #tpu.memory_space<vmem>> -> memref<128x64xf32, #tpu.memory_space<vmem>>
      %dma_wait3A_127 = arith.constant 0 : i32
      %dma_wait3A_128 = tpu.memref_slice %arg9[%run_scoped3A_104, %dma_wait3A_127] : memref<160x128xi32, #tpu.memory_space<vmem>> -> memref<1x128xi32, #tpu.memory_space<vmem>>
      %dma_wait3A_129 = tpu.memref_squeeze %dma_wait3A_128 : memref<1x128xi32, #tpu.memory_space<vmem>> -> memref<128xi32, #tpu.memory_space<vmem>>
      %dma_wait3A_130 = arith.constant 0 : i32
      %dma_wait3A_131 = arith.constant 0 : i32
      %dma_wait3A_132 = tpu.memref_slice %arg7[%dma_wait3A_130, %dma_wait3A_131] : memref<10112x64xf32, #tpu.memory_space<vmem_shared>> -> memref<10112x64xf32, #tpu.memory_space<vmem_shared>>
      tpu.wait_indirect_dma semaphore(%run_scoped3A_114 : memref<!tpu.dma_semaphore, #tpu.memory_space<semaphore_mem>>) src(%dma_wait3A_126 : memref<128x64xf32, #tpu.memory_space<vmem>>) dst(%dma_wait3A_132 : memref<10112x64xf32, #tpu.memory_space<vmem_shared>>)
      tpu.yield
    }) : () -> ()
    %barrier3A_105 = arith.constant 0 : index
    tpu.barrier barrier_id(%barrier3A_105)
    %mul3A_106 = arith.constant 632 : i32
    %mul3A_107 = arith.muli %arg1, %mul3A_106 : i32
    %add3A_108 = arith.constant 0 : i32
    %add3A_109 = arith.addi %mul3A_107, %add3A_108 : i32
    "tpu.region"() ({
      %run_scoped3A_114 = tpu.sem_alloc : memref<!tpu.dma_semaphore, #tpu.memory_space<semaphore_mem>>
      %dma_start3A_115 = arith.constant 0 : i32
      %dma_start3A_116 = arith.constant 0 : i32
      %dma_start3A_117 = tpu.memref_slice %arg10[%dma_start3A_115, %dma_start3A_116] : memref<768x64xf32, #tpu.memory_space<vmem>> -> memref<632x64xf32, #tpu.memory_space<vmem>>
      %dma_start3A_118 = arith.constant 0 : i32
      %dma_start3A_119 = tpu.memref_slice %arg7[%add3A_109, %dma_start3A_118] : memref<10112x64xf32, #tpu.memory_space<vmem_shared>> -> memref<632x64xf32, #tpu.memory_space<vmem_shared>>
      %dma_start3A_120 = arith.constant 0 : i32
      %dma_start3A_121 = arith.constant 0 : i32
      %dma_start3A_122 = tpu.memref_slice %arg10[%dma_start3A_120, %dma_start3A_121] : memref<768x64xf32, #tpu.memory_space<vmem>> -> memref<632x64xf32, #tpu.memory_space<vmem>>
      %dma_start3A_123 = arith.constant 0 : i32
      %dma_start3A_124 = tpu.memref_slice %arg7[%add3A_109, %dma_start3A_123] : memref<10112x64xf32, #tpu.memory_space<vmem_shared>> -> memref<632x64xf32, #tpu.memory_space<vmem_shared>>
      tpu.enqueue_dma source(%dma_start3A_124 : memref<632x64xf32, #tpu.memory_space<vmem_shared>>) target(%dma_start3A_122 : memref<632x64xf32, #tpu.memory_space<vmem>>) target_semaphore(%run_scoped3A_114 : memref<!tpu.dma_semaphore, #tpu.memory_space<semaphore_mem>>)
      %dma_wait3A_125 = arith.constant 0 : i32
      %dma_wait3A_126 = arith.constant 0 : i32
      %dma_wait3A_127 = tpu.memref_slice %arg10[%dma_wait3A_125, %dma_wait3A_126] : memref<768x64xf32, #tpu.memory_space<vmem>> -> memref<632x64xf32, #tpu.memory_space<vmem>>
      %dma_wait3A_128 = arith.constant 0 : i32
      %dma_wait3A_129 = tpu.memref_slice %arg7[%add3A_109, %dma_wait3A_128] : memref<10112x64xf32, #tpu.memory_space<vmem_shared>> -> memref<632x64xf32, #tpu.memory_space<vmem_shared>>
      %dma_wait3A_130 = arith.constant 0 : i32
      %dma_wait3A_131 = arith.constant 0 : i32
      %dma_wait3A_132 = tpu.memref_slice %arg10[%dma_wait3A_130, %dma_wait3A_131] : memref<768x64xf32, #tpu.memory_space<vmem>> -> memref<632x64xf32, #tpu.memory_space<vmem>>
      %dma_wait3A_133 = arith.constant 0 : i32
      %dma_wait3A_134 = tpu.memref_slice %arg7[%add3A_109, %dma_wait3A_133] : memref<10112x64xf32, #tpu.memory_space<vmem_shared>> -> memref<632x64xf32, #tpu.memory_space<vmem_shared>>
      tpu.wait_dma2 semaphore(%run_scoped3A_114 : memref<!tpu.dma_semaphore, #tpu.memory_space<semaphore_mem>>) src(%dma_wait3A_134 : memref<632x64xf32, #tpu.memory_space<vmem_shared>>) dst(%dma_wait3A_132 : memref<632x64xf32, #tpu.memory_space<vmem>>)
      tpu.yield
    }) : () -> ()
    %mul3A_110 = arith.constant 632 : i32
    %mul3A_111 = arith.muli %arg1, %mul3A_110 : i32
    %add3A_112 = arith.constant 0 : i32
    %add3A_113 = arith.addi %mul3A_111, %add3A_112 : i32
    "tpu.region"() ({
      %run_scoped3A_114 = tpu.sem_alloc : memref<!tpu.dma_semaphore, #tpu.memory_space<semaphore_mem>>
      %dma_start3A_115 = arith.constant 0 : i32
      %dma_start3A_116 = arith.constant 0 : i32
      %dma_start3A_117 = tpu.memref_slice %arg10[%dma_start3A_115, %dma_start3A_116] : memref<768x64xf32, #tpu.memory_space<vmem>> -> memref<632x64xf32, #tpu.memory_space<vmem>>
      %dma_start3A_118 = arith.constant 0 : i32
      %dma_start3A_119 = tpu.memref_slice %arg6[%arg0, %add3A_113, %dma_start3A_118] : memref<2x10112x64xf32, #tpu.memory_space<hbm>> -> memref<1x632x64xf32, #tpu.memory_space<hbm>>
      %dma_start3A_120 = tpu.memref_squeeze %dma_start3A_119 : memref<1x632x64xf32, #tpu.memory_space<hbm>> -> memref<632x64xf32, #tpu.memory_space<hbm>>
      %dma_start3A_121 = arith.constant 0 : i32
      %dma_start3A_122 = tpu.memref_slice %arg6[%arg0, %add3A_113, %dma_start3A_121] : memref<2x10112x64xf32, #tpu.memory_space<hbm>> -> memref<1x632x64xf32, #tpu.memory_space<hbm>>
      %dma_start3A_123 = tpu.memref_squeeze %dma_start3A_122 : memref<1x632x64xf32, #tpu.memory_space<hbm>> -> memref<632x64xf32, #tpu.memory_space<hbm>>
      %dma_start3A_124 = arith.constant 0 : i32
      %dma_start3A_125 = arith.constant 0 : i32
      %dma_start3A_126 = tpu.memref_slice %arg10[%dma_start3A_124, %dma_start3A_125] : memref<768x64xf32, #tpu.memory_space<vmem>> -> memref<632x64xf32, #tpu.memory_space<vmem>>
      tpu.enqueue_dma source(%dma_start3A_126 : memref<632x64xf32, #tpu.memory_space<vmem>>) target(%dma_start3A_123 : memref<632x64xf32, #tpu.memory_space<hbm>>) target_semaphore(%run_scoped3A_114 : memref<!tpu.dma_semaphore, #tpu.memory_space<semaphore_mem>>)
      %dma_wait3A_127 = arith.constant 0 : i32
      %dma_wait3A_128 = arith.constant 0 : i32
      %dma_wait3A_129 = tpu.memref_slice %arg10[%dma_wait3A_127, %dma_wait3A_128] : memref<768x64xf32, #tpu.memory_space<vmem>> -> memref<632x64xf32, #tpu.memory_space<vmem>>
      %dma_wait3A_130 = arith.constant 0 : i32
      %dma_wait3A_131 = tpu.memref_slice %arg6[%arg0, %add3A_113, %dma_wait3A_130] : memref<2x10112x64xf32, #tpu.memory_space<hbm>> -> memref<1x632x64xf32, #tpu.memory_space<hbm>>
      %dma_wait3A_132 = tpu.memref_squeeze %dma_wait3A_131 : memref<1x632x64xf32, #tpu.memory_space<hbm>> -> memref<632x64xf32, #tpu.memory_space<hbm>>
      %dma_wait3A_133 = arith.constant 0 : i32
      %dma_wait3A_134 = tpu.memref_slice %arg6[%arg0, %add3A_113, %dma_wait3A_133] : memref<2x10112x64xf32, #tpu.memory_space<hbm>> -> memref<1x632x64xf32, #tpu.memory_space<hbm>>
      %dma_wait3A_135 = tpu.memref_squeeze %dma_wait3A_134 : memref<1x632x64xf32, #tpu.memory_space<hbm>> -> memref<632x64xf32, #tpu.memory_space<hbm>>
      %dma_wait3A_136 = arith.constant 0 : i32
      %dma_wait3A_137 = arith.constant 0 : i32
      %dma_wait3A_138 = tpu.memref_slice %arg10[%dma_wait3A_136, %dma_wait3A_137] : memref<768x64xf32, #tpu.memory_space<vmem>> -> memref<632x64xf32, #tpu.memory_space<vmem>>
      tpu.wait_dma2 semaphore(%run_scoped3A_114 : memref<!tpu.dma_semaphore, #tpu.memory_space<semaphore_mem>>) src(%dma_wait3A_138 : memref<632x64xf32, #tpu.memory_space<vmem>>) dst(%dma_wait3A_135 : memref<632x64xf32, #tpu.memory_space<hbm>>)
      tpu.yield
    }) : () -> ()
    return
  }
}

module attributes {stable_mosaic.version = 14 : i64} {
  func.func @body(%arg0: memref<1x1xf32, #tpu.memory_space<smem>>, %arg1: memref<10000x128xf32, #tpu.memory_space<vmem>>, %arg2: memref<2x10112x64xf32, #tpu.memory_space<vmem>>, %arg3: memref<128x128xf32, #tpu.memory_space<vmem>>, %arg4: memref<1x128xf32, #tpu.memory_space<vmem>>, %arg5: memref<128x128xf32, #tpu.memory_space<vmem>>, %arg6: memref<1x128xf32, #tpu.memory_space<vmem>>, %arg7: memref<1x128xf32, #tpu.memory_space<vmem>>, %arg8: memref<1x128xf32, #tpu.memory_space<vmem>>, %arg9: memref<2x10000x64xf32, #tpu.memory_space<vmem>>) attributes {dimension_semantics = [], scalar_prefetch = 0 : i64, scratch_operands = 0 : i64, tpu.core_type = #tpu.core_type<tc>} {
    %get3A = arith.constant 0 : index
    %get3A_0 = arith.constant 0 : index
    %get3A_1 = memref.load %arg0[%get3A, %get3A_0] : memref<1x1xf32, #tpu.memory_space<smem>>
    %add3A = arith.constant 1.000000e+00 : f32
    %add3A_2 = arith.addf %add3A, %get3A_1 : f32
    %get3A_3 = arith.constant 0 : index
    %get3A_4 = arith.constant 0 : index
    %get3A_5 = vector.load %arg1[%get3A_3, %get3A_4] : memref<10000x128xf32, #tpu.memory_space<vmem>>, vector<10000x128xf32>
    %get3A_6 = arith.constant 0 : index
    %get3A_7 = arith.constant 0 : index
    %get3A_8 = arith.constant 0 : index
    %get3A_9 = vector.load %arg2[%get3A_6, %get3A_7, %get3A_8] : memref<2x10112x64xf32, #tpu.memory_space<vmem>>, vector<1x10000x64xf32>
    %get3A_10 = vector.shape_cast %get3A_9 : vector<1x10000x64xf32> to vector<10000x64xf32>
    %get3A_11 = arith.constant 1 : index
    %get3A_12 = arith.constant 0 : index
    %get3A_13 = arith.constant 0 : index
    %get3A_14 = vector.load %arg2[%get3A_11, %get3A_12, %get3A_13] : memref<2x10112x64xf32, #tpu.memory_space<vmem>>, vector<1x10000x64xf32>
    %get3A_15 = vector.shape_cast %get3A_14 : vector<1x10000x64xf32> to vector<10000x64xf32>
    %concatenate3A = tpu.concatenate %get3A_10, %get3A_15 in 1 : vector<10000x64xf32>, vector<10000x64xf32> -> vector<10000x128xf32>
    %mul3A = vector.broadcast %add3A_2 : f32 to vector<10000x128xf32>
    %mul3A_16 = arith.mulf %mul3A, %get3A_5 : vector<10000x128xf32>
    %add3A_17 = arith.addf %mul3A_16, %concatenate3A : vector<10000x128xf32>
    %get3A_18 = arith.constant 0 : index
    %get3A_19 = arith.constant 0 : index
    %get3A_20 = vector.load %arg3[%get3A_18, %get3A_19] : memref<128x128xf32, #tpu.memory_space<vmem>>, vector<128x128xf32>
    %dot_general3A = arith.constant dense<0.000000e+00> : vector<10000x128xf32>
    %dot_general3A_21 = tpu.matmul %add3A_17, %get3A_20, %dot_general3A {dimension_numbers = #tpu.dot_dimension_numbers<[1], [0], [0], [1], [0, 0, 1, 1], [], []>, transpose_lhs_hint = false} : vector<10000x128xf32>, vector<128x128xf32>, vector<10000x128xf32> -> vector<10000x128xf32>
    %get3A_22 = arith.constant 0 : index
    %get3A_23 = arith.constant 0 : index
    %get3A_24 = vector.load %arg4[%get3A_22, %get3A_23] : memref<1x128xf32, #tpu.memory_space<vmem>>, vector<1x128xf32>
    %add3A_25 = vector.broadcast %get3A_24 : vector<1x128xf32> to vector<10000x128xf32>
    %add3A_26 = arith.addf %dot_general3A_21, %add3A_25 : vector<10000x128xf32>
    %max3A = arith.constant 0.000000e+00 : f32
    %max3A_27 = vector.broadcast %max3A : f32 to vector<10000x128xf32>
    %max3A_28 = arith.maximumf %add3A_26, %max3A_27 : vector<10000x128xf32>
    %get3A_29 = arith.constant 0 : index
    %get3A_30 = arith.constant 0 : index
    %get3A_31 = vector.load %arg5[%get3A_29, %get3A_30] : memref<128x128xf32, #tpu.memory_space<vmem>>, vector<128x128xf32>
    %dot_general3A_32 = arith.constant dense<0.000000e+00> : vector<10000x128xf32>
    %dot_general3A_33 = tpu.matmul %max3A_28, %get3A_31, %dot_general3A_32 {dimension_numbers = #tpu.dot_dimension_numbers<[1], [0], [0], [1], [0, 0, 1, 1], [], []>, transpose_lhs_hint = false} : vector<10000x128xf32>, vector<128x128xf32>, vector<10000x128xf32> -> vector<10000x128xf32>
    %get3A_34 = arith.constant 0 : index
    %get3A_35 = arith.constant 0 : index
    %get3A_36 = vector.load %arg6[%get3A_34, %get3A_35] : memref<1x128xf32, #tpu.memory_space<vmem>>, vector<1x128xf32>
    %add3A_37 = vector.broadcast %get3A_36 : vector<1x128xf32> to vector<10000x128xf32>
    %add3A_38 = arith.addf %dot_general3A_33, %add3A_37 : vector<10000x128xf32>
    %reduce_sum3A = arith.constant dense<0.000000e+00> : vector<128xf32>
    %reduce_sum3A_39 = vector.multi_reduction <add>, %add3A_38, %reduce_sum3A [0] : vector<10000x128xf32> to vector<128xf32>
    %broadcast_in_dim3A = vector.shape_cast %reduce_sum3A_39 : vector<128xf32> to vector<1x128xf32>
    %div3A = arith.constant 1.000000e+04 : f32
    %div3A_40 = vector.broadcast %div3A : f32 to vector<1x128xf32>
    %div3A_41 = arith.divf %broadcast_in_dim3A, %div3A_40 : vector<1x128xf32>
    %sub3A = vector.broadcast %div3A_41 : vector<1x128xf32> to vector<10000x128xf32>
    %sub3A_42 = arith.subf %add3A_38, %sub3A : vector<10000x128xf32>
    %integer_pow3A = arith.mulf %sub3A_42, %sub3A_42 : vector<10000x128xf32>
    %reduce_sum3A_43 = arith.constant dense<0.000000e+00> : vector<128xf32>
    %reduce_sum3A_44 = vector.multi_reduction <add>, %integer_pow3A, %reduce_sum3A_43 [0] : vector<10000x128xf32> to vector<128xf32>
    %broadcast_in_dim3A_45 = vector.shape_cast %reduce_sum3A_44 : vector<128xf32> to vector<1x128xf32>
    %div3A_46 = arith.constant 1.000000e+04 : f32
    %div3A_47 = vector.broadcast %div3A_46 : f32 to vector<1x128xf32>
    %div3A_48 = arith.divf %broadcast_in_dim3A_45, %div3A_47 : vector<1x128xf32>
    %sub3A_49 = vector.broadcast %div3A_41 : vector<1x128xf32> to vector<10000x128xf32>
    %sub3A_50 = arith.subf %add3A_38, %sub3A_49 : vector<10000x128xf32>
    %add3A_51 = arith.constant 9.99999974E-6 : f32
    %add3A_52 = vector.broadcast %add3A_51 : f32 to vector<1x128xf32>
    %add3A_53 = arith.addf %div3A_48, %add3A_52 : vector<1x128xf32>
    %rsqrt3A = math.rsqrt %add3A_53 : vector<1x128xf32>
    %mul3A_54 = vector.broadcast %rsqrt3A : vector<1x128xf32> to vector<10000x128xf32>
    %mul3A_55 = arith.mulf %sub3A_50, %mul3A_54 : vector<10000x128xf32>
    %get3A_56 = arith.constant 0 : index
    %get3A_57 = arith.constant 0 : index
    %get3A_58 = vector.load %arg7[%get3A_56, %get3A_57] : memref<1x128xf32, #tpu.memory_space<vmem>>, vector<1x128xf32>
    %mul3A_59 = vector.broadcast %get3A_58 : vector<1x128xf32> to vector<10000x128xf32>
    %mul3A_60 = arith.mulf %mul3A_55, %mul3A_59 : vector<10000x128xf32>
    %get3A_61 = arith.constant 0 : index
    %get3A_62 = arith.constant 0 : index
    %get3A_63 = vector.load %arg8[%get3A_61, %get3A_62] : memref<1x128xf32, #tpu.memory_space<vmem>>, vector<1x128xf32>
    %add3A_64 = vector.broadcast %get3A_63 : vector<1x128xf32> to vector<10000x128xf32>
    %add3A_65 = arith.addf %mul3A_60, %add3A_64 : vector<10000x128xf32>
    %max3A_66 = arith.constant 0.000000e+00 : f32
    %max3A_67 = vector.broadcast %max3A_66 : f32 to vector<10000x128xf32>
    %max3A_68 = arith.maximumf %add3A_65, %max3A_67 : vector<10000x128xf32>
    %slice3A = vector.extract_strided_slice %max3A_68 {offsets = [0, 0], sizes = [10000, 64], strides = [1, 1]} : vector<10000x128xf32> to vector<10000x64xf32>
    %swap3A = arith.constant 0 : index
    %swap3A_69 = arith.constant 0 : index
    %swap3A_70 = arith.constant 0 : index
    %swap3A_71 = vector.load %arg9[%swap3A, %swap3A_69, %swap3A_70] : memref<2x10000x64xf32, #tpu.memory_space<vmem>>, vector<1x10000x64xf32>
    %swap3A_72 = vector.shape_cast %swap3A_71 : vector<1x10000x64xf32> to vector<10000x64xf32>
    %swap3A_73 = vector.shape_cast %slice3A : vector<10000x64xf32> to vector<1x10000x64xf32>
    tpu.vector_store %arg9[%swap3A, %swap3A_69, %swap3A_70], %swap3A_73 {strides = array<i32>} : memref<2x10000x64xf32, #tpu.memory_space<vmem>>, vector<1x10000x64xf32>,
    %slice3A_74 = vector.extract_strided_slice %max3A_68 {offsets = [0, 64], sizes = [10000, 64], strides = [1, 1]} : vector<10000x128xf32> to vector<10000x64xf32>
    %swap3A_75 = arith.constant 1 : index
    %swap3A_76 = arith.constant 0 : index
    %swap3A_77 = arith.constant 0 : index
    %swap3A_78 = vector.load %arg9[%swap3A_75, %swap3A_76, %swap3A_77] : memref<2x10000x64xf32, #tpu.memory_space<vmem>>, vector<1x10000x64xf32>
    %swap3A_79 = vector.shape_cast %swap3A_78 : vector<1x10000x64xf32> to vector<10000x64xf32>
    %swap3A_80 = vector.shape_cast %slice3A_74 : vector<10000x64xf32> to vector<1x10000x64xf32>
    tpu.vector_store %arg9[%swap3A_75, %swap3A_76, %swap3A_77], %swap3A_80 {strides = array<i32>} : memref<2x10000x64xf32, #tpu.memory_space<vmem>>, vector<1x10000x64xf32>,
    return
  }
}

module attributes {stable_mosaic.version = 14 : i64} {
  func.func @body(%arg0: memref<1x1xf32, #tpu.memory_space<smem>>, %arg1: memref<2x10000x64xf32, #tpu.memory_space<vmem>>, %arg2: memref<2x10112x64xf32, #tpu.memory_space<vmem>>, %arg3: memref<128x128xf32, #tpu.memory_space<vmem>>, %arg4: memref<1x128xf32, #tpu.memory_space<vmem>>, %arg5: memref<128x128xf32, #tpu.memory_space<vmem>>, %arg6: memref<1x128xf32, #tpu.memory_space<vmem>>, %arg7: memref<1x128xf32, #tpu.memory_space<vmem>>, %arg8: memref<1x128xf32, #tpu.memory_space<vmem>>, %arg9: memref<10000x128xf32, #tpu.memory_space<vmem>>) attributes {dimension_semantics = [], scalar_prefetch = 0 : i64, scratch_operands = 0 : i64, tpu.core_type = #tpu.core_type<tc>} {
    %get3A = arith.constant 0 : index
    %get3A_0 = arith.constant 0 : index
    %get3A_1 = memref.load %arg0[%get3A, %get3A_0] : memref<1x1xf32, #tpu.memory_space<smem>>
    %add3A = arith.constant 1.000000e+00 : f32
    %add3A_2 = arith.addf %add3A, %get3A_1 : f32
    %get3A_3 = arith.constant 0 : index
    %get3A_4 = arith.constant 0 : index
    %get3A_5 = arith.constant 0 : index
    %get3A_6 = vector.load %arg1[%get3A_3, %get3A_4, %get3A_5] : memref<2x10000x64xf32, #tpu.memory_space<vmem>>, vector<1x10000x64xf32>
    %get3A_7 = vector.shape_cast %get3A_6 : vector<1x10000x64xf32> to vector<10000x64xf32>
    %get3A_8 = arith.constant 1 : index
    %get3A_9 = arith.constant 0 : index
    %get3A_10 = arith.constant 0 : index
    %get3A_11 = vector.load %arg1[%get3A_8, %get3A_9, %get3A_10] : memref<2x10000x64xf32, #tpu.memory_space<vmem>>, vector<1x10000x64xf32>
    %get3A_12 = vector.shape_cast %get3A_11 : vector<1x10000x64xf32> to vector<10000x64xf32>
    %concatenate3A = tpu.concatenate %get3A_7, %get3A_12 in 1 : vector<10000x64xf32>, vector<10000x64xf32> -> vector<10000x128xf32>
    %get3A_13 = arith.constant 0 : index
    %get3A_14 = arith.constant 0 : index
    %get3A_15 = arith.constant 0 : index
    %get3A_16 = vector.load %arg2[%get3A_13, %get3A_14, %get3A_15] : memref<2x10112x64xf32, #tpu.memory_space<vmem>>, vector<1x10000x64xf32>
    %get3A_17 = vector.shape_cast %get3A_16 : vector<1x10000x64xf32> to vector<10000x64xf32>
    %get3A_18 = arith.constant 1 : index
    %get3A_19 = arith.constant 0 : index
    %get3A_20 = arith.constant 0 : index
    %get3A_21 = vector.load %arg2[%get3A_18, %get3A_19, %get3A_20] : memref<2x10112x64xf32, #tpu.memory_space<vmem>>, vector<1x10000x64xf32>
    %get3A_22 = vector.shape_cast %get3A_21 : vector<1x10000x64xf32> to vector<10000x64xf32>
    %concatenate3A_23 = tpu.concatenate %get3A_17, %get3A_22 in 1 : vector<10000x64xf32>, vector<10000x64xf32> -> vector<10000x128xf32>
    %mul3A = vector.broadcast %add3A_2 : f32 to vector<10000x128xf32>
    %mul3A_24 = arith.mulf %mul3A, %concatenate3A : vector<10000x128xf32>
    %add3A_25 = arith.addf %mul3A_24, %concatenate3A_23 : vector<10000x128xf32>
    %get3A_26 = arith.constant 0 : index
    %get3A_27 = arith.constant 0 : index
    %get3A_28 = vector.load %arg3[%get3A_26, %get3A_27] : memref<128x128xf32, #tpu.memory_space<vmem>>, vector<128x128xf32>
    %dot_general3A = arith.constant dense<0.000000e+00> : vector<10000x128xf32>
    %dot_general3A_29 = tpu.matmul %add3A_25, %get3A_28, %dot_general3A {dimension_numbers = #tpu.dot_dimension_numbers<[1], [0], [0], [1], [0, 0, 1, 1], [], []>, transpose_lhs_hint = false} : vector<10000x128xf32>, vector<128x128xf32>, vector<10000x128xf32> -> vector<10000x128xf32>
    %get3A_30 = arith.constant 0 : index
    %get3A_31 = arith.constant 0 : index
    %get3A_32 = vector.load %arg4[%get3A_30, %get3A_31] : memref<1x128xf32, #tpu.memory_space<vmem>>, vector<1x128xf32>
    %add3A_33 = vector.broadcast %get3A_32 : vector<1x128xf32> to vector<10000x128xf32>
    %add3A_34 = arith.addf %dot_general3A_29, %add3A_33 : vector<10000x128xf32>
    %max3A = arith.constant 0.000000e+00 : f32
    %max3A_35 = vector.broadcast %max3A : f32 to vector<10000x128xf32>
    %max3A_36 = arith.maximumf %add3A_34, %max3A_35 : vector<10000x128xf32>
    %get3A_37 = arith.constant 0 : index
    %get3A_38 = arith.constant 0 : index
    %get3A_39 = vector.load %arg5[%get3A_37, %get3A_38] : memref<128x128xf32, #tpu.memory_space<vmem>>, vector<128x128xf32>
    %dot_general3A_40 = arith.constant dense<0.000000e+00> : vector<10000x128xf32>
    %dot_general3A_41 = tpu.matmul %max3A_36, %get3A_39, %dot_general3A_40 {dimension_numbers = #tpu.dot_dimension_numbers<[1], [0], [0], [1], [0, 0, 1, 1], [], []>, transpose_lhs_hint = false} : vector<10000x128xf32>, vector<128x128xf32>, vector<10000x128xf32> -> vector<10000x128xf32>
    %get3A_42 = arith.constant 0 : index
    %get3A_43 = arith.constant 0 : index
    %get3A_44 = vector.load %arg6[%get3A_42, %get3A_43] : memref<1x128xf32, #tpu.memory_space<vmem>>, vector<1x128xf32>
    %add3A_45 = vector.broadcast %get3A_44 : vector<1x128xf32> to vector<10000x128xf32>
    %add3A_46 = arith.addf %dot_general3A_41, %add3A_45 : vector<10000x128xf32>
    %reduce_sum3A = arith.constant dense<0.000000e+00> : vector<128xf32>
    %reduce_sum3A_47 = vector.multi_reduction <add>, %add3A_46, %reduce_sum3A [0] : vector<10000x128xf32> to vector<128xf32>
    %broadcast_in_dim3A = vector.shape_cast %reduce_sum3A_47 : vector<128xf32> to vector<1x128xf32>
    %div3A = arith.constant 1.000000e+04 : f32
    %div3A_48 = vector.broadcast %div3A : f32 to vector<1x128xf32>
    %div3A_49 = arith.divf %broadcast_in_dim3A, %div3A_48 : vector<1x128xf32>
    %sub3A = vector.broadcast %div3A_49 : vector<1x128xf32> to vector<10000x128xf32>
    %sub3A_50 = arith.subf %add3A_46, %sub3A : vector<10000x128xf32>
    %integer_pow3A = arith.mulf %sub3A_50, %sub3A_50 : vector<10000x128xf32>
    %reduce_sum3A_51 = arith.constant dense<0.000000e+00> : vector<128xf32>
    %reduce_sum3A_52 = vector.multi_reduction <add>, %integer_pow3A, %reduce_sum3A_51 [0] : vector<10000x128xf32> to vector<128xf32>
    %broadcast_in_dim3A_53 = vector.shape_cast %reduce_sum3A_52 : vector<128xf32> to vector<1x128xf32>
    %div3A_54 = arith.constant 1.000000e+04 : f32
    %div3A_55 = vector.broadcast %div3A_54 : f32 to vector<1x128xf32>
    %div3A_56 = arith.divf %broadcast_in_dim3A_53, %div3A_55 : vector<1x128xf32>
    %sub3A_57 = vector.broadcast %div3A_49 : vector<1x128xf32> to vector<10000x128xf32>
    %sub3A_58 = arith.subf %add3A_46, %sub3A_57 : vector<10000x128xf32>
    %add3A_59 = arith.constant 9.99999974E-6 : f32
    %add3A_60 = vector.broadcast %add3A_59 : f32 to vector<1x128xf32>
    %add3A_61 = arith.addf %div3A_56, %add3A_60 : vector<1x128xf32>
    %rsqrt3A = math.rsqrt %add3A_61 : vector<1x128xf32>
    %mul3A_62 = vector.broadcast %rsqrt3A : vector<1x128xf32> to vector<10000x128xf32>
    %mul3A_63 = arith.mulf %sub3A_58, %mul3A_62 : vector<10000x128xf32>
    %get3A_64 = arith.constant 0 : index
    %get3A_65 = arith.constant 0 : index
    %get3A_66 = vector.load %arg7[%get3A_64, %get3A_65] : memref<1x128xf32, #tpu.memory_space<vmem>>, vector<1x128xf32>
    %mul3A_67 = vector.broadcast %get3A_66 : vector<1x128xf32> to vector<10000x128xf32>
    %mul3A_68 = arith.mulf %mul3A_63, %mul3A_67 : vector<10000x128xf32>
    %get3A_69 = arith.constant 0 : index
    %get3A_70 = arith.constant 0 : index
    %get3A_71 = vector.load %arg8[%get3A_69, %get3A_70] : memref<1x128xf32, #tpu.memory_space<vmem>>, vector<1x128xf32>
    %add3A_72 = vector.broadcast %get3A_71 : vector<1x128xf32> to vector<10000x128xf32>
    %add3A_73 = arith.addf %mul3A_68, %add3A_72 : vector<10000x128xf32>
    %max3A_74 = arith.constant 0.000000e+00 : f32
    %max3A_75 = vector.broadcast %max3A_74 : f32 to vector<10000x128xf32>
    %max3A_76 = arith.maximumf %add3A_73, %max3A_75 : vector<10000x128xf32>
    %swap3A = arith.constant 0 : index
    %swap3A_77 = arith.constant 0 : index
    %swap3A_78 = vector.load %arg9[%swap3A, %swap3A_77] : memref<10000x128xf32, #tpu.memory_space<vmem>>, vector<10000x128xf32>
    tpu.vector_store %arg9[%swap3A, %swap3A_77], %max3A_76 {strides = array<i32>} : memref<10000x128xf32, #tpu.memory_space<vmem>>, vector<10000x128xf32>,
    return
  }
}

</mosaic_0001>

<sc_bundles>
// kernel: kernel.6.cloned.1.call-start
scs
__scs_entry_jumppad:
0x0: {  	(pc) =	sbr.rel $0x88, $3  }
0x1: {  	(tag) =	ssettag $0x0;
	lr =	simm.s32 $0x1  }
0x2: {  	[smem:$0x3F91] =	sst lr;
	_ =	strace $0xD0000000  }
0x3: {  	_ = 	snop  }
0x4: {  	_ = 	snop  }
0x5: {  	_ = 	snop  }
0x6: {  	_ = 	snop  }
0x7: {  	_ = 	snop  }
__scs_overlays_trampoline_lowered:
0x8: {  	[smem:$0x3FA0] =	sst s0  }
0x9: {  	[smem:$0x3FA1] =	sst s1  }
0xa: {  	[smem:$0x3FA2] =	sst s2  }
0xb: {  	[smem:$0x3FA3] =	sst s3  }
0xc: {  	[smem:$0x3FA4] =	sst s4  }
0xd: {  	[smem:$0x3FA5] =	sst s5  }
0xe: {  	[smem:$0x3FA6] =	sst s6  }
0xf: {  	[smem:$0x3FA7] =	sst s7  }
0x10: {  	[smem:$0x3FA8] =	sst s8  }
0x11: {  	[smem:$0x3FA9] =	sst s9;
	s0 =	simm.s32 @!p0 $0x0  }
0x12: {  	s1 =	sld [smem:$0x3F8F];
	s0 =	simm.s32 @p0 $0x1  }
0x13: {  	[smem:$0x3FAA] =	sst s0;
	s0 =	simm.s32 @!p1 $0x0  }
0x14: {  	s2 =	sld [smem:$0x3F8E];
	s0 =	simm.s32 @p1 $0x1  }
0x15: {  	[smem:$0x3FAB] =	sst s0;
	s0 =	simm.s32 @!p2 $0x0  }
0x16: {  	s3 =	sld [smem:$0x3FDB];
	s0 =	simm.s32 @p2 $0x1  }
0x17: {  	s4 =	simm.s32 $0x1BF5;
	[smem:$0x3FAD] =	sst s0  }
0x18: {  	s0 =	sld [smem:$0x3F90];
	_ =	swait.ge [sflag:s4], $0x0  }
0x19: {  	s7 =	sld [smem:$0x3F91]  }
0x1a: {  	s8 =	sadd.s32 $0xFFFFE003, lr  }
0x1b: {  	s9 =	sadd.s32 $0xFFFFFEF7, lr;
	s5 =	simm.s32 $0xFFFFFFFF;
	p2 =	slt.u32 s8, $0xFFFFF086  }
0x1c: {  	p1 =	slt.u32 s9, $0xF7A;
	s5 =	simm.s32 @!p2 $0x0  }
0x1d: {  	s5 =	simm.s32 @p1 $0x1;
	p0 =	seq.s32 s7, s2  }
0x1e: {  	s7 =	smul.u32 @!p0 $0xF7A, s2;
	p2 =	seq.s32 @!p0 s5, $0x0  }
0x1f: {  	s9 =	smul.u32 $0xF7A, s1;
	s8 =	simm.s32 @!p0 $0x1BF5;
	p2 =	por !p2, p0  }
0x20: {  	[sflag:s8] =	ssyncset.s32 @!p0 $0xFFFFF086;
	s6 =	sadd.s32 @!p0 s3, s7;
	s7 =	simm.s32 @!p0 $0x108  }
0x21: {  	s3 =	sadd.s32 s3, s9;
	s6 =	sadd.s32 @!p0 $0x88, s6;
	s7 =	simm.s32 @p2 $0x1082  }
0x22: {  	[simem:s7], [sflag:s8] =	dma.local @!p0 [hbm:s6], $0xF7A  }
0x23: {  	s9 =	sor.u32 $0xD0000000, s2;
	s6 =	simm.s32 $0x108;
	_ =	swait.ge @!p0 [sflag:s8], $0x0  }
0x24: {  	s3 =	sadd.s32 $0x88, s3;
	s6 =	simm.s32 @!p1 $0x1082;
	[sflag:s4] =	ssyncset.s32 $0xFFFFF086  }
0x25: {  	[simem:s6], [sflag:s4] =	dma.local [hbm:s3], $0xF7A  }
0x26: {  	[smem:$0x3F91] =	sst s1;
	(tag) =	ssettag s2;
	_ =	strace s9  }
0x27: {  	s1 =	sld [smem:$0x3FA1]  }
0x28: {  	s2 =	sld [smem:$0x3FA2]  }
0x29: {  	s4 =	sld [smem:$0x3FA4]  }
0x2a: {  	p0 =	seq.s32 s5, $0x0;
	s5 =	sld [smem:$0x3FA5]  }
0x2b: {  	s6 =	sld [smem:$0x3FA6]  }
0x2c: {  	s7 =	sld [smem:$0x3FA7]  }
0x2d: {  	s3 =	simm.s32 $0x108;
	s8 =	sld [smem:$0x3FA8]  }
0x2e: {  	s3 =	simm.s32 @!p0 $0x1082;
	s9 =	sld [smem:$0x3FA9]  }
0x2f: {  	lr =	sadd.s32 s0, s3;
	s0 =	sld [smem:$0x3FA0]  }
0x30: {  	s3 =	sld [smem:$0x3FA3]  }
0x31: {  	[smem:$0x3FAC] =	sst s10  }
0x32: {  	s10 =	sld [smem:$0x3FAA];
	_ =	sdelay $0x3  }
0x33: {  	p0 =	seq.s32 s10, $0x1;
	s10 =	sld [smem:$0x3FAC];
	_ =	sdelay $0x3  }
0x34: {  	[smem:$0x3FAC] =	sst s10  }
0x35: {  	s10 =	sld [smem:$0x3FAB];
	_ =	sdelay $0x3  }
0x36: {  	p1 =	seq.s32 s10, $0x1;
	s10 =	sld [smem:$0x3FAC];
	_ =	sdelay $0x3  }
0x37: {  	[smem:$0x3FAC] =	sst s10  }
0x38: {  	s10 =	sld [smem:$0x3FAD]  }
0x39: {  	_ = 	snop;
	(pc) =	sbr.ind lr, $3  }
0x3a: {  	_ = 	snop  }
0x3b: {  	_ = 	snop  }
0x3c: {  	p2 =	seq.s32 s10, $0x1;
	s10 =	sld [smem:$0x3FAC]  }
0x3d: {  	_ =	shalt  }
0x3e: {  	_ =	shalt  }
0x3f: {  	_ =	shalt  }
0x40: {  	_ =	shalt  }
0x41: {  	_ =	shalt  }
0x42: {  	_ =	shalt  }
0x43: {  	_ =	shalt  }
0x44: {  	_ =	shalt  }
0x45: {  	_ =	shalt  }
0x46: {  	_ =	shalt  }
0x47: {  	_ =	shalt  }
0x48: {  	_ =	shalt  }
0x49: {  	_ =	shalt  }
0x4a: {  	_ =	shalt  }
0x4b: {  	_ =	shalt  }
0x4c: {  	_ =	shalt  }
0x4d: {  	_ =	shalt  }
0x4e: {  	_ =	shalt  }
0x4f: {  	_ =	shalt  }
0x50: {  	_ =	shalt  }
0x51: {  	_ =	shalt  }
0x52: {  	_ =	shalt  }
0x53: {  	_ =	shalt  }
0x54: {  	_ =	shalt  }
0x55: {  	_ =	shalt  }
0x56: {  	_ =	shalt  }
0x57: {  	_ =	shalt  }
0x58: {  	_ =	shalt  }
0x59: {  	_ =	shalt  }
0x5a: {  	_ =	shalt  }
0x5b: {  	_ =	shalt  }
0x5c: {  	_ =	shalt  }
0x5d: {  	_ =	shalt  }
0x5e: {  	_ =	shalt  }
0x5f: {  	_ =	shalt  }
0x60: {  	_ =	shalt  }
0x61: {  	_ =	shalt  }
0x62: {  	_ =	shalt  }
0x63: {  	_ =	shalt  }
0x64: {  	_ =	shalt  }
0x65: {  	_ =	shalt  }
0x66: {  	_ =	shalt  }
0x67: {  	_ =	shalt  }
0x68: {  	_ =	shalt  }
0x69: {  	_ =	shalt  }
0x6a: {  	_ =	shalt  }
0x6b: {  	_ =	shalt  }
0x6c: {  	_ =	shalt  }
0x6d: {  	_ =	shalt  }
0x6e: {  	_ =	shalt  }
0x6f: {  	_ =	shalt  }
0x70: {  	_ =	shalt  }
0x71: {  	_ =	shalt  }
0x72: {  	_ =	shalt  }
0x73: {  	_ =	shalt  }
0x74: {  	_ =	shalt  }
0x75: {  	_ =	shalt  }
0x76: {  	_ =	shalt  }
0x77: {  	_ =	shalt  }
0x78: {  	_ =	shalt  }
0x79: {  	_ =	shalt  }
0x7a: {  	_ =	shalt  }
0x7b: {  	_ =	shalt  }
0x7c: {  	_ =	shalt  }
0x7d: {  	_ =	shalt  }
0x7e: {  	_ =	shalt  }
0x7f: {  	_ =	shalt  }
0x80: {  	_ =	shalt  }
0x81: {  	_ =	shalt  }
0x82: {  	_ =	shalt  }
0x83: {  	_ =	shalt  }
0x84: {  	_ =	shalt  }
0x85: {  	_ =	shalt  }
0x86: {  	_ =	shalt  }
0x87: {  	_ =	shalt  }
.Lfunc_end0:
.L_simem_size_0:
called_computation_lowered:
.L_overlay_start_0:
0x88: {  	s2 =	sld [smem:$0x3FD9]  }
0x89: {  	s3 =	sld [smem:$0x3FFE];
	_ =	sdelay $0x1  }
0x8a: {  	s1 =	srdreg.scid  }
0x8b: {  	s0 =	sand.u32 $0x1, s1  }
0x8c: {  	s17 =	sshll.u32 s0, $0xA;
	s2 =	sadd.s32 s3, s2  }
0x8d: {  	s2 =	sadd.s32 s2, s17  }
0x8e: {  	[smem:$0x3FB8] =	sst s2  }
0x8f: {  	_ = 	snop  }
0x90: {  	s2 =	sld [smem:$0x3FD0];
	(tm) =	ssettm $0x1  }
0x91: {  	s18 =	sld [smem:$0x3FFB];
	_ =	sdelay $0x3  }
0x92: {  	_ =	strace s18  }
0x93: {  	s3 =	sld [smem:$0x3FFC];
	_ =	sdelay $0x3  }
0x94: {  	_ =	strace s3  }
0x95: {  	s3 =	sld [smem:$0x3FFD];
	_ =	sdelay $0x3  }
0x96: {  	_ =	strace s3  }
0x97: {  	_ =	strace $0x8FFFFFFF  }
0x98: {  	s19 =	sld [smem:$0x3FDB];
	_ =	sdelay $0x1  }
0x99: {  	s4 =	simm.s32 $_scs_section_size  }
0x9a: {  	s5 =	simm.s32 $_size__tile_overlayer_lowered;
	s6 =	simm.s32 $_tile_overlayer_lowered  }
0x9b: {  	s22 =	simm.s32 $0x1BFF;
	s21 =	sshll.u32 s6, $0x1;
	s3 =	sadd.s32 s4, s19  }
0x9c: {  	s7 =	simm.s32 $0x0;
	s20 =	sshll.u32 s5, $0x1;
	s5 =	sadd.s32 s21, s3  }
0x9d: {  	[timem:s7], [sflag:s22] =	dma.local [hbm:s5], s20  }
0x9e: {  	_ =	swait.ge [sflag:s22], s20  }
0x9f: {  	s4 =	ssub.s32 $0x0, s20;
	[sflag:s22] =	ssyncset.done $0x0  }
0xa0: {  	[sflag:s22] =	ssyncadd.s32 s4;
	_ =	sdelay $0x1  }
0xa1: {  	s23 =	simm.s32 $0x1B8B  }
0xa2: {  	_ =	swait.ge [sflag:s23], $0x1  }
0xa3: {  	[sflag:s23] =	ssyncset.done $0x0  }
0xa4: {  	s25 =	simm.s32 $0x1B8E;
	s24 =	sld [smem:$0x3FFE];
	[sflag:s23] =	ssyncadd.s32 $0xFFFFFFFF  }
0xa5: {  	s26 =	simm.s32 $execute0_lowered;
	[smem:$0x3FD2] =	sst s25  }
0xa6: {  	s5 =	sshll.u32 s26, $0x1;
	_ =	strace $0x80000046;
	[dreg:$0x1] =	wrdreg $0xFFFFFFFF  }
0xa7: {  	s28 =	simm.s32 $_size_execute0_lowered;
	s3 =	sadd.s32 s3, s5;
	[dreg:$0x0] =	wrdreg $0x0  }
0xa8: {  	s5 =	sshll.u32 s28, $0x1;
	[dreg:$0x2] =	wrdreg s3  }
0xa9: {  	[dreg:$0x3] =	wrdreg s5  }
0xaa: {  	[dreg:$0x4] =	wrdreg $0xC0  }
0xab: {  	_ =	task [dreg:s7], $0x5FFFF  }
0xac: {  	[dreg:$0x1] =	wrdreg $0xFFFFFFFF  }
0xad: {  	[dreg:$0x0] =	wrdreg $0x60  }
0xae: {  	[dreg:$0x2] =	wrdreg s2  }
0xaf: {  	[dreg:$0x3] =	wrdreg s24  }
0xb0: {  	[dreg:$0x4] =	wrdreg $0x0  }
0xb1: {  	[dreg:$0x5] =	wrdreg $0x9  }
0xb2: {  	_ =	task.clear_ibuf [dreg:s7], $0x6FFFF;
	_ =	strace $0x90000046  }
0xb3: {  	s29 =	simm.s32 $0x9;
	_ =	strace $0x80000048  }
0xb4: {  	_ =	swait.ge [sflag:s29], $0x1  }
0xb5: {  	[sflag:s29] =	ssyncadd.s32 $0xFFFFFFFF  }
0xb6: {  	_ =	strace $0x90000048  }
0xb7: {  	_ =	sfence  }
0xb8: {  	s30 =	sld [smem:$0x0];
	_ =	sdelay $0x2  }
0xb9: {  	s31 =	sshll.u32 s1, $0xD;
	s1 =	sshrl.u32 s1, $0x2  }
0xba: {  	s3 =	sand.u32 $0x4000, s31;
	s1 =	sadd.s32 s1, s30  }
0xbb: {  	s0 =	sor.u32 s3, s0;
	s1 =	sshll.u32 s1, $0x11  }
0xbc: {  	s0 =	sor.u32 s1, s0  }
0xbd: {  	s0 =	sadd.s32 $0x8F2B, s0  }
0xbe: {  	[sflag:s0] =	ssyncadd.remote.s32 $0x1  }
0xbf: {  	_ =	sfence.sel $0xFFFF  }
0xc0: {  	[dreg:$0x0] =	wrdreg $0xFFFFFFFF;
	(pc) =	sbr.abs _section_cstart, $3  }
0xc1: {  	[dreg:$0x1] =	wrdreg $0xFFFFFFFF  }
0xc2: {  	_ =	task.clear_ibuf [dreg:s7], $0x2FFFF;
	_ =	strace $0x9FFFFFFF  }
0xc3: {  	(tm) =	ssettm $0x7FFFFFFF  }
tec
execute0_lowered:
.L_overlay_start_1:
0x0: {  	(tag) =	ssettag $0x1  }
0x1: {  	s1 =	rddreg [dreg:$0x0]  }
0x2: {  	s0 =	rddreg [dreg:$0x1];
	s2 =	srdreg.scid  }
0x3: {  	s9 =	stileid.u32;
	s3 =	rddreg [dreg:$0x2];
	s4 =	simm.s32 $0x0  }
0x4: {  	s15 =	simm.s32 $0x13E00;
	s16 =	simm.s32 $0x7;
	s17 =	simm.s32 $0x9E00  }
0x5: {  	s19 =	simm.s32 $0x80;
	s21 =	simm.s32 $0x15E00;
	s23 =	simm.s32 $0x17E00  }
0x6: {  	s28 =	simm.s32 $0x1BE00;
	s29 =	simm.s32 $0x2;
	s5 =	smul.u32 $0x5000, s9  }
0x7: {  	s30 =	simm.s32 $0x1DE00;
	s31 =	simm.s32 $0x3;
	s7 =	smul.u32 $0x9E00, s9  }
0x8: {  	s18 =	simm.s32 $0x6;
	s2 =	sand.u32 $0x1, s2;
	s24 =	smul.u32 $0x27800, s9  }
0x9: {  	s22 =	simm.s32 $0x0;
	[smem:$0x7FF] =	sst s4;
	s6 =	smul.u32 $0x50000, s2  }
0xa: {  	s25 =	sadd.s32 $0x20200, s0;
	_ =	strace $0x80000047;
	s8 =	smul.u32 $0x9E000, s2  }
0xb: {  	[dreg:$0x4] =	wrdreg s25;
	s2 =	ssub.s32 $0x2, s2;
	s25 =	simm.s32 $0x19E00  }
0xc: {  	s26 =	sshrl.u32 s2, $0x1;
	s6 =	sadd.s32 s5, s6;
	s5 =	sshrl.u32 s5, $0x3  }
0xd: {  	s8 =	sadd.s32 s7, s8;
	s2 =	ssub.s32 s2, s26;
	s26 =	simm.s32 $0x1  }
0xe: {  	s6 =	sshrl.u32 s6, $0x3;
	s12 =	sadd.s32 s5, s0;
	s8 =	sshrl.u32 s8, $0x3  }
0xf: {  	s14 =	smax.u32 s2, $0x1;
	s2 =	simm.s32 $0x4;
	s11 =	sadd.s32 s6, s0  }
0x10: {  	s6 =	sshrl.u32 s24, $0x2;
	s0 =	sadd.s32 s8, s0;
	s12 =	sadd.s32 $0x2200, s12  }
0x11: {  	s10 =	sadd.s32 s6, s3;
	s6 =	sadd.s32 s7, s3;
	s11 =	sadd.s32 $0xC200, s11  }
0x12: {  	s13 =	sadd.s32 $0x20600, s0;
	s0 =	simm.s32 $0x5;
	s7 =	sadd.s32 $0x2000, s10  }
0x13: {  	s8 =	sadd.s32 $0x4000, s10;
	s9 =	sadd.s32 $0x6000, s10;
	s10 =	sadd.s32 $0x8000, s10  }
.LBB2_1:
0x14: {  	s5 =	rddreg [dreg:$0x4]  }
0x15: {  	[tilespmem:s15], [sflag:$0x7] =	stream.linear.gather [hbm4b:s5+s4], $0x2000, $0x38;
	[tilespmem:$0x1FE00] =	vst v63  }
0x16: {  	_ =	swait.ge [sflag:s16], $0x2000  }
0x17: {  	[sflag:s16] =	ssyncset.done $0x0  }
0x18: {  	[sflag:s16] =	ssyncadd.s32 $0xFFFFE000  }
0x19: {  	[spmem:s6] =	stream.linear.scatter [tilespmem:s15], [sflag:$0x7], $0x2000, $0x38;
	[tilespmem:$0x1FE00] =	vst v63  }
0x1a: {  	_ =	swait.ge [sflag:s16], $0x2000  }
0x1b: {  	[sflag:s16] =	ssyncset.done $0x0  }
0x1c: {  	[sflag:s16] =	ssyncadd.s32 $0xFFFFE000  }
0x1d: {  	[spmem:s7] =	stream.linear.scatter [tilespmem:s15], [sflag:$0x7], $0x2000, $0x38;
	[tilespmem:$0x1FE00] =	vst v63  }
0x1e: {  	_ =	swait.ge [sflag:s16], $0x2000  }
0x1f: {  	[sflag:s16] =	ssyncset.done $0x0  }
0x20: {  	[sflag:s16] =	ssyncadd.s32 $0xFFFFE000  }
0x21: {  	[spmem:s8] =	stream.linear.scatter [tilespmem:s15], [sflag:$0x7], $0x2000, $0x38;
	[tilespmem:$0x1FE00] =	vst v63  }
0x22: {  	_ =	swait.ge [sflag:s16], $0x2000  }
0x23: {  	[sflag:s16] =	ssyncset.done $0x0  }
0x24: {  	[sflag:s16] =	ssyncadd.s32 $0xFFFFE000  }
0x25: {  	[spmem:s9] =	stream.linear.scatter [tilespmem:s15], [sflag:$0x7], $0x2000, $0x38;
	[tilespmem:$0x1FE00] =	vst v63  }
0x26: {  	_ =	swait.ge [sflag:s16], $0x2000  }
0x27: {  	[sflag:s16] =	ssyncset.done $0x0  }
0x28: {  	[sflag:s16] =	ssyncadd.s32 $0xFFFFE000  }
0x29: {  	[spmem:s10] =	stream.linear.scatter [tilespmem:s15], [sflag:$0x7], $0x1E00, $0x38;
	[tilespmem:$0x1FE00] =	vst v63  }
0x2a: {  	_ =	swait.ge [sflag:s16], $0x1E00  }
0x2b: {  	[sflag:s16] =	ssyncset.done $0x0  }
0x2c: {  	[sflag:s16] =	ssyncadd.s32 $0xFFFFE200  }
0x2d: {  	[tilespmem:s17], [sflag:$0x7] =	stream.linear.gather [hbm4b:s11+s4], $0x5000, $0x38;
	[tilespmem:$0x1FE00] =	vst v63  }
0x2e: {  	_ =	swait.ge [sflag:s16], $0x5000  }
0x2f: {  	[sflag:s16] =	ssyncset.done $0x0  }
0x30: {  	s20 =	simm.s32 $0xEE00;
	[sflag:s16] =	ssyncadd.s32 $0xFFFFB000  }
0x31: {  	[tilespmem:s20], [sflag:$0x7] =	stream.linear.gather [hbm4b:s12+s4], $0x5000, $0x38;
	[tilespmem:$0x1FE00] =	vst v63  }
0x32: {  	_ =	swait.ge [sflag:s16], $0x5000  }
0x33: {  	[sflag:s16] =	ssyncset.done $0x0  }
0x34: {  	[sflag:s16] =	ssyncadd.s32 $0xFFFFB000  }
0x35: {  	[bflag:$0x0] =	sbarrier.arrive $0xFFFF  }
0x36: {  	[tilespmem:s15], [sflag:$0x1] =	stream.indirect.gather [hbm4b:s1+s19], $0x40, s17, s19, $0xb8;
	[tilespmem:$0x1FE00] =	vst v63  }
0x37: {  	s24 =	simm.s32 $0x9E80  }
0x38: {  	[tilespmem:s21], [sflag:$0x2] =	stream.indirect.gather [hbm4b:s1+s19], $0x40, s24, s19, $0xb8;
	[tilespmem:$0x1FE00] =	vst v63  }
0x39: {  	s20 =	simm.s32 $0x9F00  }
0x3a: {  	[tilespmem:s23], [sflag:$0x3] =	stream.indirect.gather [hbm4b:s1+s19], $0x40, s20, s19, $0xb8;
	[tilespmem:$0x1FE00] =	vst v63  }
0x3b: {  	s24 =	simm.s32 $0x9F80  }
0x3c: {  	[tilespmem:s25], [sflag:$0x4] =	stream.indirect.gather [hbm4b:s1+s19], $0x40, s24, s19, $0xb8;
	[tilespmem:$0x1FE00] =	vst v63  }
0x3d: {  	_ =	swait.ge [sflag:s26], $0x2000  }
0x3e: {  	[sflag:s26] =	ssyncset.done $0x0  }
0x3f: {  	s20 =	simm.s32 $0xEE00;
	[sflag:s26] =	ssyncadd.s32 $0xFFFFE000  }
0x40: {  	[spmem:s3] =	stream.indirect.scatter.add.f32 [tilespmem:s15], [sflag:$0x7], $0x40, s20, s19, $0xb8;
	[tilespmem:$0x1FE00] =	vst v63  }
0x41: {  	_ =	swait.ge [sflag:s16], $0x2000  }
0x42: {  	[sflag:s16] =	ssyncset.done $0x0  }
0x43: {  	s5 =	simm.s32 $0xA000;
	[sflag:s16] =	ssyncadd.s32 $0xFFFFE000  }
0x44: {  	[tilespmem:s28], [sflag:$0x5] =	stream.indirect.gather [hbm4b:s1+s19], $0x40, s5, s19, $0xb8;
	[tilespmem:$0x1FE00] =	vst v63  }
0x45: {  	_ =	swait.ge [sflag:s29], $0x2000  }
0x46: {  	[sflag:s29] =	ssyncset.done $0x0  }
0x47: {  	s24 =	simm.s32 $0xEE80;
	[sflag:s29] =	ssyncadd.s32 $0xFFFFE000  }
0x48: {  	[spmem:s3] =	stream.indirect.scatter.add.f32 [tilespmem:s21], [sflag:$0x7], $0x40, s24, s19, $0xb8;
	[tilespmem:$0x1FE00] =	vst v63  }
0x49: {  	_ =	swait.ge [sflag:s16], $0x2000  }
0x4a: {  	[sflag:s16] =	ssyncset.done $0x0  }
0x4b: {  	s5 =	simm.s32 $0xA080;
	[sflag:s16] =	ssyncadd.s32 $0xFFFFE000  }
0x4c: {  	[tilespmem:s30], [sflag:$0x6] =	stream.indirect.gather [hbm4b:s1+s19], $0x40, s5, s19, $0xb8;
	[tilespmem:$0x1FE00] =	vst v63  }
0x4d: {  	_ =	swait.ge [sflag:s31], $0x2000  }
0x4e: {  	[sflag:s31] =	ssyncset.done $0x0  }
0x4f: {  	s24 =	simm.s32 $0xEF00;
	[sflag:s31] =	ssyncadd.s32 $0xFFFFE000  }
0x50: {  	[spmem:s3] =	stream.indirect.scatter.add.f32 [tilespmem:s23], [sflag:$0x7], $0x40, s24, s19, $0xb8;
	[tilespmem:$0x1FE00] =	vst v63  }
0x51: {  	_ =	swait.ge [sflag:s16], $0x2000  }
0x52: {  	[sflag:s16] =	ssyncset.done $0x0  }
0x53: {  	s5 =	simm.s32 $0xA100;
	[sflag:s16] =	ssyncadd.s32 $0xFFFFE000  }
0x54: {  	[tilespmem:s15], [sflag:$0x1] =	stream.indirect.gather [hbm4b:s1+s19], $0x40, s5, s19, $0xb8;
	[tilespmem:$0x1FE00] =	vst v63  }
0x55: {  	_ =	swait.ge [sflag:s2], $0x2000  }
0x56: {  	[sflag:s2] =	ssyncset.done $0x0  }
0x57: {  	s24 =	simm.s32 $0xEF80;
	[sflag:s2] =	ssyncadd.s32 $0xFFFFE000  }
0x58: {  	[spmem:s3] =	stream.indirect.scatter.add.f32 [tilespmem:s25], [sflag:$0x7], $0x40, s24, s19, $0xb8;
	[tilespmem:$0x1FE00] =	vst v63  }
0x59: {  	_ =	swait.ge [sflag:s16], $0x2000  }
0x5a: {  	[sflag:s16] =	ssyncset.done $0x0  }
0x5b: {  	s5 =	simm.s32 $0xA180;
	[sflag:s16] =	ssyncadd.s32 $0xFFFFE000  }
0x5c: {  	[tilespmem:s21], [sflag:$0x2] =	stream.indirect.gather [hbm4b:s1+s19], $0x40, s5, s19, $0xb8;
	[tilespmem:$0x1FE00] =	vst v63  }
0x5d: {  	_ =	swait.ge [sflag:s0], $0x2000  }
0x5e: {  	[sflag:s0] =	ssyncset.done $0x0  }
0x5f: {  	s24 =	simm.s32 $0xF000;
	[sflag:s0] =	ssyncadd.s32 $0xFFFFE000  }
0x60: {  	[spmem:s3] =	stream.indirect.scatter.add.f32 [tilespmem:s28], [sflag:$0x7], $0x40, s24, s19, $0xb8;
	[tilespmem:$0x1FE00] =	vst v63  }
0x61: {  	_ =	swait.ge [sflag:s16], $0x2000  }
0x62: {  	[sflag:s16] =	ssyncset.done $0x0  }
0x63: {  	s5 =	simm.s32 $0xA200;
	[sflag:s16] =	ssyncadd.s32 $0xFFFFE000  }
0x64: {  	[tilespmem:s23], [sflag:$0x3] =	stream.indirect.gather [hbm4b:s1+s19], $0x40, s5, s19, $0xb8;
	[tilespmem:$0x1FE00] =	vst v63  }
0x65: {  	_ =	swait.ge [sflag:s18], $0x2000  }
0x66: {  	[sflag:s18] =	ssyncset.done $0x0  }
0x67: {  	s24 =	simm.s32 $0xF080;
	[sflag:s18] =	ssyncadd.s32 $0xFFFFE000  }
0x68: {  	[spmem:s3] =	stream.indirect.scatter.add.f32 [tilespmem:s30], [sflag:$0x7], $0x40, s24, s19, $0xb8;
	[tilespmem:$0x1FE00] =	vst v63  }
0x69: {  	_ =	swait.ge [sflag:s16], $0x2000  }
0x6a: {  	[sflag:s16] =	ssyncset.done $0x0  }
0x6b: {  	s20 =	simm.s32 $0xA280;
	s24 =	simm.s32 $0xC00;
	[sflag:s16] =	ssyncadd.s32 $0xFFFFE000  }
.LBB2_2:
0x6c: {  	[tilespmem:s25], [sflag:$0x4] =	stream.indirect.gather [hbm4b:s1+s19], $0x40, s20, s19, $0xb8;
	[tilespmem:$0x1FE00] =	vst v63  }
0x6d: {  	s20 =	smov.u32 s24  }
0x6e: {  	p0 =	sne.s32 s24, $0x12C00;
	s24 =	sadd.s32 $0xC00, s24;
	_ =	swait.ge [sflag:s26], $0x2000  }
0x6f: {  	s20 =	sshra.s32 s20, $0x2;
	[sflag:s26] =	ssyncset.done $0x0  }
0x70: {  	s5 =	sadd.s32 $0xEE00, s20;
	[sflag:s26] =	ssyncadd.s32 $0xFFFFE000  }
0x71: {  	[spmem:s3] =	stream.indirect.scatter.add.f32 [tilespmem:s15], [sflag:$0x7], $0x40, s5, s19, $0xb8;
	[tilespmem:$0x1FE00] =	vst v63  }
0x72: {  	_ =	swait.ge [sflag:s16], $0x2000  }
0x73: {  	[sflag:s16] =	ssyncset.done $0x0  }
0x74: {  	s5 =	sadd.s32 $0xA000, s20;
	[sflag:s16] =	ssyncadd.s32 $0xFFFFE000  }
0x75: {  	[tilespmem:s28], [sflag:$0x5] =	stream.indirect.gather [hbm4b:s1+s19], $0x40, s5, s19, $0xb8;
	[tilespmem:$0x1FE00] =	vst v63  }
0x76: {  	_ =	swait.ge [sflag:s29], $0x2000  }
0x77: {  	[sflag:s29] =	ssyncset.done $0x0  }
0x78: {  	s5 =	sadd.s32 $0xEE80, s20;
	[sflag:s29] =	ssyncadd.s32 $0xFFFFE000  }
0x79: {  	[spmem:s3] =	stream.indirect.scatter.add.f32 [tilespmem:s21], [sflag:$0x7], $0x40, s5, s19, $0xb8;
	[tilespmem:$0x1FE00] =	vst v63  }
0x7a: {  	_ =	swait.ge [sflag:s16], $0x2000  }
0x7b: {  	[sflag:s16] =	ssyncset.done $0x0  }
0x7c: {  	s5 =	sadd.s32 $0xA080, s20;
	[sflag:s16] =	ssyncadd.s32 $0xFFFFE000  }
0x7d: {  	[tilespmem:s30], [sflag:$0x6] =	stream.indirect.gather [hbm4b:s1+s19], $0x40, s5, s19, $0xb8;
	[tilespmem:$0x1FE00] =	vst v63  }
0x7e: {  	_ =	swait.ge [sflag:s31], $0x2000  }
0x7f: {  	[sflag:s31] =	ssyncset.done $0x0  }
0x80: {  	s5 =	sadd.s32 $0xEF00, s20;
	[sflag:s31] =	ssyncadd.s32 $0xFFFFE000  }
0x81: {  	[spmem:s3] =	stream.indirect.scatter.add.f32 [tilespmem:s23], [sflag:$0x7], $0x40, s5, s19, $0xb8;
	[tilespmem:$0x1FE00] =	vst v63  }
0x82: {  	_ =	swait.ge [sflag:s16], $0x2000  }
0x83: {  	[sflag:s16] =	ssyncset.done $0x0  }
0x84: {  	s5 =	sadd.s32 $0xA100, s20;
	[sflag:s16] =	ssyncadd.s32 $0xFFFFE000  }
0x85: {  	[tilespmem:s15], [sflag:$0x1] =	stream.indirect.gather [hbm4b:s1+s19], $0x40, s5, s19, $0xb8;
	[tilespmem:$0x1FE00] =	vst v63  }
0x86: {  	_ =	swait.ge [sflag:s2], $0x2000  }
0x87: {  	[sflag:s2] =	ssyncset.done $0x0  }
0x88: {  	s5 =	sadd.s32 $0xEF80, s20;
	[sflag:s2] =	ssyncadd.s32 $0xFFFFE000  }
0x89: {  	[spmem:s3] =	stream.indirect.scatter.add.f32 [tilespmem:s25], [sflag:$0x7], $0x40, s5, s19, $0xb8;
	[tilespmem:$0x1FE00] =	vst v63  }
0x8a: {  	_ =	swait.ge [sflag:s16], $0x2000  }
0x8b: {  	[sflag:s16] =	ssyncset.done $0x0  }
0x8c: {  	s5 =	sadd.s32 $0xA180, s20;
	[sflag:s16] =	ssyncadd.s32 $0xFFFFE000  }
0x8d: {  	[tilespmem:s21], [sflag:$0x2] =	stream.indirect.gather [hbm4b:s1+s19], $0x40, s5, s19, $0xb8;
	[tilespmem:$0x1FE00] =	vst v63  }
0x8e: {  	_ =	swait.ge [sflag:s0], $0x2000  }
0x8f: {  	[sflag:s0] =	ssyncset.done $0x0  }
0x90: {  	s5 =	sadd.s32 $0xF000, s20;
	[sflag:s0] =	ssyncadd.s32 $0xFFFFE000  }
0x91: {  	[spmem:s3] =	stream.indirect.scatter.add.f32 [tilespmem:s28], [sflag:$0x7], $0x40, s5, s19, $0xb8;
	[tilespmem:$0x1FE00] =	vst v63  }
0x92: {  	_ =	swait.ge [sflag:s16], $0x2000  }
0x93: {  	[sflag:s16] =	ssyncset.done $0x0  }
0x94: {  	s5 =	sadd.s32 $0xA200, s20;
	[sflag:s16] =	ssyncadd.s32 $0xFFFFE000  }
0x95: {  	[tilespmem:s23], [sflag:$0x3] =	stream.indirect.gather [hbm4b:s1+s19], $0x40, s5, s19, $0xb8;
	[tilespmem:$0x1FE00] =	vst v63  }
0x96: {  	_ =	swait.ge [sflag:s18], $0x2000  }
0x97: {  	[sflag:s18] =	ssyncset.done $0x0  }
.Ltmp0:
0x98: {  	s5 =	sadd.s32 $0xF080, s20;
	[sflag:s18] =	ssyncadd.s32 $0xFFFFE000;
	(pc) =	sbr.rel @p0 .LBB2_2-.Ltmp0, $4  }
0x99: {  	[spmem:s3] =	stream.indirect.scatter.add.f32 [tilespmem:s30], [sflag:$0x7], $0x40, s5, s19, $0xb8;
	[tilespmem:$0x1FE00] =	vst v63  }
0x9a: {  	_ =	swait.ge [sflag:s16], $0x2000  }
0x9b: {  	[sflag:s16] =	ssyncset.done $0x0  }
0x9c: {  	s20 =	sadd.s32 $0xA280, s20;
	[sflag:s16] =	ssyncadd.s32 $0xFFFFE000  }
0x9d: {  	[tilespmem:s25], [sflag:$0x4] =	stream.indirect.gather [hbm4b:s1+s19], $0x40, s20, s19, $0xb8;
	[tilespmem:$0x1FE00] =	vst v63  }
0x9e: {  	_ =	swait.ge [sflag:s26], $0x2000  }
0x9f: {  	[sflag:s26] =	ssyncset.done $0x0  }
0xa0: {  	s5 =	simm.s32 $0x13C00;
	[sflag:s26] =	ssyncadd.s32 $0xFFFFE000  }
0xa1: {  	[spmem:s3] =	stream.indirect.scatter.add.f32 [tilespmem:s15], [sflag:$0x7], $0x40, s5, s19, $0xb8;
	[tilespmem:$0x1FE00] =	vst v63  }
0xa2: {  	_ =	swait.ge [sflag:s16], $0x2000  }
0xa3: {  	[sflag:s16] =	ssyncset.done $0x0  }
0xa4: {  	[sflag:s16] =	ssyncadd.s32 $0xFFFFE000  }
0xa5: {  	_ =	swait.ge [sflag:s29], $0x2000  }
0xa6: {  	[sflag:s29] =	ssyncset.done $0x0  }
0xa7: {  	s24 =	simm.s32 $0x13C80;
	[sflag:s29] =	ssyncadd.s32 $0xFFFFE000  }
0xa8: {  	[spmem:s3] =	stream.indirect.scatter.add.f32 [tilespmem:s21], [sflag:$0x7], $0x40, s24, s19, $0xb8;
	[tilespmem:$0x1FE00] =	vst v63  }
0xa9: {  	_ =	swait.ge [sflag:s16], $0x2000  }
0xaa: {  	[sflag:s16] =	ssyncset.done $0x0  }
0xab: {  	[sflag:s16] =	ssyncadd.s32 $0xFFFFE000  }
0xac: {  	_ =	swait.ge [sflag:s31], $0x2000  }
0xad: {  	[sflag:s31] =	ssyncset.done $0x0  }
0xae: {  	s20 =	simm.s32 $0x13D00;
	[sflag:s31] =	ssyncadd.s32 $0xFFFFE000  }
0xaf: {  	[spmem:s3] =	stream.indirect.scatter.add.f32 [tilespmem:s23], [sflag:$0x7], $0x40, s20, s19, $0xb8;
	[tilespmem:$0x1FE00] =	vst v63  }
0xb0: {  	_ =	swait.ge [sflag:s16], $0x2000  }
0xb1: {  	[sflag:s16] =	ssyncset.done $0x0  }
0xb2: {  	[sflag:s16] =	ssyncadd.s32 $0xFFFFE000  }
0xb3: {  	_ =	swait.ge [sflag:s2], $0x2000  }
0xb4: {  	[sflag:s2] =	ssyncset.done $0x0  }
0xb5: {  	s24 =	simm.s32 $0x13D80;
	[sflag:s2] =	ssyncadd.s32 $0xFFFFE000  }
0xb6: {  	[spmem:s3] =	stream.indirect.scatter.add.f32 [tilespmem:s25], [sflag:$0x7], $0x40, s24, s19, $0xb8;
	[tilespmem:$0x1FE00] =	vst v63  }
0xb7: {  	_ =	swait.ge [sflag:s16], $0x2000  }
0xb8: {  	[sflag:s16] =	ssyncset.done $0x0  }
0xb9: {  	[sflag:s16] =	ssyncadd.s32 $0xFFFFE000  }
0xba: {  	[bflag:$0x0] =	sbarrier.arrive $0xFFFF  }
0xbb: {  	[tilespmem:s15], [sflag:$0x7] =	stream.linear.gather [spmem:s6], $0x9E00, $0x38;
	[tilespmem:$0x1FE00] =	vst v63  }
0xbc: {  	s22 =	sadd.s32 $0x1, s22;
	_ =	swait.ge [sflag:s16], $0x9E00  }
0xbd: {  	p0 =	sne.s32 s22, s14;
	[sflag:s16] =	ssyncset.done $0x0  }
.Ltmp1:
0xbe: {  	[sflag:s16] =	ssyncadd.s32 $0xFFFF6200;
	(pc) =	sbr.rel @p0 .LBB2_1-.Ltmp1, $4  }
0xbf: {  	[hbm4b:s13+s4] =	stream.linear.scatter [tilespmem:s15], [sflag:$0x7], $0x9E00, $0x38;
	[tilespmem:$0x1FE00] =	vst v63  }
0xc0: {  	_ =	swait.ge [sflag:s16], $0x9E00  }
0xc1: {  	[sflag:s16] =	ssyncset.done $0x0  }
0xc2: {  	[sflag:s16] =	ssyncadd.s32 $0xFFFF6200  }
0xc3: {  	_ =	sfence.sel $0x180000  }
0xc4: {  	[bflag:$0x0] =	sbarrier.arrive $0xFFFF  }
0xc5: {  	_ =	strace $0x90000047  }
0xc6: {  	s0 =	stileid.u32;
	[bflag:$0x2] =	sbarrier.arrive $0xFFFF  }
0xc7: {  	p0 =	sne.s32 s0, $0x0;
	s0 =	rddreg [dreg:$0x3]  }
0xc8: {  	s0 =	sadd.s32 @!p0 $0x100000, s0  }
0xc9: {  	[sflag:s0] =	ssyncadd.tile.s32 @!p0 $0x1;
	_ =	shalt  }
.Lfunc_end2:
_tile_overlayer_lowered:
.L_overlay_start_2:
0xca: {  	(tag) =	ssettag $0x2  }
0xcb: {  	s0 =	rddreg [dreg:$0x0];
	s2 =	stileid.u32  }
0xcc: {  	s1 =	rddreg [dreg:$0x1];
	p0 =	sne.s32 s2, $0x0  }
0xcd: {  	s3 =	rddreg [dreg:$0x2];
	[bflag:$0x3] =	sbarrier.arrive $0xFFFF;
	s2 =	simm.s32 @!p0 $0x1C07  }
0xce: {  	[timem:s3], [sflag:s2] =	dma.local @!p0 [hbm:s0], s1  }
0xcf: {  	s0 =	simm.s32 @!p0 $0x7  }
0xd0: {  	_ =	swait.ge @!p0 [sflag:s0], s1  }
0xd1: {  	s1 =	ssub.s32 @!p0 $0x0, s1;
	[sflag:s0] =	ssyncset.done @!p0 $0x0  }
0xd2: {  	[sflag:s0] =	ssyncadd.s32 @!p0 s1  }
0xd3: {  	[bflag:$0x3] =	sbarrier.arrive $0xFFFF  }
0xd4: {  	_ =	shalt  }

// kernel: kernel.9.cloned.1.call-start
scs
__scs_entry_jumppad:
0x0: {  	(pc) =	sbr.rel $0x88, $3  }
0x1: {  	(tag) =	ssettag $0x0;
	lr =	simm.s32 $0x1  }
0x2: {  	[smem:$0x3F91] =	sst lr;
	_ =	strace $0xD0000000  }
0x3: {  	_ = 	snop  }
0x4: {  	_ = 	snop  }
0x5: {  	_ = 	snop  }
0x6: {  	_ = 	snop  }
0x7: {  	_ = 	snop  }
__scs_overlays_trampoline_lowered:
0x8: {  	[smem:$0x3FA0] =	sst s0  }
0x9: {  	[smem:$0x3FA1] =	sst s1  }
0xa: {  	[smem:$0x3FA2] =	sst s2  }
0xb: {  	[smem:$0x3FA3] =	sst s3  }
0xc: {  	[smem:$0x3FA4] =	sst s4  }
0xd: {  	[smem:$0x3FA5] =	sst s5  }
0xe: {  	[smem:$0x3FA6] =	sst s6  }
0xf: {  	[smem:$0x3FA7] =	sst s7  }
0x10: {  	[smem:$0x3FA8] =	sst s8  }
0x11: {  	[smem:$0x3FA9] =	sst s9;
	s0 =	simm.s32 @!p0 $0x0  }
0x12: {  	s1 =	sld [smem:$0x3F8F];
	s0 =	simm.s32 @p0 $0x1  }
0x13: {  	[smem:$0x3FAA] =	sst s0;
	s0 =	simm.s32 @!p1 $0x0  }
0x14: {  	s2 =	sld [smem:$0x3F8E];
	s0 =	simm.s32 @p1 $0x1  }
0x15: {  	[smem:$0x3FAB] =	sst s0;
	s0 =	simm.s32 @!p2 $0x0  }
0x16: {  	s3 =	sld [smem:$0x3FDB];
	s0 =	simm.s32 @p2 $0x1  }
0x17: {  	s4 =	simm.s32 $0x1BF5;
	[smem:$0x3FAD] =	sst s0  }
0x18: {  	s0 =	sld [smem:$0x3F90];
	_ =	swait.ge [sflag:s4], $0x0  }
0x19: {  	s7 =	sld [smem:$0x3F91]  }
0x1a: {  	s8 =	sadd.s32 $0xFFFFE003, lr  }
0x1b: {  	s9 =	sadd.s32 $0xFFFFFEF7, lr;
	s5 =	simm.s32 $0xFFFFFFFF;
	p2 =	slt.u32 s8, $0xFFFFF086  }
0x1c: {  	p1 =	slt.u32 s9, $0xF7A;
	s5 =	simm.s32 @!p2 $0x0  }
0x1d: {  	s5 =	simm.s32 @p1 $0x1;
	p0 =	seq.s32 s7, s2  }
0x1e: {  	s7 =	smul.u32 @!p0 $0xF7A, s2;
	p2 =	seq.s32 @!p0 s5, $0x0  }
0x1f: {  	s9 =	smul.u32 $0xF7A, s1;
	s8 =	simm.s32 @!p0 $0x1BF5;
	p2 =	por !p2, p0  }
0x20: {  	[sflag:s8] =	ssyncset.s32 @!p0 $0xFFFFF086;
	s6 =	sadd.s32 @!p0 s3, s7;
	s7 =	simm.s32 @!p0 $0x108  }
0x21: {  	s3 =	sadd.s32 s3, s9;
	s6 =	sadd.s32 @!p0 $0x88, s6;
	s7 =	simm.s32 @p2 $0x1082  }
0x22: {  	[simem:s7], [sflag:s8] =	dma.local @!p0 [hbm:s6], $0xF7A  }
0x23: {  	s9 =	sor.u32 $0xD0000000, s2;
	s6 =	simm.s32 $0x108;
	_ =	swait.ge @!p0 [sflag:s8], $0x0  }
0x24: {  	s3 =	sadd.s32 $0x88, s3;
	s6 =	simm.s32 @!p1 $0x1082;
	[sflag:s4] =	ssyncset.s32 $0xFFFFF086  }
0x25: {  	[simem:s6], [sflag:s4] =	dma.local [hbm:s3], $0xF7A  }
0x26: {  	[smem:$0x3F91] =	sst s1;
	(tag) =	ssettag s2;
	_ =	strace s9  }
0x27: {  	s1 =	sld [smem:$0x3FA1]  }
0x28: {  	s2 =	sld [smem:$0x3FA2]  }
0x29: {  	s4 =	sld [smem:$0x3FA4]  }
0x2a: {  	p0 =	seq.s32 s5, $0x0;
	s5 =	sld [smem:$0x3FA5]  }
0x2b: {  	s6 =	sld [smem:$0x3FA6]  }
0x2c: {  	s7 =	sld [smem:$0x3FA7]  }
0x2d: {  	s3 =	simm.s32 $0x108;
	s8 =	sld [smem:$0x3FA8]  }
0x2e: {  	s3 =	simm.s32 @!p0 $0x1082;
	s9 =	sld [smem:$0x3FA9]  }
0x2f: {  	lr =	sadd.s32 s0, s3;
	s0 =	sld [smem:$0x3FA0]  }
0x30: {  	s3 =	sld [smem:$0x3FA3]  }
0x31: {  	[smem:$0x3FAC] =	sst s10  }
0x32: {  	s10 =	sld [smem:$0x3FAA];
	_ =	sdelay $0x3  }
0x33: {  	p0 =	seq.s32 s10, $0x1;
	s10 =	sld [smem:$0x3FAC];
	_ =	sdelay $0x3  }
0x34: {  	[smem:$0x3FAC] =	sst s10  }
0x35: {  	s10 =	sld [smem:$0x3FAB];
	_ =	sdelay $0x3  }
0x36: {  	p1 =	seq.s32 s10, $0x1;
	s10 =	sld [smem:$0x3FAC];
	_ =	sdelay $0x3  }
0x37: {  	[smem:$0x3FAC] =	sst s10  }
0x38: {  	s10 =	sld [smem:$0x3FAD]  }
0x39: {  	_ = 	snop;
	(pc) =	sbr.ind lr, $3  }
0x3a: {  	_ = 	snop  }
0x3b: {  	_ = 	snop  }
0x3c: {  	p2 =	seq.s32 s10, $0x1;
	s10 =	sld [smem:$0x3FAC]  }
0x3d: {  	_ =	shalt  }
0x3e: {  	_ =	shalt  }
0x3f: {  	_ =	shalt  }
0x40: {  	_ =	shalt  }
0x41: {  	_ =	shalt  }
0x42: {  	_ =	shalt  }
0x43: {  	_ =	shalt  }
0x44: {  	_ =	shalt  }
0x45: {  	_ =	shalt  }
0x46: {  	_ =	shalt  }
0x47: {  	_ =	shalt  }
0x48: {  	_ =	shalt  }
0x49: {  	_ =	shalt  }
0x4a: {  	_ =	shalt  }
0x4b: {  	_ =	shalt  }
0x4c: {  	_ =	shalt  }
0x4d: {  	_ =	shalt  }
0x4e: {  	_ =	shalt  }
0x4f: {  	_ =	shalt  }
0x50: {  	_ =	shalt  }
0x51: {  	_ =	shalt  }
0x52: {  	_ =	shalt  }
0x53: {  	_ =	shalt  }
0x54: {  	_ =	shalt  }
0x55: {  	_ =	shalt  }
0x56: {  	_ =	shalt  }
0x57: {  	_ =	shalt  }
0x58: {  	_ =	shalt  }
0x59: {  	_ =	shalt  }
0x5a: {  	_ =	shalt  }
0x5b: {  	_ =	shalt  }
0x5c: {  	_ =	shalt  }
0x5d: {  	_ =	shalt  }
0x5e: {  	_ =	shalt  }
0x5f: {  	_ =	shalt  }
0x60: {  	_ =	shalt  }
0x61: {  	_ =	shalt  }
0x62: {  	_ =	shalt  }
0x63: {  	_ =	shalt  }
0x64: {  	_ =	shalt  }
0x65: {  	_ =	shalt  }
0x66: {  	_ =	shalt  }
0x67: {  	_ =	shalt  }
0x68: {  	_ =	shalt  }
0x69: {  	_ =	shalt  }
0x6a: {  	_ =	shalt  }
0x6b: {  	_ =	shalt  }
0x6c: {  	_ =	shalt  }
0x6d: {  	_ =	shalt  }
0x6e: {  	_ =	shalt  }
0x6f: {  	_ =	shalt  }
0x70: {  	_ =	shalt  }
0x71: {  	_ =	shalt  }
0x72: {  	_ =	shalt  }
0x73: {  	_ =	shalt  }
0x74: {  	_ =	shalt  }
0x75: {  	_ =	shalt  }
0x76: {  	_ =	shalt  }
0x77: {  	_ =	shalt  }
0x78: {  	_ =	shalt  }
0x79: {  	_ =	shalt  }
0x7a: {  	_ =	shalt  }
0x7b: {  	_ =	shalt  }
0x7c: {  	_ =	shalt  }
0x7d: {  	_ =	shalt  }
0x7e: {  	_ =	shalt  }
0x7f: {  	_ =	shalt  }
0x80: {  	_ =	shalt  }
0x81: {  	_ =	shalt  }
0x82: {  	_ =	shalt  }
0x83: {  	_ =	shalt  }
0x84: {  	_ =	shalt  }
0x85: {  	_ =	shalt  }
0x86: {  	_ =	shalt  }
0x87: {  	_ =	shalt  }
.Lfunc_end0:
.L_simem_size_0:
called_computation.1_lowered:
.L_overlay_start_0:
0x88: {  	s2 =	sld [smem:$0x3FD9]  }
0x89: {  	s3 =	sld [smem:$0x3FFE];
	_ =	sdelay $0x1  }
0x8a: {  	s1 =	srdreg.scid  }
0x8b: {  	s0 =	sand.u32 $0x1, s1  }
0x8c: {  	s17 =	sshll.u32 s0, $0xA;
	s2 =	sadd.s32 s3, s2  }
0x8d: {  	s2 =	sadd.s32 s2, s17  }
0x8e: {  	[smem:$0x3FB8] =	sst s2  }
0x8f: {  	_ = 	snop  }
0x90: {  	s2 =	sld [smem:$0x3FD0];
	(tm) =	ssettm $0x1  }
0x91: {  	s18 =	sld [smem:$0x3FFB];
	_ =	sdelay $0x3  }
0x92: {  	_ =	strace s18  }
0x93: {  	s3 =	sld [smem:$0x3FFC];
	_ =	sdelay $0x3  }
0x94: {  	_ =	strace s3  }
0x95: {  	s3 =	sld [smem:$0x3FFD];
	_ =	sdelay $0x3  }
0x96: {  	_ =	strace s3  }
0x97: {  	_ =	strace $0x8FFFFFFF  }
0x98: {  	s19 =	sld [smem:$0x3FDB];
	_ =	sdelay $0x1  }
0x99: {  	s4 =	simm.s32 $_scs_section_size  }
0x9a: {  	s5 =	simm.s32 $_size__tile_overlayer_lowered;
	s6 =	simm.s32 $_tile_overlayer_lowered  }
0x9b: {  	s22 =	simm.s32 $0x1BFF;
	s21 =	sshll.u32 s6, $0x1;
	s3 =	sadd.s32 s4, s19  }
0x9c: {  	s7 =	simm.s32 $0x0;
	s20 =	sshll.u32 s5, $0x1;
	s5 =	sadd.s32 s21, s3  }
0x9d: {  	[timem:s7], [sflag:s22] =	dma.local [hbm:s5], s20  }
0x9e: {  	_ =	swait.ge [sflag:s22], s20  }
0x9f: {  	s4 =	ssub.s32 $0x0, s20;
	[sflag:s22] =	ssyncset.done $0x0  }
0xa0: {  	[sflag:s22] =	ssyncadd.s32 s4;
	_ =	sdelay $0x1  }
0xa1: {  	s23 =	simm.s32 $0x1B8B  }
0xa2: {  	_ =	swait.ge [sflag:s23], $0x1  }
0xa3: {  	[sflag:s23] =	ssyncset.done $0x0  }
0xa4: {  	s25 =	simm.s32 $0x1B8E;
	s24 =	sld [smem:$0x3FFE];
	[sflag:s23] =	ssyncadd.s32 $0xFFFFFFFF  }
0xa5: {  	s26 =	simm.s32 $execute0_lowered;
	[smem:$0x3FD2] =	sst s25  }
0xa6: {  	s5 =	sshll.u32 s26, $0x1;
	_ =	strace $0x80000049;
	[dreg:$0x1] =	wrdreg $0xFFFFFFFF  }
0xa7: {  	s28 =	simm.s32 $_size_execute0_lowered;
	s3 =	sadd.s32 s3, s5;
	[dreg:$0x0] =	wrdreg $0x0  }
0xa8: {  	s5 =	sshll.u32 s28, $0x1;
	[dreg:$0x2] =	wrdreg s3  }
0xa9: {  	[dreg:$0x3] =	wrdreg s5  }
0xaa: {  	[dreg:$0x4] =	wrdreg $0xC0  }
0xab: {  	_ =	task [dreg:s7], $0x5FFFF  }
0xac: {  	[dreg:$0x1] =	wrdreg $0xFFFFFFFF  }
0xad: {  	[dreg:$0x0] =	wrdreg $0x60  }
0xae: {  	[dreg:$0x2] =	wrdreg s2  }
0xaf: {  	[dreg:$0x3] =	wrdreg s24  }
0xb0: {  	[dreg:$0x4] =	wrdreg $0x0  }
0xb1: {  	[dreg:$0x5] =	wrdreg $0x9  }
0xb2: {  	_ =	task.clear_ibuf [dreg:s7], $0x6FFFF;
	_ =	strace $0x90000049  }
0xb3: {  	s29 =	simm.s32 $0x9;
	_ =	strace $0x8000004B  }
0xb4: {  	_ =	swait.ge [sflag:s29], $0x1  }
0xb5: {  	[sflag:s29] =	ssyncadd.s32 $0xFFFFFFFF  }
0xb6: {  	_ =	strace $0x9000004B  }
0xb7: {  	_ =	sfence  }
0xb8: {  	s30 =	sld [smem:$0x0];
	_ =	sdelay $0x2  }
0xb9: {  	s31 =	sshll.u32 s1, $0xD;
	s1 =	sshrl.u32 s1, $0x2  }
0xba: {  	s3 =	sand.u32 $0x4000, s31;
	s1 =	sadd.s32 s1, s30  }
0xbb: {  	s0 =	sor.u32 s3, s0;
	s1 =	sshll.u32 s1, $0x11  }
0xbc: {  	s0 =	sor.u32 s1, s0  }
0xbd: {  	s0 =	sadd.s32 $0x8F2B, s0  }
0xbe: {  	[sflag:s0] =	ssyncadd.remote.s32 $0x1  }
0xbf: {  	_ =	sfence.sel $0xFFFF  }
0xc0: {  	[dreg:$0x0] =	wrdreg $0xFFFFFFFF;
	(pc) =	sbr.abs _section_cstart, $3  }
0xc1: {  	[dreg:$0x1] =	wrdreg $0xFFFFFFFF  }
0xc2: {  	_ =	task.clear_ibuf [dreg:s7], $0x2FFFF;
	_ =	strace $0x9FFFFFFF  }
0xc3: {  	(tm) =	ssettm $0x7FFFFFFF  }
tec
execute0_lowered:
.L_overlay_start_1:
0x0: {  	(tag) =	ssettag $0x1  }
0x1: {  	s1 =	rddreg [dreg:$0x0]  }
0x2: {  	s0 =	rddreg [dreg:$0x1];
	s2 =	srdreg.scid  }
0x3: {  	s9 =	stileid.u32;
	s3 =	rddreg [dreg:$0x2];
	s4 =	simm.s32 $0x0  }
0x4: {  	s15 =	simm.s32 $0x13E00;
	s16 =	simm.s32 $0x7;
	s17 =	simm.s32 $0x9E00  }
0x5: {  	s19 =	simm.s32 $0x80;
	s21 =	simm.s32 $0x15E00;
	s23 =	simm.s32 $0x17E00  }
0x6: {  	s28 =	simm.s32 $0x1BE00;
	s29 =	simm.s32 $0x2;
	s5 =	smul.u32 $0x5000, s9  }
0x7: {  	s30 =	simm.s32 $0x1DE00;
	s31 =	simm.s32 $0x3;
	s7 =	smul.u32 $0x9E00, s9  }
0x8: {  	s18 =	simm.s32 $0x6;
	s2 =	sand.u32 $0x1, s2;
	s24 =	smul.u32 $0x27800, s9  }
0x9: {  	s22 =	simm.s32 $0x0;
	[smem:$0x7FF] =	sst s4;
	s6 =	smul.u32 $0x50000, s2  }
0xa: {  	s25 =	sadd.s32 $0x20200, s0;
	_ =	strace $0x8000004A;
	s8 =	smul.u32 $0x9E000, s2  }
0xb: {  	[dreg:$0x4] =	wrdreg s25;
	s2 =	ssub.s32 $0x2, s2;
	s25 =	simm.s32 $0x19E00  }
0xc: {  	s26 =	sshrl.u32 s2, $0x1;
	s6 =	sadd.s32 s5, s6;
	s5 =	sshrl.u32 s5, $0x3  }
0xd: {  	s8 =	sadd.s32 s7, s8;
	s2 =	ssub.s32 s2, s26;
	s26 =	simm.s32 $0x1  }
0xe: {  	s6 =	sshrl.u32 s6, $0x3;
	s12 =	sadd.s32 s5, s0;
	s8 =	sshrl.u32 s8, $0x3  }
0xf: {  	s14 =	smax.u32 s2, $0x1;
	s2 =	simm.s32 $0x4;
	s11 =	sadd.s32 s6, s0  }
0x10: {  	s6 =	sshrl.u32 s24, $0x2;
	s0 =	sadd.s32 s8, s0;
	s12 =	sadd.s32 $0x2200, s12  }
0x11: {  	s10 =	sadd.s32 s6, s3;
	s6 =	sadd.s32 s7, s3;
	s11 =	sadd.s32 $0xC200, s11  }
0x12: {  	s13 =	sadd.s32 $0x20600, s0;
	s0 =	simm.s32 $0x5;
	s7 =	sadd.s32 $0x2000, s10  }
0x13: {  	s8 =	sadd.s32 $0x4000, s10;
	s9 =	sadd.s32 $0x6000, s10;
	s10 =	sadd.s32 $0x8000, s10  }
.LBB2_1:
0x14: {  	s5 =	rddreg [dreg:$0x4]  }
0x15: {  	[tilespmem:s15], [sflag:$0x7] =	stream.linear.gather [hbm4b:s5+s4], $0x2000, $0x38;
	[tilespmem:$0x1FE00] =	vst v63  }
0x16: {  	_ =	swait.ge [sflag:s16], $0x2000  }
0x17: {  	[sflag:s16] =	ssyncset.done $0x0  }
0x18: {  	[sflag:s16] =	ssyncadd.s32 $0xFFFFE000  }
0x19: {  	[spmem:s6] =	stream.linear.scatter [tilespmem:s15], [sflag:$0x7], $0x2000, $0x38;
	[tilespmem:$0x1FE00] =	vst v63  }
0x1a: {  	_ =	swait.ge [sflag:s16], $0x2000  }
0x1b: {  	[sflag:s16] =	ssyncset.done $0x0  }
0x1c: {  	[sflag:s16] =	ssyncadd.s32 $0xFFFFE000  }
0x1d: {  	[spmem:s7] =	stream.linear.scatter [tilespmem:s15], [sflag:$0x7], $0x2000, $0x38;
	[tilespmem:$0x1FE00] =	vst v63  }
0x1e: {  	_ =	swait.ge [sflag:s16], $0x2000  }
0x1f: {  	[sflag:s16] =	ssyncset.done $0x0  }
0x20: {  	[sflag:s16] =	ssyncadd.s32 $0xFFFFE000  }
0x21: {  	[spmem:s8] =	stream.linear.scatter [tilespmem:s15], [sflag:$0x7], $0x2000, $0x38;
	[tilespmem:$0x1FE00] =	vst v63  }
0x22: {  	_ =	swait.ge [sflag:s16], $0x2000  }
0x23: {  	[sflag:s16] =	ssyncset.done $0x0  }
0x24: {  	[sflag:s16] =	ssyncadd.s32 $0xFFFFE000  }
0x25: {  	[spmem:s9] =	stream.linear.scatter [tilespmem:s15], [sflag:$0x7], $0x2000, $0x38;
	[tilespmem:$0x1FE00] =	vst v63  }
0x26: {  	_ =	swait.ge [sflag:s16], $0x2000  }
0x27: {  	[sflag:s16] =	ssyncset.done $0x0  }
0x28: {  	[sflag:s16] =	ssyncadd.s32 $0xFFFFE000  }
0x29: {  	[spmem:s10] =	stream.linear.scatter [tilespmem:s15], [sflag:$0x7], $0x1E00, $0x38;
	[tilespmem:$0x1FE00] =	vst v63  }
0x2a: {  	_ =	swait.ge [sflag:s16], $0x1E00  }
0x2b: {  	[sflag:s16] =	ssyncset.done $0x0  }
0x2c: {  	[sflag:s16] =	ssyncadd.s32 $0xFFFFE200  }
0x2d: {  	[tilespmem:s17], [sflag:$0x7] =	stream.linear.gather [hbm4b:s11+s4], $0x5000, $0x38;
	[tilespmem:$0x1FE00] =	vst v63  }
0x2e: {  	_ =	swait.ge [sflag:s16], $0x5000  }
0x2f: {  	[sflag:s16] =	ssyncset.done $0x0  }
0x30: {  	s20 =	simm.s32 $0xEE00;
	[sflag:s16] =	ssyncadd.s32 $0xFFFFB000  }
0x31: {  	[tilespmem:s20], [sflag:$0x7] =	stream.linear.gather [hbm4b:s12+s4], $0x5000, $0x38;
	[tilespmem:$0x1FE00] =	vst v63  }
0x32: {  	_ =	swait.ge [sflag:s16], $0x5000  }
0x33: {  	[sflag:s16] =	ssyncset.done $0x0  }
0x34: {  	[sflag:s16] =	ssyncadd.s32 $0xFFFFB000  }
0x35: {  	[bflag:$0x0] =	sbarrier.arrive $0xFFFF  }
0x36: {  	[tilespmem:s15], [sflag:$0x1] =	stream.indirect.gather [hbm4b:s1+s19], $0x40, s17, s19, $0xb8;
	[tilespmem:$0x1FE00] =	vst v63  }
0x37: {  	s24 =	simm.s32 $0x9E80  }
0x38: {  	[tilespmem:s21], [sflag:$0x2] =	stream.indirect.gather [hbm4b:s1+s19], $0x40, s24, s19, $0xb8;
	[tilespmem:$0x1FE00] =	vst v63  }
0x39: {  	s20 =	simm.s32 $0x9F00  }
0x3a: {  	[tilespmem:s23], [sflag:$0x3] =	stream.indirect.gather [hbm4b:s1+s19], $0x40, s20, s19, $0xb8;
	[tilespmem:$0x1FE00] =	vst v63  }
0x3b: {  	s24 =	simm.s32 $0x9F80  }
0x3c: {  	[tilespmem:s25], [sflag:$0x4] =	stream.indirect.gather [hbm4b:s1+s19], $0x40, s24, s19, $0xb8;
	[tilespmem:$0x1FE00] =	vst v63  }
0x3d: {  	_ =	swait.ge [sflag:s26], $0x2000  }
0x3e: {  	[sflag:s26] =	ssyncset.done $0x0  }
0x3f: {  	s20 =	simm.s32 $0xEE00;
	[sflag:s26] =	ssyncadd.s32 $0xFFFFE000  }
0x40: {  	[spmem:s3] =	stream.indirect.scatter.add.f32 [tilespmem:s15], [sflag:$0x7], $0x40, s20, s19, $0xb8;
	[tilespmem:$0x1FE00] =	vst v63  }
0x41: {  	_ =	swait.ge [sflag:s16], $0x2000  }
0x42: {  	[sflag:s16] =	ssyncset.done $0x0  }
0x43: {  	s5 =	simm.s32 $0xA000;
	[sflag:s16] =	ssyncadd.s32 $0xFFFFE000  }
0x44: {  	[tilespmem:s28], [sflag:$0x5] =	stream.indirect.gather [hbm4b:s1+s19], $0x40, s5, s19, $0xb8;
	[tilespmem:$0x1FE00] =	vst v63  }
0x45: {  	_ =	swait.ge [sflag:s29], $0x2000  }
0x46: {  	[sflag:s29] =	ssyncset.done $0x0  }
0x47: {  	s24 =	simm.s32 $0xEE80;
	[sflag:s29] =	ssyncadd.s32 $0xFFFFE000  }
0x48: {  	[spmem:s3] =	stream.indirect.scatter.add.f32 [tilespmem:s21], [sflag:$0x7], $0x40, s24, s19, $0xb8;
	[tilespmem:$0x1FE00] =	vst v63  }
0x49: {  	_ =	swait.ge [sflag:s16], $0x2000  }
0x4a: {  	[sflag:s16] =	ssyncset.done $0x0  }
0x4b: {  	s5 =	simm.s32 $0xA080;
	[sflag:s16] =	ssyncadd.s32 $0xFFFFE000  }
0x4c: {  	[tilespmem:s30], [sflag:$0x6] =	stream.indirect.gather [hbm4b:s1+s19], $0x40, s5, s19, $0xb8;
	[tilespmem:$0x1FE00] =	vst v63  }
0x4d: {  	_ =	swait.ge [sflag:s31], $0x2000  }
0x4e: {  	[sflag:s31] =	ssyncset.done $0x0  }
0x4f: {  	s24 =	simm.s32 $0xEF00;
	[sflag:s31] =	ssyncadd.s32 $0xFFFFE000  }
0x50: {  	[spmem:s3] =	stream.indirect.scatter.add.f32 [tilespmem:s23], [sflag:$0x7], $0x40, s24, s19, $0xb8;
	[tilespmem:$0x1FE00] =	vst v63  }
0x51: {  	_ =	swait.ge [sflag:s16], $0x2000  }
0x52: {  	[sflag:s16] =	ssyncset.done $0x0  }
0x53: {  	s5 =	simm.s32 $0xA100;
	[sflag:s16] =	ssyncadd.s32 $0xFFFFE000  }
0x54: {  	[tilespmem:s15], [sflag:$0x1] =	stream.indirect.gather [hbm4b:s1+s19], $0x40, s5, s19, $0xb8;
	[tilespmem:$0x1FE00] =	vst v63  }
0x55: {  	_ =	swait.ge [sflag:s2], $0x2000  }
0x56: {  	[sflag:s2] =	ssyncset.done $0x0  }
0x57: {  	s24 =	simm.s32 $0xEF80;
	[sflag:s2] =	ssyncadd.s32 $0xFFFFE000  }
0x58: {  	[spmem:s3] =	stream.indirect.scatter.add.f32 [tilespmem:s25], [sflag:$0x7], $0x40, s24, s19, $0xb8;
	[tilespmem:$0x1FE00] =	vst v63  }
0x59: {  	_ =	swait.ge [sflag:s16], $0x2000  }
0x5a: {  	[sflag:s16] =	ssyncset.done $0x0  }
0x5b: {  	s5 =	simm.s32 $0xA180;
	[sflag:s16] =	ssyncadd.s32 $0xFFFFE000  }
0x5c: {  	[tilespmem:s21], [sflag:$0x2] =	stream.indirect.gather [hbm4b:s1+s19], $0x40, s5, s19, $0xb8;
	[tilespmem:$0x1FE00] =	vst v63  }
0x5d: {  	_ =	swait.ge [sflag:s0], $0x2000  }
0x5e: {  	[sflag:s0] =	ssyncset.done $0x0  }
0x5f: {  	s24 =	simm.s32 $0xF000;
	[sflag:s0] =	ssyncadd.s32 $0xFFFFE000  }
0x60: {  	[spmem:s3] =	stream.indirect.scatter.add.f32 [tilespmem:s28], [sflag:$0x7], $0x40, s24, s19, $0xb8;
	[tilespmem:$0x1FE00] =	vst v63  }
0x61: {  	_ =	swait.ge [sflag:s16], $0x2000  }
0x62: {  	[sflag:s16] =	ssyncset.done $0x0  }
0x63: {  	s5 =	simm.s32 $0xA200;
	[sflag:s16] =	ssyncadd.s32 $0xFFFFE000  }
0x64: {  	[tilespmem:s23], [sflag:$0x3] =	stream.indirect.gather [hbm4b:s1+s19], $0x40, s5, s19, $0xb8;
	[tilespmem:$0x1FE00] =	vst v63  }
0x65: {  	_ =	swait.ge [sflag:s18], $0x2000  }
0x66: {  	[sflag:s18] =	ssyncset.done $0x0  }
0x67: {  	s24 =	simm.s32 $0xF080;
	[sflag:s18] =	ssyncadd.s32 $0xFFFFE000  }
0x68: {  	[spmem:s3] =	stream.indirect.scatter.add.f32 [tilespmem:s30], [sflag:$0x7], $0x40, s24, s19, $0xb8;
	[tilespmem:$0x1FE00] =	vst v63  }
0x69: {  	_ =	swait.ge [sflag:s16], $0x2000  }
0x6a: {  	[sflag:s16] =	ssyncset.done $0x0  }
0x6b: {  	s20 =	simm.s32 $0xA280;
	s24 =	simm.s32 $0xC00;
	[sflag:s16] =	ssyncadd.s32 $0xFFFFE000  }
.LBB2_2:
0x6c: {  	[tilespmem:s25], [sflag:$0x4] =	stream.indirect.gather [hbm4b:s1+s19], $0x40, s20, s19, $0xb8;
	[tilespmem:$0x1FE00] =	vst v63  }
0x6d: {  	s20 =	smov.u32 s24  }
0x6e: {  	p0 =	sne.s32 s24, $0x12C00;
	s24 =	sadd.s32 $0xC00, s24;
	_ =	swait.ge [sflag:s26], $0x2000  }
0x6f: {  	s20 =	sshra.s32 s20, $0x2;
	[sflag:s26] =	ssyncset.done $0x0  }
0x70: {  	s5 =	sadd.s32 $0xEE00, s20;
	[sflag:s26] =	ssyncadd.s32 $0xFFFFE000  }
0x71: {  	[spmem:s3] =	stream.indirect.scatter.add.f32 [tilespmem:s15], [sflag:$0x7], $0x40, s5, s19, $0xb8;
	[tilespmem:$0x1FE00] =	vst v63  }
0x72: {  	_ =	swait.ge [sflag:s16], $0x2000  }
0x73: {  	[sflag:s16] =	ssyncset.done $0x0  }
0x74: {  	s5 =	sadd.s32 $0xA000, s20;
	[sflag:s16] =	ssyncadd.s32 $0xFFFFE000  }
0x75: {  	[tilespmem:s28], [sflag:$0x5] =	stream.indirect.gather [hbm4b:s1+s19], $0x40, s5, s19, $0xb8;
	[tilespmem:$0x1FE00] =	vst v63  }
0x76: {  	_ =	swait.ge [sflag:s29], $0x2000  }
0x77: {  	[sflag:s29] =	ssyncset.done $0x0  }
0x78: {  	s5 =	sadd.s32 $0xEE80, s20;
	[sflag:s29] =	ssyncadd.s32 $0xFFFFE000  }
0x79: {  	[spmem:s3] =	stream.indirect.scatter.add.f32 [tilespmem:s21], [sflag:$0x7], $0x40, s5, s19, $0xb8;
	[tilespmem:$0x1FE00] =	vst v63  }
0x7a: {  	_ =	swait.ge [sflag:s16], $0x2000  }
0x7b: {  	[sflag:s16] =	ssyncset.done $0x0  }
0x7c: {  	s5 =	sadd.s32 $0xA080, s20;
	[sflag:s16] =	ssyncadd.s32 $0xFFFFE000  }
0x7d: {  	[tilespmem:s30], [sflag:$0x6] =	stream.indirect.gather [hbm4b:s1+s19], $0x40, s5, s19, $0xb8;
	[tilespmem:$0x1FE00] =	vst v63  }
0x7e: {  	_ =	swait.ge [sflag:s31], $0x2000  }
0x7f: {  	[sflag:s31] =	ssyncset.done $0x0  }
0x80: {  	s5 =	sadd.s32 $0xEF00, s20;
	[sflag:s31] =	ssyncadd.s32 $0xFFFFE000  }
0x81: {  	[spmem:s3] =	stream.indirect.scatter.add.f32 [tilespmem:s23], [sflag:$0x7], $0x40, s5, s19, $0xb8;
	[tilespmem:$0x1FE00] =	vst v63  }
0x82: {  	_ =	swait.ge [sflag:s16], $0x2000  }
0x83: {  	[sflag:s16] =	ssyncset.done $0x0  }
0x84: {  	s5 =	sadd.s32 $0xA100, s20;
	[sflag:s16] =	ssyncadd.s32 $0xFFFFE000  }
0x85: {  	[tilespmem:s15], [sflag:$0x1] =	stream.indirect.gather [hbm4b:s1+s19], $0x40, s5, s19, $0xb8;
	[tilespmem:$0x1FE00] =	vst v63  }
0x86: {  	_ =	swait.ge [sflag:s2], $0x2000  }
0x87: {  	[sflag:s2] =	ssyncset.done $0x0  }
0x88: {  	s5 =	sadd.s32 $0xEF80, s20;
	[sflag:s2] =	ssyncadd.s32 $0xFFFFE000  }
0x89: {  	[spmem:s3] =	stream.indirect.scatter.add.f32 [tilespmem:s25], [sflag:$0x7], $0x40, s5, s19, $0xb8;
	[tilespmem:$0x1FE00] =	vst v63  }
0x8a: {  	_ =	swait.ge [sflag:s16], $0x2000  }
0x8b: {  	[sflag:s16] =	ssyncset.done $0x0  }
0x8c: {  	s5 =	sadd.s32 $0xA180, s20;
	[sflag:s16] =	ssyncadd.s32 $0xFFFFE000  }
0x8d: {  	[tilespmem:s21], [sflag:$0x2] =	stream.indirect.gather [hbm4b:s1+s19], $0x40, s5, s19, $0xb8;
	[tilespmem:$0x1FE00] =	vst v63  }
0x8e: {  	_ =	swait.ge [sflag:s0], $0x2000  }
0x8f: {  	[sflag:s0] =	ssyncset.done $0x0  }
0x90: {  	s5 =	sadd.s32 $0xF000, s20;
	[sflag:s0] =	ssyncadd.s32 $0xFFFFE000  }
0x91: {  	[spmem:s3] =	stream.indirect.scatter.add.f32 [tilespmem:s28], [sflag:$0x7], $0x40, s5, s19, $0xb8;
	[tilespmem:$0x1FE00] =	vst v63  }
0x92: {  	_ =	swait.ge [sflag:s16], $0x2000  }
0x93: {  	[sflag:s16] =	ssyncset.done $0x0  }
0x94: {  	s5 =	sadd.s32 $0xA200, s20;
	[sflag:s16] =	ssyncadd.s32 $0xFFFFE000  }
0x95: {  	[tilespmem:s23], [sflag:$0x3] =	stream.indirect.gather [hbm4b:s1+s19], $0x40, s5, s19, $0xb8;
	[tilespmem:$0x1FE00] =	vst v63  }
0x96: {  	_ =	swait.ge [sflag:s18], $0x2000  }
0x97: {  	[sflag:s18] =	ssyncset.done $0x0  }
.Ltmp0:
0x98: {  	s5 =	sadd.s32 $0xF080, s20;
	[sflag:s18] =	ssyncadd.s32 $0xFFFFE000;
	(pc) =	sbr.rel @p0 .LBB2_2-.Ltmp0, $4  }
0x99: {  	[spmem:s3] =	stream.indirect.scatter.add.f32 [tilespmem:s30], [sflag:$0x7], $0x40, s5, s19, $0xb8;
	[tilespmem:$0x1FE00] =	vst v63  }
0x9a: {  	_ =	swait.ge [sflag:s16], $0x2000  }
0x9b: {  	[sflag:s16] =	ssyncset.done $0x0  }
0x9c: {  	s20 =	sadd.s32 $0xA280, s20;
	[sflag:s16] =	ssyncadd.s32 $0xFFFFE000  }
0x9d: {  	[tilespmem:s25], [sflag:$0x4] =	stream.indirect.gather [hbm4b:s1+s19], $0x40, s20, s19, $0xb8;
	[tilespmem:$0x1FE00] =	vst v63  }
0x9e: {  	_ =	swait.ge [sflag:s26], $0x2000  }
0x9f: {  	[sflag:s26] =	ssyncset.done $0x0  }
0xa0: {  	s5 =	simm.s32 $0x13C00;
	[sflag:s26] =	ssyncadd.s32 $0xFFFFE000  }
0xa1: {  	[spmem:s3] =	stream.indirect.scatter.add.f32 [tilespmem:s15], [sflag:$0x7], $0x40, s5, s19, $0xb8;
	[tilespmem:$0x1FE00] =	vst v63  }
0xa2: {  	_ =	swait.ge [sflag:s16], $0x2000  }
0xa3: {  	[sflag:s16] =	ssyncset.done $0x0  }
0xa4: {  	[sflag:s16] =	ssyncadd.s32 $0xFFFFE000  }
0xa5: {  	_ =	swait.ge [sflag:s29], $0x2000  }
0xa6: {  	[sflag:s29] =	ssyncset.done $0x0  }
0xa7: {  	s24 =	simm.s32 $0x13C80;
	[sflag:s29] =	ssyncadd.s32 $0xFFFFE000  }
0xa8: {  	[spmem:s3] =	stream.indirect.scatter.add.f32 [tilespmem:s21], [sflag:$0x7], $0x40, s24, s19, $0xb8;
	[tilespmem:$0x1FE00] =	vst v63  }
0xa9: {  	_ =	swait.ge [sflag:s16], $0x2000  }
0xaa: {  	[sflag:s16] =	ssyncset.done $0x0  }
0xab: {  	[sflag:s16] =	ssyncadd.s32 $0xFFFFE000  }
0xac: {  	_ =	swait.ge [sflag:s31], $0x2000  }
0xad: {  	[sflag:s31] =	ssyncset.done $0x0  }
0xae: {  	s20 =	simm.s32 $0x13D00;
	[sflag:s31] =	ssyncadd.s32 $0xFFFFE000  }
0xaf: {  	[spmem:s3] =	stream.indirect.scatter.add.f32 [tilespmem:s23], [sflag:$0x7], $0x40, s20, s19, $0xb8;
	[tilespmem:$0x1FE00] =	vst v63  }
0xb0: {  	_ =	swait.ge [sflag:s16], $0x2000  }
0xb1: {  	[sflag:s16] =	ssyncset.done $0x0  }
0xb2: {  	[sflag:s16] =	ssyncadd.s32 $0xFFFFE000  }
0xb3: {  	_ =	swait.ge [sflag:s2], $0x2000  }
0xb4: {  	[sflag:s2] =	ssyncset.done $0x0  }
0xb5: {  	s24 =	simm.s32 $0x13D80;
	[sflag:s2] =	ssyncadd.s32 $0xFFFFE000  }
0xb6: {  	[spmem:s3] =	stream.indirect.scatter.add.f32 [tilespmem:s25], [sflag:$0x7], $0x40, s24, s19, $0xb8;
	[tilespmem:$0x1FE00] =	vst v63  }
0xb7: {  	_ =	swait.ge [sflag:s16], $0x2000  }
0xb8: {  	[sflag:s16] =	ssyncset.done $0x0  }
0xb9: {  	[sflag:s16] =	ssyncadd.s32 $0xFFFFE000  }
0xba: {  	[bflag:$0x0] =	sbarrier.arrive $0xFFFF  }
0xbb: {  	[tilespmem:s15], [sflag:$0x7] =	stream.linear.gather [spmem:s6], $0x9E00, $0x38;
	[tilespmem:$0x1FE00] =	vst v63  }
0xbc: {  	s22 =	sadd.s32 $0x1, s22;
	_ =	swait.ge [sflag:s16], $0x9E00  }
0xbd: {  	p0 =	sne.s32 s22, s14;
	[sflag:s16] =	ssyncset.done $0x0  }
.Ltmp1:
0xbe: {  	[sflag:s16] =	ssyncadd.s32 $0xFFFF6200;
	(pc) =	sbr.rel @p0 .LBB2_1-.Ltmp1, $4  }
0xbf: {  	[hbm4b:s13+s4] =	stream.linear.scatter [tilespmem:s15], [sflag:$0x7], $0x9E00, $0x38;
	[tilespmem:$0x1FE00] =	vst v63  }
0xc0: {  	_ =	swait.ge [sflag:s16], $0x9E00  }
0xc1: {  	[sflag:s16] =	ssyncset.done $0x0  }
0xc2: {  	[sflag:s16] =	ssyncadd.s32 $0xFFFF6200  }
0xc3: {  	_ =	sfence.sel $0x180000  }
0xc4: {  	[bflag:$0x0] =	sbarrier.arrive $0xFFFF  }
0xc5: {  	_ =	strace $0x9000004A  }
0xc6: {  	s0 =	stileid.u32;
	[bflag:$0x2] =	sbarrier.arrive $0xFFFF  }
0xc7: {  	p0 =	sne.s32 s0, $0x0;
	s0 =	rddreg [dreg:$0x3]  }
0xc8: {  	s0 =	sadd.s32 @!p0 $0x100000, s0  }
0xc9: {  	[sflag:s0] =	ssyncadd.tile.s32 @!p0 $0x1;
	_ =	shalt  }
.Lfunc_end2:
_tile_overlayer_lowered:
.L_overlay_start_2:
0xca: {  	(tag) =	ssettag $0x2  }
0xcb: {  	s0 =	rddreg [dreg:$0x0];
	s2 =	stileid.u32  }
0xcc: {  	s1 =	rddreg [dreg:$0x1];
	p0 =	sne.s32 s2, $0x0  }
0xcd: {  	s3 =	rddreg [dreg:$0x2];
	[bflag:$0x3] =	sbarrier.arrive $0xFFFF;
	s2 =	simm.s32 @!p0 $0x1C07  }
0xce: {  	[timem:s3], [sflag:s2] =	dma.local @!p0 [hbm:s0], s1  }
0xcf: {  	s0 =	simm.s32 @!p0 $0x7  }
0xd0: {  	_ =	swait.ge @!p0 [sflag:s0], s1  }
0xd1: {  	s1 =	ssub.s32 @!p0 $0x0, s1;
	[sflag:s0] =	ssyncset.done @!p0 $0x0  }
0xd2: {  	[sflag:s0] =	ssyncadd.s32 @!p0 s1  }
0xd3: {  	[bflag:$0x3] =	sbarrier.arrive $0xFFFF  }
0xd4: {  	_ =	shalt  }

</sc_bundles>
